<compile_context>
chip_gen: v7x
topology: tpu7x:2x2x1
jax: 0.10.2.dev20260603
libtpu: 0.0.44.dev20260713+nightly
codegen_flags: <defaults>
</compile_context>

<pallas_src>
import functools

import jax
import jax.numpy as jnp
from jax import lax
from jax.experimental import pallas as pl
from jax.experimental.pallas import tpu as pltpu
from jax.experimental.pallas import tpu_sc as plsc

N = 10000
DH = 128
E = 320000

NSUB = 16
NCORE = 2
K = 80
E_PER_TILE = 20480
E_PAD = NSUB * E_PER_TILE
CHUNKS = E_PER_TILE // K
N_PAD = 10240
ZROWS = N_PAD // NSUB

BLK = 1000


def _pre_body(h_ref, fd_ref, fs_ref, wr_ref, ur_ref, br_ref, wz_ref, bz_ref,
              w_ref, b_ref, tbl_ref, a_ref, aw_ref):
    h = h_ref[...]
    r = jax.nn.sigmoid(
        jnp.dot(fd_ref[...], wr_ref[...], preferred_element_type=jnp.float32)
        + jnp.dot(h, ur_ref[...], preferred_element_type=jnp.float32)
        + br_ref[...])
    tbl_ref[0] = h
    tbl_ref[1] = r * h
    a_ref[...] = jnp.dot(fs_ref[...], wz_ref[...],
                         preferred_element_type=jnp.float32) + bz_ref[...]
    aw_ref[...] = jnp.dot(fs_ref[...], w_ref[...],
                          preferred_element_type=jnp.float32) + b_ref[...]


def _post_body(s_ref, t_ref, a_ref, aw_ref, uz_ref, u_ref, out_ref):
    s = s_ref[0]
    t = t_ref[0]
    z = jax.nn.sigmoid(
        a_ref[...] + jnp.dot(s, uz_ref[...], preferred_element_type=jnp.float32))
    ht = jnp.tanh(
        aw_ref[...] + jnp.dot(t, u_ref[...], preferred_element_type=jnp.float32))
    out_ref[...] = (1.0 - z) * s + z * ht


_row_spec = pl.BlockSpec((BLK, DH), lambda i: (i, 0))
_w_spec = pl.BlockSpec((DH, DH), lambda i: (0, 0))
_b_spec = pl.BlockSpec((1, DH), lambda i: (0, 0))


def _pre_call(h, f_dst, f_src, wr, ur, br, wz, bz, w, b):
    return pl.pallas_call(
        _pre_body,
        grid=(N // BLK,),
        in_specs=[_row_spec, _row_spec, _row_spec, _w_spec, _w_spec, _b_spec,
                  _w_spec, _b_spec, _w_spec, _b_spec],
        out_specs=[pl.BlockSpec((2, BLK, DH), lambda i: (0, i, 0)),
                   _row_spec, _row_spec],
        out_shape=[jax.ShapeDtypeStruct((2, N, DH), jnp.float32),
                   jax.ShapeDtypeStruct((N, DH), jnp.float32),
                   jax.ShapeDtypeStruct((N, DH), jnp.float32)],
    )(h, f_dst, f_src, wr, ur, br, wz, bz, w, b)


def _post_call(seg, a, aw, uz, u):
    return pl.pallas_call(
        _post_body,
        grid=(N // BLK,),
        in_specs=[pl.BlockSpec((1, BLK, DH), lambda i: (0, i, 0)),
                  pl.BlockSpec((1, BLK, DH), lambda i: (1, i, 0)),
                  _row_spec, _row_spec, _w_spec, _w_spec],
        out_specs=_row_spec,
        out_shape=jax.ShapeDtypeStruct((N, DH), jnp.float32),
    )(seg, seg, a, aw, uz, u)


@functools.partial(
    pl.kernel,
    out_type=jax.ShapeDtypeStruct((NCORE, N_PAD, DH), jnp.float32),
    mesh=plsc.VectorSubcoreMesh(core_axis_name="c", subcore_axis_name="s"),
    scratch_types=[
        pltpu.VMEM((4, 2, K), jnp.int32),
        pltpu.VMEM((4, K, DH), jnp.float32),
        pltpu.VMEM_SHARED((N_PAD, DH), jnp.float32),
        pltpu.SemaphoreType.DMA,
        pltpu.SemaphoreType.DMA,
        pltpu.SemaphoreType.DMA,
        pltpu.SemaphoreType.DMA,
        pltpu.SemaphoreType.DMA,
        pltpu.SemaphoreType.DMA,
        pltpu.SemaphoreType.DMA,
        pltpu.SemaphoreType.DMA,
        pltpu.SemaphoreType.DMA,
        pltpu.SemaphoreType.DMA,
        pltpu.SemaphoreType.DMA,
        pltpu.SemaphoreType.DMA,
    ],
)
def _segsum_sc(tbl_hbm, ecomb_hbm, out_hbm, ibuf, rows, accum, *sems):
    semA = sems[0:4]
    semG = sems[4:8]
    semS = sems[8:12]
    c = lax.axis_index("c")
    sid = lax.axis_index("s")

    zero16 = jnp.zeros((16,), jnp.float32)

    def zrow(r, carry):
        for kk in range(DH // 16):
            rows[0, r, pl.ds(kk * 16, 16)] = zero16
        return carry

    lax.fori_loop(0, K, zrow, 0)
    zbase = sid * ZROWS
    for j in range(ZROWS // K):
        pltpu.sync_copy(rows.at[0], accum.at[pl.ds(zbase + j * K, K)])
    plsc.subcore_barrier()

    cbase = sid * CHUNKS

    def idxload(i, q):
        pltpu.async_copy(ecomb_hbm.at[c, cbase + i], ibuf.at[q], semA[q])

    def idxwait(i, q):
        pltpu.make_async_copy(ecomb_hbm.at[c, cbase + i], ibuf.at[q],
                              semA[q]).wait()

    def gather(i, q):
        pltpu.async_copy(tbl_hbm.at[ibuf.at[q, 0]], rows.at[q], semG[q])

    def gatherwait(q):
        pltpu.make_async_copy(tbl_hbm.at[ibuf.at[q, 0]], rows.at[q],
                              semG[q]).wait()

    def scatterstart(q):
        pltpu.async_copy(rows.at[q], accum.at[ibuf.at[q, 1]], semS[q],
                         add=True)

    def scatterwait(q):
        pltpu.make_async_copy(rows.at[q], accum.at[ibuf.at[q, 1]],
                              semS[q]).wait()

    def body(i, q):
        q2 = (q + 2) % 4
        scatterwait(q2)
        idxload(i + 2, q2)
        gatherwait(q)
        scatterstart(q)
        idxwait(i + 2, q2)
        gather(i + 2, q2)

    for q in range(4):
        idxload(q, q)
    idxwait(0, 0)
    gather(0, 0)
    idxwait(1, 1)
    gather(1, 1)
    gatherwait(0)
    scatterstart(0)
    idxwait(2, 2)
    gather(2, 2)
    gatherwait(1)
    scatterstart(1)
    idxwait(3, 3)
    gather(3, 3)

    def pipe(g, carry):
        i = g * 4 + 2
        body(i, 2)
        body(i + 1, 3)
        body(i + 2, 0)
        body(i + 3, 1)
        return carry

    lax.fori_loop(0, (CHUNKS - 4) // 4, pipe, 0)
    scatterwait(0)
    gatherwait(2)
    scatterstart(2)
    scatterwait(1)
    gatherwait(3)
    scatterstart(3)
    scatterwait(2)
    scatterwait(3)
    plsc.subcore_barrier()

    for j in range(ZROWS // K):
        pltpu.sync_copy(accum.at[pl.ds(zbase + j * K, K)], rows.at[0])
        pltpu.sync_copy(rows.at[0], out_hbm.at[c, pl.ds(zbase + j * K, K)])


def kernel(h, f_src, f_dst, edge_index, wz, uz, bz, wr, ur, br, w, u, b):
    src = edge_index[0]
    dst = edge_index[1]
    pad = E_PAD - E
    src_p = jnp.concatenate([src, jnp.zeros((pad,), jnp.int32)])
    dst_p = jnp.concatenate([dst, jnp.full((pad,), N, jnp.int32)])
    plane0 = jnp.stack([src_p.reshape(-1, K), dst_p.reshape(-1, K)], axis=1)
    off = jnp.array([N, 0], jnp.int32).reshape(1, 2, 1)
    ecomb = jnp.stack([plane0, plane0 + off])
    tbl, a, aw = _pre_call(h, f_dst, f_src, wr, ur, br, wz, bz, w, b)
    seg = _segsum_sc(tbl.reshape(2 * N, DH), ecomb)
    return _post_call(seg, a, aw, uz, u)

# --- scband reference (transcript-rebuilt; emitter-appended) ---
"""Pipeline reference for scband-tree-gru-30382598652169 (READ-ONLY COPY).

The authoritative reference and input builder live on the scoring server;
editing this copy changes nothing except your own understanding.
"""

import jax, jax.numpy as jnp
import numpy as np

N = 10000
E = 320000
DF = 128
DH = 128


def setup_inputs(seed: int = 0) -> dict:
    key = jax.random.key(seed)
    ks = jax.random.split(key, 16)
    h = jax.random.normal(ks[0], (N, DH), dtype=jnp.float32)
    f_src = jax.random.normal(ks[1], (N, DF), dtype=jnp.float32)
    f_dst = jax.random.normal(ks[2], (N, DF), dtype=jnp.float32)
    edge_index = jax.random.randint(ks[3], (2, E), 0, N, dtype=jnp.int32)
    # learned parameters, matching torch init: 0.001 * rand for weights, zeros for biases
    wz = 0.001 * jax.random.uniform(ks[4], (DF, DH), dtype=jnp.float32)
    uz = 0.001 * jax.random.uniform(ks[5], (DH, DH), dtype=jnp.float32)
    bz = jnp.zeros((1, DH), dtype=jnp.float32)
    wr = 0.001 * jax.random.uniform(ks[6], (DF, DH), dtype=jnp.float32)
    ur = 0.001 * jax.random.uniform(ks[7], (DH, DH), dtype=jnp.float32)
    br = jnp.zeros((1, DH), dtype=jnp.float32)
    w = 0.001 * jax.random.uniform(ks[8], (DF, DH), dtype=jnp.float32)
    u = 0.001 * jax.random.uniform(ks[9], (DH, DH), dtype=jnp.float32)
    b = jnp.zeros((1, DH), dtype=jnp.float32)
    return {
        "h": h, "f_src": f_src, "f_dst": f_dst, "edge_index": edge_index,
        "wz": wz, "uz": uz, "bz": bz,
        "wr": wr, "ur": ur, "br": br,
        "w": w, "u": u, "b": b,
    }


def reference(h, f_src, f_dst, edge_index, wz, uz, bz, wr, ur, br, w, u, b):
    # Line-graph node update of TreeGRU (full-graph update_all path).
    src = edge_index[0]
    dst = edge_index[1]
    n = h.shape[0]
    # Phase 1: s_i = sum_{k in N_in(i)} h_k ; z = sigmoid(f_src @ Wz + s @ Uz + bz)
    s = jax.ops.segment_sum(jnp.take(h, src, axis=0), dst, num_segments=n)
    z = jax.nn.sigmoid(f_src @ wz + s @ uz + bz)
    # Phase 2: per-edge reset gate using source node data, then scatter-add
    f_dst_src = jnp.take(f_dst, src, axis=0)
    h_src = jnp.take(h, src, axis=0)
    r = jax.nn.sigmoid(f_dst_src @ wr + h_src @ ur + br)
    sum_r_times_h = jax.ops.segment_sum(r * h_src, dst, num_segments=n)
    h_tilde = jnp.tanh(f_src @ w + sum_r_times_h @ u + b)
    # Phase 3: gated combination
    h_new = (1.0 - z) * s + z * h_tilde
    return h_new

if __name__ == "__main__":
    import jax
    _d = setup_inputs()
    print(jax.jit(kernel)(*tuple(_d.values())))

</pallas_src>

<mosaic_0001>
#map = affine_map<(d0, d1) -> (0, 0)>
#map1 = affine_map<(d0, d1) -> (0, 0, 0, 0)>
#map2 = affine_map<(d0, d1) -> (0, 0, 0)>
module attributes {stable_mosaic.version = 14 : i64} {
  func.func @_segsum_sc(%arg0: i32, %arg1: i32, %arg2: memref<20000x128xf32, #tpu.memory_space<hbm>>, %arg3: memref<2x4096x2x80xi32, #tpu.memory_space<hbm>>, %arg4: memref<2x10240x128xf32, #tpu.memory_space<hbm>>, %arg5: memref<4x2x80xi32, #tpu.memory_space<vmem>>, %arg6: memref<4x80x128xf32, #tpu.memory_space<vmem>>, %arg7: memref<10240x128xf32, #tpu.memory_space<vmem_shared>>, %arg8: memref<!tpu.dma_semaphore, #tpu.memory_space<semaphore_mem>>, %arg9: memref<!tpu.dma_semaphore, #tpu.memory_space<semaphore_mem>>, %arg10: memref<!tpu.dma_semaphore, #tpu.memory_space<semaphore_mem>>, %arg11: memref<!tpu.dma_semaphore, #tpu.memory_space<semaphore_mem>>, %arg12: memref<!tpu.dma_semaphore, #tpu.memory_space<semaphore_mem>>, %arg13: memref<!tpu.dma_semaphore, #tpu.memory_space<semaphore_mem>>, %arg14: memref<!tpu.dma_semaphore, #tpu.memory_space<semaphore_mem>>, %arg15: memref<!tpu.dma_semaphore, #tpu.memory_space<semaphore_mem>>, %arg16: memref<!tpu.dma_semaphore, #tpu.memory_space<semaphore_mem>>, %arg17: memref<!tpu.dma_semaphore, #tpu.memory_space<semaphore_mem>>, %arg18: memref<!tpu.dma_semaphore, #tpu.memory_space<semaphore_mem>>, %arg19: memref<!tpu.dma_semaphore, #tpu.memory_space<semaphore_mem>>) attributes {dimension_semantics = [#tpu.dimension_semantics<core_parallel>, #tpu.dimension_semantics<subcore_parallel>], iteration_bounds = array<i64: 2, 16>, scalar_prefetch = 0 : i64, scratch_operands = 15 : i64, tpu.core_type = #tpu.core_type<sc_vector_subcore>, window_params = [{transform_indices = #map}, {transform_indices = #map1}, {transform_indices = #map2}]} {
    %broadcast_in_dim3A = arith.constant 0.000000e+00 : f32
    %broadcast_in_dim3A_0 = vector.broadcast %broadcast_in_dim3A : f32 to vector<16xf32>
    %scan3A = arith.constant 0 : i32
    %scan3A_1 = arith.constant 0 : i32
    %scan3A_2 = arith.constant 80 : i32
    %scan3A_3 = arith.addi %scan3A_1, %scan3A_2 : i32
    %scan3A_4 = arith.constant 1 : i32
    scf.for %scan3A_444 = %scan3A_1 to %scan3A_3 step %scan3A_4  : i32 {
      %swap3A = arith.constant 0 : i32
      %swap3A_445 = arith.index_cast %swap3A : i32 to index
      %swap3A_446 = arith.index_cast %scan3A_444 : i32 to index
      %swap3A_447 = arith.constant 0 : index
      %swap3A_448 = tpu.vector_load %arg6[%swap3A_445, %swap3A_446, %swap3A_447] {strides = array<i32>} : memref<4x80x128xf32, #tpu.memory_space<vmem>>, vector<1x1x16xf32>,
      %swap3A_449 = vector.shape_cast %swap3A_448 : vector<1x1x16xf32> to vector<16xf32>
      %swap3A_450 = vector.shape_cast %broadcast_in_dim3A_0 : vector<16xf32> to vector<1x1x16xf32>
      tpu.vector_store %arg6[%swap3A_445, %swap3A_446, %swap3A_447], %swap3A_450 {strides = array<i32>} : memref<4x80x128xf32, #tpu.memory_space<vmem>>, vector<1x1x16xf32>,
      %swap3A_451 = arith.constant 0 : i32
      %swap3A_452 = arith.index_cast %swap3A_451 : i32 to index
      %swap3A_453 = arith.index_cast %scan3A_444 : i32 to index
      %swap3A_454 = arith.constant 16 : index
      %swap3A_455 = tpu.vector_load %arg6[%swap3A_452, %swap3A_453, %swap3A_454] {strides = array<i32>} : memref<4x80x128xf32, #tpu.memory_space<vmem>>, vector<1x1x16xf32>,
      %swap3A_456 = vector.shape_cast %swap3A_455 : vector<1x1x16xf32> to vector<16xf32>
      %swap3A_457 = vector.shape_cast %broadcast_in_dim3A_0 : vector<16xf32> to vector<1x1x16xf32>
      tpu.vector_store %arg6[%swap3A_452, %swap3A_453, %swap3A_454], %swap3A_457 {strides = array<i32>} : memref<4x80x128xf32, #tpu.memory_space<vmem>>, vector<1x1x16xf32>,
      %swap3A_458 = arith.constant 0 : i32
      %swap3A_459 = arith.index_cast %swap3A_458 : i32 to index
      %swap3A_460 = arith.index_cast %scan3A_444 : i32 to index
      %swap3A_461 = arith.constant 32 : index
      %swap3A_462 = tpu.vector_load %arg6[%swap3A_459, %swap3A_460, %swap3A_461] {strides = array<i32>} : memref<4x80x128xf32, #tpu.memory_space<vmem>>, vector<1x1x16xf32>,
      %swap3A_463 = vector.shape_cast %swap3A_462 : vector<1x1x16xf32> to vector<16xf32>
      %swap3A_464 = vector.shape_cast %broadcast_in_dim3A_0 : vector<16xf32> to vector<1x1x16xf32>
      tpu.vector_store %arg6[%swap3A_459, %swap3A_460, %swap3A_461], %swap3A_464 {strides = array<i32>} : memref<4x80x128xf32, #tpu.memory_space<vmem>>, vector<1x1x16xf32>,
      %swap3A_465 = arith.constant 0 : i32
      %swap3A_466 = arith.index_cast %swap3A_465 : i32 to index
      %swap3A_467 = arith.index_cast %scan3A_444 : i32 to index
      %swap3A_468 = arith.constant 48 : index
      %swap3A_469 = tpu.vector_load %arg6[%swap3A_466, %swap3A_467, %swap3A_468] {strides = array<i32>} : memref<4x80x128xf32, #tpu.memory_space<vmem>>, vector<1x1x16xf32>,
      %swap3A_470 = vector.shape_cast %swap3A_469 : vector<1x1x16xf32> to vector<16xf32>
      %swap3A_471 = vector.shape_cast %broadcast_in_dim3A_0 : vector<16xf32> to vector<1x1x16xf32>
      tpu.vector_store %arg6[%swap3A_466, %swap3A_467, %swap3A_468], %swap3A_471 {strides = array<i32>} : memref<4x80x128xf32, #tpu.memory_space<vmem>>, vector<1x1x16xf32>,
      %swap3A_472 = arith.constant 0 : i32
      %swap3A_473 = arith.index_cast %swap3A_472 : i32 to index
      %swap3A_474 = arith.index_cast %scan3A_444 : i32 to index
      %swap3A_475 = arith.constant 64 : index
      %swap3A_476 = tpu.vector_load %arg6[%swap3A_473, %swap3A_474, %swap3A_475] {strides = array<i32>} : memref<4x80x128xf32, #tpu.memory_space<vmem>>, vector<1x1x16xf32>,
      %swap3A_477 = vector.shape_cast %swap3A_476 : vector<1x1x16xf32> to vector<16xf32>
      %swap3A_478 = vector.shape_cast %broadcast_in_dim3A_0 : vector<16xf32> to vector<1x1x16xf32>
      tpu.vector_store %arg6[%swap3A_473, %swap3A_474, %swap3A_475], %swap3A_478 {strides = array<i32>} : memref<4x80x128xf32, #tpu.memory_space<vmem>>, vector<1x1x16xf32>,
      %swap3A_479 = arith.constant 0 : i32
      %swap3A_480 = arith.index_cast %swap3A_479 : i32 to index
      %swap3A_481 = arith.index_cast %scan3A_444 : i32 to index
      %swap3A_482 = arith.constant 80 : index
      %swap3A_483 = tpu.vector_load %arg6[%swap3A_480, %swap3A_481, %swap3A_482] {strides = array<i32>} : memref<4x80x128xf32, #tpu.memory_space<vmem>>, vector<1x1x16xf32>,
      %swap3A_484 = vector.shape_cast %swap3A_483 : vector<1x1x16xf32> to vector<16xf32>
      %swap3A_485 = vector.shape_cast %broadcast_in_dim3A_0 : vector<16xf32> to vector<1x1x16xf32>
      tpu.vector_store %arg6[%swap3A_480, %swap3A_481, %swap3A_482], %swap3A_485 {strides = array<i32>} : memref<4x80x128xf32, #tpu.memory_space<vmem>>, vector<1x1x16xf32>,
      %swap3A_486 = arith.constant 0 : i32
      %swap3A_487 = arith.index_cast %swap3A_486 : i32 to index
      %swap3A_488 = arith.index_cast %scan3A_444 : i32 to index
      %swap3A_489 = arith.constant 96 : index
      %swap3A_490 = tpu.vector_load %arg6[%swap3A_487, %swap3A_488, %swap3A_489] {strides = array<i32>} : memref<4x80x128xf32, #tpu.memory_space<vmem>>, vector<1x1x16xf32>,
      %swap3A_491 = vector.shape_cast %swap3A_490 : vector<1x1x16xf32> to vector<16xf32>
      %swap3A_492 = vector.shape_cast %broadcast_in_dim3A_0 : vector<16xf32> to vector<1x1x16xf32>
      tpu.vector_store %arg6[%swap3A_487, %swap3A_488, %swap3A_489], %swap3A_492 {strides = array<i32>} : memref<4x80x128xf32, #tpu.memory_space<vmem>>, vector<1x1x16xf32>,
      %swap3A_493 = arith.constant 0 : i32
      %swap3A_494 = arith.index_cast %swap3A_493 : i32 to index
      %swap3A_495 = arith.index_cast %scan3A_444 : i32 to index
      %swap3A_496 = arith.constant 112 : index
      %swap3A_497 = tpu.vector_load %arg6[%swap3A_494, %swap3A_495, %swap3A_496] {strides = array<i32>} : memref<4x80x128xf32, #tpu.memory_space<vmem>>, vector<1x1x16xf32>,
      %swap3A_498 = vector.shape_cast %swap3A_497 : vector<1x1x16xf32> to vector<16xf32>
      %swap3A_499 = vector.shape_cast %broadcast_in_dim3A_0 : vector<16xf32> to vector<1x1x16xf32>
      tpu.vector_store %arg6[%swap3A_494, %swap3A_495, %swap3A_496], %swap3A_499 {strides = array<i32>} : memref<4x80x128xf32, #tpu.memory_space<vmem>>, vector<1x1x16xf32>,
    }
    %scan3A_5 = arith.constant 80 : i32
    %mul3A = arith.constant 640 : i32
    %mul3A_6 = arith.muli %arg1, %mul3A : i32
    %add3A = arith.constant 0 : i32
    %add3A_7 = arith.addi %mul3A_6, %add3A : i32
    %run_scoped3A = arith.constant 0 : i32
    "tpu.region"() ({
      %run_scoped3A_444 = tpu.sem_alloc : memref<!tpu.dma_semaphore, #tpu.memory_space<semaphore_mem>>
      %dma_start3A_445 = arith.constant 0 : i32
      %dma_start3A_446 = arith.constant 0 : i32
      %dma_start3A_447 = tpu.memref_slice %arg6[%run_scoped3A, %dma_start3A_445, %dma_start3A_446] : memref<4x80x128xf32, #tpu.memory_space<vmem>> -> memref<1x80x128xf32, #tpu.memory_space<vmem>>
      %dma_start3A_448 = tpu.memref_squeeze %dma_start3A_447 : memref<1x80x128xf32, #tpu.memory_space<vmem>> -> memref<80x128xf32, #tpu.memory_space<vmem>>
      %dma_start3A_449 = arith.constant 0 : i32
      %dma_start3A_450 = tpu.memref_slice %arg7[%add3A_7, %dma_start3A_449] : memref<10240x128xf32, #tpu.memory_space<vmem_shared>> -> memref<80x128xf32, #tpu.memory_space<vmem_shared>>
      %dma_start3A_451 = arith.constant 0 : i32
      %dma_start3A_452 = tpu.memref_slice %arg7[%add3A_7, %dma_start3A_451] : memref<10240x128xf32, #tpu.memory_space<vmem_shared>> -> memref<80x128xf32, #tpu.memory_space<vmem_shared>>
      %dma_start3A_453 = arith.constant 0 : i32
      %dma_start3A_454 = arith.constant 0 : i32
      %dma_start3A_455 = tpu.memref_slice %arg6[%run_scoped3A, %dma_start3A_453, %dma_start3A_454] : memref<4x80x128xf32, #tpu.memory_space<vmem>> -> memref<1x80x128xf32, #tpu.memory_space<vmem>>
      %dma_start3A_456 = tpu.memref_squeeze %dma_start3A_455 : memref<1x80x128xf32, #tpu.memory_space<vmem>> -> memref<80x128xf32, #tpu.memory_space<vmem>>
      tpu.enqueue_dma source(%dma_start3A_456 : memref<80x128xf32, #tpu.memory_space<vmem>>) target(%dma_start3A_452 : memref<80x128xf32, #tpu.memory_space<vmem_shared>>) target_semaphore(%run_scoped3A_444 : memref<!tpu.dma_semaphore, #tpu.memory_space<semaphore_mem>>)
      %dma_wait3A_457 = arith.constant 0 : i32
      %dma_wait3A_458 = arith.constant 0 : i32
      %dma_wait3A_459 = tpu.memref_slice %arg6[%run_scoped3A, %dma_wait3A_457, %dma_wait3A_458] : memref<4x80x128xf32, #tpu.memory_space<vmem>> -> memref<1x80x128xf32, #tpu.memory_space<vmem>>
      %dma_wait3A_460 = tpu.memref_squeeze %dma_wait3A_459 : memref<1x80x128xf32, #tpu.memory_space<vmem>> -> memref<80x128xf32, #tpu.memory_space<vmem>>
      %dma_wait3A_461 = arith.constant 0 : i32
      %dma_wait3A_462 = tpu.memref_slice %arg7[%add3A_7, %dma_wait3A_461] : memref<10240x128xf32, #tpu.memory_space<vmem_shared>> -> memref<80x128xf32, #tpu.memory_space<vmem_shared>>
      %dma_wait3A_463 = arith.constant 0 : i32
      %dma_wait3A_464 = tpu.memref_slice %arg7[%add3A_7, %dma_wait3A_463] : memref<10240x128xf32, #tpu.memory_space<vmem_shared>> -> memref<80x128xf32, #tpu.memory_space<vmem_shared>>
      %dma_wait3A_465 = arith.constant 0 : i32
      %dma_wait3A_466 = arith.constant 0 : i32
      %dma_wait3A_467 = tpu.memref_slice %arg6[%run_scoped3A, %dma_wait3A_465, %dma_wait3A_466] : memref<4x80x128xf32, #tpu.memory_space<vmem>> -> memref<1x80x128xf32, #tpu.memory_space<vmem>>
      %dma_wait3A_468 = tpu.memref_squeeze %dma_wait3A_467 : memref<1x80x128xf32, #tpu.memory_space<vmem>> -> memref<80x128xf32, #tpu.memory_space<vmem>>
      tpu.wait_dma2 semaphore(%run_scoped3A_444 : memref<!tpu.dma_semaphore, #tpu.memory_space<semaphore_mem>>) src(%dma_wait3A_468 : memref<80x128xf32, #tpu.memory_space<vmem>>) dst(%dma_wait3A_464 : memref<80x128xf32, #tpu.memory_space<vmem_shared>>)
      tpu.yield
    }) : () -> ()
    %add3A_8 = arith.constant 80 : i32
    %add3A_9 = arith.addi %mul3A_6, %add3A_8 : i32
    %run_scoped3A_10 = arith.constant 0 : i32
    "tpu.region"() ({
      %run_scoped3A_444 = tpu.sem_alloc : memref<!tpu.dma_semaphore, #tpu.memory_space<semaphore_mem>>
      %dma_start3A_445 = arith.constant 0 : i32
      %dma_start3A_446 = arith.constant 0 : i32
      %dma_start3A_447 = tpu.memref_slice %arg6[%run_scoped3A_10, %dma_start3A_445, %dma_start3A_446] : memref<4x80x128xf32, #tpu.memory_space<vmem>> -> memref<1x80x128xf32, #tpu.memory_space<vmem>>
      %dma_start3A_448 = tpu.memref_squeeze %dma_start3A_447 : memref<1x80x128xf32, #tpu.memory_space<vmem>> -> memref<80x128xf32, #tpu.memory_space<vmem>>
      %dma_start3A_449 = arith.constant 0 : i32
      %dma_start3A_450 = tpu.memref_slice %arg7[%add3A_9, %dma_start3A_449] : memref<10240x128xf32, #tpu.memory_space<vmem_shared>> -> memref<80x128xf32, #tpu.memory_space<vmem_shared>>
      %dma_start3A_451 = arith.constant 0 : i32
      %dma_start3A_452 = tpu.memref_slice %arg7[%add3A_9, %dma_start3A_451] : memref<10240x128xf32, #tpu.memory_space<vmem_shared>> -> memref<80x128xf32, #tpu.memory_space<vmem_shared>>
      %dma_start3A_453 = arith.constant 0 : i32
      %dma_start3A_454 = arith.constant 0 : i32
      %dma_start3A_455 = tpu.memref_slice %arg6[%run_scoped3A_10, %dma_start3A_453, %dma_start3A_454] : memref<4x80x128xf32, #tpu.memory_space<vmem>> -> memref<1x80x128xf32, #tpu.memory_space<vmem>>
      %dma_start3A_456 = tpu.memref_squeeze %dma_start3A_455 : memref<1x80x128xf32, #tpu.memory_space<vmem>> -> memref<80x128xf32, #tpu.memory_space<vmem>>
      tpu.enqueue_dma source(%dma_start3A_456 : memref<80x128xf32, #tpu.memory_space<vmem>>) target(%dma_start3A_452 : memref<80x128xf32, #tpu.memory_space<vmem_shared>>) target_semaphore(%run_scoped3A_444 : memref<!tpu.dma_semaphore, #tpu.memory_space<semaphore_mem>>)
      %dma_wait3A_457 = arith.constant 0 : i32
      %dma_wait3A_458 = arith.constant 0 : i32
      %dma_wait3A_459 = tpu.memref_slice %arg6[%run_scoped3A_10, %dma_wait3A_457, %dma_wait3A_458] : memref<4x80x128xf32, #tpu.memory_space<vmem>> -> memref<1x80x128xf32, #tpu.memory_space<vmem>>
      %dma_wait3A_460 = tpu.memref_squeeze %dma_wait3A_459 : memref<1x80x128xf32, #tpu.memory_space<vmem>> -> memref<80x128xf32, #tpu.memory_space<vmem>>
      %dma_wait3A_461 = arith.constant 0 : i32
      %dma_wait3A_462 = tpu.memref_slice %arg7[%add3A_9, %dma_wait3A_461] : memref<10240x128xf32, #tpu.memory_space<vmem_shared>> -> memref<80x128xf32, #tpu.memory_space<vmem_shared>>
      %dma_wait3A_463 = arith.constant 0 : i32
      %dma_wait3A_464 = tpu.memref_slice %arg7[%add3A_9, %dma_wait3A_463] : memref<10240x128xf32, #tpu.memory_space<vmem_shared>> -> memref<80x128xf32, #tpu.memory_space<vmem_shared>>
      %dma_wait3A_465 = arith.constant 0 : i32
      %dma_wait3A_466 = arith.constant 0 : i32
      %dma_wait3A_467 = tpu.memref_slice %arg6[%run_scoped3A_10, %dma_wait3A_465, %dma_wait3A_466] : memref<4x80x128xf32, #tpu.memory_space<vmem>> -> memref<1x80x128xf32, #tpu.memory_space<vmem>>
      %dma_wait3A_468 = tpu.memref_squeeze %dma_wait3A_467 : memref<1x80x128xf32, #tpu.memory_space<vmem>> -> memref<80x128xf32, #tpu.memory_space<vmem>>
      tpu.wait_dma2 semaphore(%run_scoped3A_444 : memref<!tpu.dma_semaphore, #tpu.memory_space<semaphore_mem>>) src(%dma_wait3A_468 : memref<80x128xf32, #tpu.memory_space<vmem>>) dst(%dma_wait3A_464 : memref<80x128xf32, #tpu.memory_space<vmem_shared>>)
      tpu.yield
    }) : () -> ()
    %add3A_11 = arith.constant 160 : i32
    %add3A_12 = arith.addi %mul3A_6, %add3A_11 : i32
    %run_scoped3A_13 = arith.constant 0 : i32
    "tpu.region"() ({
      %run_scoped3A_444 = tpu.sem_alloc : memref<!tpu.dma_semaphore, #tpu.memory_space<semaphore_mem>>
      %dma_start3A_445 = arith.constant 0 : i32
      %dma_start3A_446 = arith.constant 0 : i32
      %dma_start3A_447 = tpu.memref_slice %arg6[%run_scoped3A_13, %dma_start3A_445, %dma_start3A_446] : memref<4x80x128xf32, #tpu.memory_space<vmem>> -> memref<1x80x128xf32, #tpu.memory_space<vmem>>
      %dma_start3A_448 = tpu.memref_squeeze %dma_start3A_447 : memref<1x80x128xf32, #tpu.memory_space<vmem>> -> memref<80x128xf32, #tpu.memory_space<vmem>>
      %dma_start3A_449 = arith.constant 0 : i32
      %dma_start3A_450 = tpu.memref_slice %arg7[%add3A_12, %dma_start3A_449] : memref<10240x128xf32, #tpu.memory_space<vmem_shared>> -> memref<80x128xf32, #tpu.memory_space<vmem_shared>>
      %dma_start3A_451 = arith.constant 0 : i32
      %dma_start3A_452 = tpu.memref_slice %arg7[%add3A_12, %dma_start3A_451] : memref<10240x128xf32, #tpu.memory_space<vmem_shared>> -> memref<80x128xf32, #tpu.memory_space<vmem_shared>>
      %dma_start3A_453 = arith.constant 0 : i32
      %dma_start3A_454 = arith.constant 0 : i32
      %dma_start3A_455 = tpu.memref_slice %arg6[%run_scoped3A_13, %dma_start3A_453, %dma_start3A_454] : memref<4x80x128xf32, #tpu.memory_space<vmem>> -> memref<1x80x128xf32, #tpu.memory_space<vmem>>
      %dma_start3A_456 = tpu.memref_squeeze %dma_start3A_455 : memref<1x80x128xf32, #tpu.memory_space<vmem>> -> memref<80x128xf32, #tpu.memory_space<vmem>>
      tpu.enqueue_dma source(%dma_start3A_456 : memref<80x128xf32, #tpu.memory_space<vmem>>) target(%dma_start3A_452 : memref<80x128xf32, #tpu.memory_space<vmem_shared>>) target_semaphore(%run_scoped3A_444 : memref<!tpu.dma_semaphore, #tpu.memory_space<semaphore_mem>>)
      %dma_wait3A_457 = arith.constant 0 : i32
      %dma_wait3A_458 = arith.constant 0 : i32
      %dma_wait3A_459 = tpu.memref_slice %arg6[%run_scoped3A_13, %dma_wait3A_457, %dma_wait3A_458] : memref<4x80x128xf32, #tpu.memory_space<vmem>> -> memref<1x80x128xf32, #tpu.memory_space<vmem>>
      %dma_wait3A_460 = tpu.memref_squeeze %dma_wait3A_459 : memref<1x80x128xf32, #tpu.memory_space<vmem>> -> memref<80x128xf32, #tpu.memory_space<vmem>>
      %dma_wait3A_461 = arith.constant 0 : i32
      %dma_wait3A_462 = tpu.memref_slice %arg7[%add3A_12, %dma_wait3A_461] : memref<10240x128xf32, #tpu.memory_space<vmem_shared>> -> memref<80x128xf32, #tpu.memory_space<vmem_shared>>
      %dma_wait3A_463 = arith.constant 0 : i32
      %dma_wait3A_464 = tpu.memref_slice %arg7[%add3A_12, %dma_wait3A_463] : memref<10240x128xf32, #tpu.memory_space<vmem_shared>> -> memref<80x128xf32, #tpu.memory_space<vmem_shared>>
      %dma_wait3A_465 = arith.constant 0 : i32
      %dma_wait3A_466 = arith.constant 0 : i32
      %dma_wait3A_467 = tpu.memref_slice %arg6[%run_scoped3A_13, %dma_wait3A_465, %dma_wait3A_466] : memref<4x80x128xf32, #tpu.memory_space<vmem>> -> memref<1x80x128xf32, #tpu.memory_space<vmem>>
      %dma_wait3A_468 = tpu.memref_squeeze %dma_wait3A_467 : memref<1x80x128xf32, #tpu.memory_space<vmem>> -> memref<80x128xf32, #tpu.memory_space<vmem>>
      tpu.wait_dma2 semaphore(%run_scoped3A_444 : memref<!tpu.dma_semaphore, #tpu.memory_space<semaphore_mem>>) src(%dma_wait3A_468 : memref<80x128xf32, #tpu.memory_space<vmem>>) dst(%dma_wait3A_464 : memref<80x128xf32, #tpu.memory_space<vmem_shared>>)
      tpu.yield
    }) : () -> ()
    %add3A_14 = arith.constant 240 : i32
    %add3A_15 = arith.addi %mul3A_6, %add3A_14 : i32
    %run_scoped3A_16 = arith.constant 0 : i32
    "tpu.region"() ({
      %run_scoped3A_444 = tpu.sem_alloc : memref<!tpu.dma_semaphore, #tpu.memory_space<semaphore_mem>>
      %dma_start3A_445 = arith.constant 0 : i32
      %dma_start3A_446 = arith.constant 0 : i32
      %dma_start3A_447 = tpu.memref_slice %arg6[%run_scoped3A_16, %dma_start3A_445, %dma_start3A_446] : memref<4x80x128xf32, #tpu.memory_space<vmem>> -> memref<1x80x128xf32, #tpu.memory_space<vmem>>
      %dma_start3A_448 = tpu.memref_squeeze %dma_start3A_447 : memref<1x80x128xf32, #tpu.memory_space<vmem>> -> memref<80x128xf32, #tpu.memory_space<vmem>>
      %dma_start3A_449 = arith.constant 0 : i32
      %dma_start3A_450 = tpu.memref_slice %arg7[%add3A_15, %dma_start3A_449] : memref<10240x128xf32, #tpu.memory_space<vmem_shared>> -> memref<80x128xf32, #tpu.memory_space<vmem_shared>>
      %dma_start3A_451 = arith.constant 0 : i32
      %dma_start3A_452 = tpu.memref_slice %arg7[%add3A_15, %dma_start3A_451] : memref<10240x128xf32, #tpu.memory_space<vmem_shared>> -> memref<80x128xf32, #tpu.memory_space<vmem_shared>>
      %dma_start3A_453 = arith.constant 0 : i32
      %dma_start3A_454 = arith.constant 0 : i32
      %dma_start3A_455 = tpu.memref_slice %arg6[%run_scoped3A_16, %dma_start3A_453, %dma_start3A_454] : memref<4x80x128xf32, #tpu.memory_space<vmem>> -> memref<1x80x128xf32, #tpu.memory_space<vmem>>
      %dma_start3A_456 = tpu.memref_squeeze %dma_start3A_455 : memref<1x80x128xf32, #tpu.memory_space<vmem>> -> memref<80x128xf32, #tpu.memory_space<vmem>>
      tpu.enqueue_dma source(%dma_start3A_456 : memref<80x128xf32, #tpu.memory_space<vmem>>) target(%dma_start3A_452 : memref<80x128xf32, #tpu.memory_space<vmem_shared>>) target_semaphore(%run_scoped3A_444 : memref<!tpu.dma_semaphore, #tpu.memory_space<semaphore_mem>>)
      %dma_wait3A_457 = arith.constant 0 : i32
      %dma_wait3A_458 = arith.constant 0 : i32
      %dma_wait3A_459 = tpu.memref_slice %arg6[%run_scoped3A_16, %dma_wait3A_457, %dma_wait3A_458] : memref<4x80x128xf32, #tpu.memory_space<vmem>> -> memref<1x80x128xf32, #tpu.memory_space<vmem>>
      %dma_wait3A_460 = tpu.memref_squeeze %dma_wait3A_459 : memref<1x80x128xf32, #tpu.memory_space<vmem>> -> memref<80x128xf32, #tpu.memory_space<vmem>>
      %dma_wait3A_461 = arith.constant 0 : i32
      %dma_wait3A_462 = tpu.memref_slice %arg7[%add3A_15, %dma_wait3A_461] : memref<10240x128xf32, #tpu.memory_space<vmem_shared>> -> memref<80x128xf32, #tpu.memory_space<vmem_shared>>
      %dma_wait3A_463 = arith.constant 0 : i32
      %dma_wait3A_464 = tpu.memref_slice %arg7[%add3A_15, %dma_wait3A_463] : memref<10240x128xf32, #tpu.memory_space<vmem_shared>> -> memref<80x128xf32, #tpu.memory_space<vmem_shared>>
      %dma_wait3A_465 = arith.constant 0 : i32
      %dma_wait3A_466 = arith.constant 0 : i32
      %dma_wait3A_467 = tpu.memref_slice %arg6[%run_scoped3A_16, %dma_wait3A_465, %dma_wait3A_466] : memref<4x80x128xf32, #tpu.memory_space<vmem>> -> memref<1x80x128xf32, #tpu.memory_space<vmem>>
      %dma_wait3A_468 = tpu.memref_squeeze %dma_wait3A_467 : memref<1x80x128xf32, #tpu.memory_space<vmem>> -> memref<80x128xf32, #tpu.memory_space<vmem>>
      tpu.wait_dma2 semaphore(%run_scoped3A_444 : memref<!tpu.dma_semaphore, #tpu.memory_space<semaphore_mem>>) src(%dma_wait3A_468 : memref<80x128xf32, #tpu.memory_space<vmem>>) dst(%dma_wait3A_464 : memref<80x128xf32, #tpu.memory_space<vmem_shared>>)
      tpu.yield
    }) : () -> ()
    %add3A_17 = arith.constant 320 : i32
    %add3A_18 = arith.addi %mul3A_6, %add3A_17 : i32
    %run_scoped3A_19 = arith.constant 0 : i32
    "tpu.region"() ({
      %run_scoped3A_444 = tpu.sem_alloc : memref<!tpu.dma_semaphore, #tpu.memory_space<semaphore_mem>>
      %dma_start3A_445 = arith.constant 0 : i32
      %dma_start3A_446 = arith.constant 0 : i32
      %dma_start3A_447 = tpu.memref_slice %arg6[%run_scoped3A_19, %dma_start3A_445, %dma_start3A_446] : memref<4x80x128xf32, #tpu.memory_space<vmem>> -> memref<1x80x128xf32, #tpu.memory_space<vmem>>
      %dma_start3A_448 = tpu.memref_squeeze %dma_start3A_447 : memref<1x80x128xf32, #tpu.memory_space<vmem>> -> memref<80x128xf32, #tpu.memory_space<vmem>>
      %dma_start3A_449 = arith.constant 0 : i32
      %dma_start3A_450 = tpu.memref_slice %arg7[%add3A_18, %dma_start3A_449] : memref<10240x128xf32, #tpu.memory_space<vmem_shared>> -> memref<80x128xf32, #tpu.memory_space<vmem_shared>>
      %dma_start3A_451 = arith.constant 0 : i32
      %dma_start3A_452 = tpu.memref_slice %arg7[%add3A_18, %dma_start3A_451] : memref<10240x128xf32, #tpu.memory_space<vmem_shared>> -> memref<80x128xf32, #tpu.memory_space<vmem_shared>>
      %dma_start3A_453 = arith.constant 0 : i32
      %dma_start3A_454 = arith.constant 0 : i32
      %dma_start3A_455 = tpu.memref_slice %arg6[%run_scoped3A_19, %dma_start3A_453, %dma_start3A_454] : memref<4x80x128xf32, #tpu.memory_space<vmem>> -> memref<1x80x128xf32, #tpu.memory_space<vmem>>
      %dma_start3A_456 = tpu.memref_squeeze %dma_start3A_455 : memref<1x80x128xf32, #tpu.memory_space<vmem>> -> memref<80x128xf32, #tpu.memory_space<vmem>>
      tpu.enqueue_dma source(%dma_start3A_456 : memref<80x128xf32, #tpu.memory_space<vmem>>) target(%dma_start3A_452 : memref<80x128xf32, #tpu.memory_space<vmem_shared>>) target_semaphore(%run_scoped3A_444 : memref<!tpu.dma_semaphore, #tpu.memory_space<semaphore_mem>>)
      %dma_wait3A_457 = arith.constant 0 : i32
      %dma_wait3A_458 = arith.constant 0 : i32
      %dma_wait3A_459 = tpu.memref_slice %arg6[%run_scoped3A_19, %dma_wait3A_457, %dma_wait3A_458] : memref<4x80x128xf32, #tpu.memory_space<vmem>> -> memref<1x80x128xf32, #tpu.memory_space<vmem>>
      %dma_wait3A_460 = tpu.memref_squeeze %dma_wait3A_459 : memref<1x80x128xf32, #tpu.memory_space<vmem>> -> memref<80x128xf32, #tpu.memory_space<vmem>>
      %dma_wait3A_461 = arith.constant 0 : i32
      %dma_wait3A_462 = tpu.memref_slice %arg7[%add3A_18, %dma_wait3A_461] : memref<10240x128xf32, #tpu.memory_space<vmem_shared>> -> memref<80x128xf32, #tpu.memory_space<vmem_shared>>
      %dma_wait3A_463 = arith.constant 0 : i32
      %dma_wait3A_464 = tpu.memref_slice %arg7[%add3A_18, %dma_wait3A_463] : memref<10240x128xf32, #tpu.memory_space<vmem_shared>> -> memref<80x128xf32, #tpu.memory_space<vmem_shared>>
      %dma_wait3A_465 = arith.constant 0 : i32
      %dma_wait3A_466 = arith.constant 0 : i32
      %dma_wait3A_467 = tpu.memref_slice %arg6[%run_scoped3A_19, %dma_wait3A_465, %dma_wait3A_466] : memref<4x80x128xf32, #tpu.memory_space<vmem>> -> memref<1x80x128xf32, #tpu.memory_space<vmem>>
      %dma_wait3A_468 = tpu.memref_squeeze %dma_wait3A_467 : memref<1x80x128xf32, #tpu.memory_space<vmem>> -> memref<80x128xf32, #tpu.memory_space<vmem>>
      tpu.wait_dma2 semaphore(%run_scoped3A_444 : memref<!tpu.dma_semaphore, #tpu.memory_space<semaphore_mem>>) src(%dma_wait3A_468 : memref<80x128xf32, #tpu.memory_space<vmem>>) dst(%dma_wait3A_464 : memref<80x128xf32, #tpu.memory_space<vmem_shared>>)
      tpu.yield
    }) : () -> ()
    %add3A_20 = arith.constant 400 : i32
    %add3A_21 = arith.addi %mul3A_6, %add3A_20 : i32
    %run_scoped3A_22 = arith.constant 0 : i32
    "tpu.region"() ({
      %run_scoped3A_444 = tpu.sem_alloc : memref<!tpu.dma_semaphore, #tpu.memory_space<semaphore_mem>>
      %dma_start3A_445 = arith.constant 0 : i32
      %dma_start3A_446 = arith.constant 0 : i32
      %dma_start3A_447 = tpu.memref_slice %arg6[%run_scoped3A_22, %dma_start3A_445, %dma_start3A_446] : memref<4x80x128xf32, #tpu.memory_space<vmem>> -> memref<1x80x128xf32, #tpu.memory_space<vmem>>
      %dma_start3A_448 = tpu.memref_squeeze %dma_start3A_447 : memref<1x80x128xf32, #tpu.memory_space<vmem>> -> memref<80x128xf32, #tpu.memory_space<vmem>>
      %dma_start3A_449 = arith.constant 0 : i32
      %dma_start3A_450 = tpu.memref_slice %arg7[%add3A_21, %dma_start3A_449] : memref<10240x128xf32, #tpu.memory_space<vmem_shared>> -> memref<80x128xf32, #tpu.memory_space<vmem_shared>>
      %dma_start3A_451 = arith.constant 0 : i32
      %dma_start3A_452 = tpu.memref_slice %arg7[%add3A_21, %dma_start3A_451] : memref<10240x128xf32, #tpu.memory_space<vmem_shared>> -> memref<80x128xf32, #tpu.memory_space<vmem_shared>>
      %dma_start3A_453 = arith.constant 0 : i32
      %dma_start3A_454 = arith.constant 0 : i32
      %dma_start3A_455 = tpu.memref_slice %arg6[%run_scoped3A_22, %dma_start3A_453, %dma_start3A_454] : memref<4x80x128xf32, #tpu.memory_space<vmem>> -> memref<1x80x128xf32, #tpu.memory_space<vmem>>
      %dma_start3A_456 = tpu.memref_squeeze %dma_start3A_455 : memref<1x80x128xf32, #tpu.memory_space<vmem>> -> memref<80x128xf32, #tpu.memory_space<vmem>>
      tpu.enqueue_dma source(%dma_start3A_456 : memref<80x128xf32, #tpu.memory_space<vmem>>) target(%dma_start3A_452 : memref<80x128xf32, #tpu.memory_space<vmem_shared>>) target_semaphore(%run_scoped3A_444 : memref<!tpu.dma_semaphore, #tpu.memory_space<semaphore_mem>>)
      %dma_wait3A_457 = arith.constant 0 : i32
      %dma_wait3A_458 = arith.constant 0 : i32
      %dma_wait3A_459 = tpu.memref_slice %arg6[%run_scoped3A_22, %dma_wait3A_457, %dma_wait3A_458] : memref<4x80x128xf32, #tpu.memory_space<vmem>> -> memref<1x80x128xf32, #tpu.memory_space<vmem>>
      %dma_wait3A_460 = tpu.memref_squeeze %dma_wait3A_459 : memref<1x80x128xf32, #tpu.memory_space<vmem>> -> memref<80x128xf32, #tpu.memory_space<vmem>>
      %dma_wait3A_461 = arith.constant 0 : i32
      %dma_wait3A_462 = tpu.memref_slice %arg7[%add3A_21, %dma_wait3A_461] : memref<10240x128xf32, #tpu.memory_space<vmem_shared>> -> memref<80x128xf32, #tpu.memory_space<vmem_shared>>
      %dma_wait3A_463 = arith.constant 0 : i32
      %dma_wait3A_464 = tpu.memref_slice %arg7[%add3A_21, %dma_wait3A_463] : memref<10240x128xf32, #tpu.memory_space<vmem_shared>> -> memref<80x128xf32, #tpu.memory_space<vmem_shared>>
      %dma_wait3A_465 = arith.constant 0 : i32
      %dma_wait3A_466 = arith.constant 0 : i32
      %dma_wait3A_467 = tpu.memref_slice %arg6[%run_scoped3A_22, %dma_wait3A_465, %dma_wait3A_466] : memref<4x80x128xf32, #tpu.memory_space<vmem>> -> memref<1x80x128xf32, #tpu.memory_space<vmem>>
      %dma_wait3A_468 = tpu.memref_squeeze %dma_wait3A_467 : memref<1x80x128xf32, #tpu.memory_space<vmem>> -> memref<80x128xf32, #tpu.memory_space<vmem>>
      tpu.wait_dma2 semaphore(%run_scoped3A_444 : memref<!tpu.dma_semaphore, #tpu.memory_space<semaphore_mem>>) src(%dma_wait3A_468 : memref<80x128xf32, #tpu.memory_space<vmem>>) dst(%dma_wait3A_464 : memref<80x128xf32, #tpu.memory_space<vmem_shared>>)
      tpu.yield
    }) : () -> ()
    %add3A_23 = arith.constant 480 : i32
    %add3A_24 = arith.addi %mul3A_6, %add3A_23 : i32
    %run_scoped3A_25 = arith.constant 0 : i32
    "tpu.region"() ({
      %run_scoped3A_444 = tpu.sem_alloc : memref<!tpu.dma_semaphore, #tpu.memory_space<semaphore_mem>>
      %dma_start3A_445 = arith.constant 0 : i32
      %dma_start3A_446 = arith.constant 0 : i32
      %dma_start3A_447 = tpu.memref_slice %arg6[%run_scoped3A_25, %dma_start3A_445, %dma_start3A_446] : memref<4x80x128xf32, #tpu.memory_space<vmem>> -> memref<1x80x128xf32, #tpu.memory_space<vmem>>
      %dma_start3A_448 = tpu.memref_squeeze %dma_start3A_447 : memref<1x80x128xf32, #tpu.memory_space<vmem>> -> memref<80x128xf32, #tpu.memory_space<vmem>>
      %dma_start3A_449 = arith.constant 0 : i32
      %dma_start3A_450 = tpu.memref_slice %arg7[%add3A_24, %dma_start3A_449] : memref<10240x128xf32, #tpu.memory_space<vmem_shared>> -> memref<80x128xf32, #tpu.memory_space<vmem_shared>>
      %dma_start3A_451 = arith.constant 0 : i32
      %dma_start3A_452 = tpu.memref_slice %arg7[%add3A_24, %dma_start3A_451] : memref<10240x128xf32, #tpu.memory_space<vmem_shared>> -> memref<80x128xf32, #tpu.memory_space<vmem_shared>>
      %dma_start3A_453 = arith.constant 0 : i32
      %dma_start3A_454 = arith.constant 0 : i32
      %dma_start3A_455 = tpu.memref_slice %arg6[%run_scoped3A_25, %dma_start3A_453, %dma_start3A_454] : memref<4x80x128xf32, #tpu.memory_space<vmem>> -> memref<1x80x128xf32, #tpu.memory_space<vmem>>
      %dma_start3A_456 = tpu.memref_squeeze %dma_start3A_455 : memref<1x80x128xf32, #tpu.memory_space<vmem>> -> memref<80x128xf32, #tpu.memory_space<vmem>>
      tpu.enqueue_dma source(%dma_start3A_456 : memref<80x128xf32, #tpu.memory_space<vmem>>) target(%dma_start3A_452 : memref<80x128xf32, #tpu.memory_space<vmem_shared>>) target_semaphore(%run_scoped3A_444 : memref<!tpu.dma_semaphore, #tpu.memory_space<semaphore_mem>>)
      %dma_wait3A_457 = arith.constant 0 : i32
      %dma_wait3A_458 = arith.constant 0 : i32
      %dma_wait3A_459 = tpu.memref_slice %arg6[%run_scoped3A_25, %dma_wait3A_457, %dma_wait3A_458] : memref<4x80x128xf32, #tpu.memory_space<vmem>> -> memref<1x80x128xf32, #tpu.memory_space<vmem>>
      %dma_wait3A_460 = tpu.memref_squeeze %dma_wait3A_459 : memref<1x80x128xf32, #tpu.memory_space<vmem>> -> memref<80x128xf32, #tpu.memory_space<vmem>>
      %dma_wait3A_461 = arith.constant 0 : i32
      %dma_wait3A_462 = tpu.memref_slice %arg7[%add3A_24, %dma_wait3A_461] : memref<10240x128xf32, #tpu.memory_space<vmem_shared>> -> memref<80x128xf32, #tpu.memory_space<vmem_shared>>
      %dma_wait3A_463 = arith.constant 0 : i32
      %dma_wait3A_464 = tpu.memref_slice %arg7[%add3A_24, %dma_wait3A_463] : memref<10240x128xf32, #tpu.memory_space<vmem_shared>> -> memref<80x128xf32, #tpu.memory_space<vmem_shared>>
      %dma_wait3A_465 = arith.constant 0 : i32
      %dma_wait3A_466 = arith.constant 0 : i32
      %dma_wait3A_467 = tpu.memref_slice %arg6[%run_scoped3A_25, %dma_wait3A_465, %dma_wait3A_466] : memref<4x80x128xf32, #tpu.memory_space<vmem>> -> memref<1x80x128xf32, #tpu.memory_space<vmem>>
      %dma_wait3A_468 = tpu.memref_squeeze %dma_wait3A_467 : memref<1x80x128xf32, #tpu.memory_space<vmem>> -> memref<80x128xf32, #tpu.memory_space<vmem>>
      tpu.wait_dma2 semaphore(%run_scoped3A_444 : memref<!tpu.dma_semaphore, #tpu.memory_space<semaphore_mem>>) src(%dma_wait3A_468 : memref<80x128xf32, #tpu.memory_space<vmem>>) dst(%dma_wait3A_464 : memref<80x128xf32, #tpu.memory_space<vmem_shared>>)
      tpu.yield
    }) : () -> ()
    %add3A_26 = arith.constant 560 : i32
    %add3A_27 = arith.addi %mul3A_6, %add3A_26 : i32
    %run_scoped3A_28 = arith.constant 0 : i32
    "tpu.region"() ({
      %run_scoped3A_444 = tpu.sem_alloc : memref<!tpu.dma_semaphore, #tpu.memory_space<semaphore_mem>>
      %dma_start3A_445 = arith.constant 0 : i32
      %dma_start3A_446 = arith.constant 0 : i32
      %dma_start3A_447 = tpu.memref_slice %arg6[%run_scoped3A_28, %dma_start3A_445, %dma_start3A_446] : memref<4x80x128xf32, #tpu.memory_space<vmem>> -> memref<1x80x128xf32, #tpu.memory_space<vmem>>
      %dma_start3A_448 = tpu.memref_squeeze %dma_start3A_447 : memref<1x80x128xf32, #tpu.memory_space<vmem>> -> memref<80x128xf32, #tpu.memory_space<vmem>>
      %dma_start3A_449 = arith.constant 0 : i32
      %dma_start3A_450 = tpu.memref_slice %arg7[%add3A_27, %dma_start3A_449] : memref<10240x128xf32, #tpu.memory_space<vmem_shared>> -> memref<80x128xf32, #tpu.memory_space<vmem_shared>>
      %dma_start3A_451 = arith.constant 0 : i32
      %dma_start3A_452 = tpu.memref_slice %arg7[%add3A_27, %dma_start3A_451] : memref<10240x128xf32, #tpu.memory_space<vmem_shared>> -> memref<80x128xf32, #tpu.memory_space<vmem_shared>>
      %dma_start3A_453 = arith.constant 0 : i32
      %dma_start3A_454 = arith.constant 0 : i32
      %dma_start3A_455 = tpu.memref_slice %arg6[%run_scoped3A_28, %dma_start3A_453, %dma_start3A_454] : memref<4x80x128xf32, #tpu.memory_space<vmem>> -> memref<1x80x128xf32, #tpu.memory_space<vmem>>
      %dma_start3A_456 = tpu.memref_squeeze %dma_start3A_455 : memref<1x80x128xf32, #tpu.memory_space<vmem>> -> memref<80x128xf32, #tpu.memory_space<vmem>>
      tpu.enqueue_dma source(%dma_start3A_456 : memref<80x128xf32, #tpu.memory_space<vmem>>) target(%dma_start3A_452 : memref<80x128xf32, #tpu.memory_space<vmem_shared>>) target_semaphore(%run_scoped3A_444 : memref<!tpu.dma_semaphore, #tpu.memory_space<semaphore_mem>>)
      %dma_wait3A_457 = arith.constant 0 : i32
      %dma_wait3A_458 = arith.constant 0 : i32
      %dma_wait3A_459 = tpu.memref_slice %arg6[%run_scoped3A_28, %dma_wait3A_457, %dma_wait3A_458] : memref<4x80x128xf32, #tpu.memory_space<vmem>> -> memref<1x80x128xf32, #tpu.memory_space<vmem>>
      %dma_wait3A_460 = tpu.memref_squeeze %dma_wait3A_459 : memref<1x80x128xf32, #tpu.memory_space<vmem>> -> memref<80x128xf32, #tpu.memory_space<vmem>>
      %dma_wait3A_461 = arith.constant 0 : i32
      %dma_wait3A_462 = tpu.memref_slice %arg7[%add3A_27, %dma_wait3A_461] : memref<10240x128xf32, #tpu.memory_space<vmem_shared>> -> memref<80x128xf32, #tpu.memory_space<vmem_shared>>
      %dma_wait3A_463 = arith.constant 0 : i32
      %dma_wait3A_464 = tpu.memref_slice %arg7[%add3A_27, %dma_wait3A_463] : memref<10240x128xf32, #tpu.memory_space<vmem_shared>> -> memref<80x128xf32, #tpu.memory_space<vmem_shared>>
      %dma_wait3A_465 = arith.constant 0 : i32
      %dma_wait3A_466 = arith.constant 0 : i32
      %dma_wait3A_467 = tpu.memref_slice %arg6[%run_scoped3A_28, %dma_wait3A_465, %dma_wait3A_466] : memref<4x80x128xf32, #tpu.memory_space<vmem>> -> memref<1x80x128xf32, #tpu.memory_space<vmem>>
      %dma_wait3A_468 = tpu.memref_squeeze %dma_wait3A_467 : memref<1x80x128xf32, #tpu.memory_space<vmem>> -> memref<80x128xf32, #tpu.memory_space<vmem>>
      tpu.wait_dma2 semaphore(%run_scoped3A_444 : memref<!tpu.dma_semaphore, #tpu.memory_space<semaphore_mem>>) src(%dma_wait3A_468 : memref<80x128xf32, #tpu.memory_space<vmem>>) dst(%dma_wait3A_464 : memref<80x128xf32, #tpu.memory_space<vmem_shared>>)
      tpu.yield
    }) : () -> ()
    %barrier3A = arith.constant 0 : index
    tpu.barrier barrier_id(%barrier3A)
    %mul3A_29 = arith.constant 256 : i32
    %mul3A_30 = arith.muli %arg1, %mul3A_29 : i32
    %add3A_31 = arith.constant 0 : i32
    %add3A_32 = arith.addi %mul3A_30, %add3A_31 : i32
    %dma_start3A = arith.constant 0 : i32
    %dma_start3A_33 = arith.constant 0 : i32
    %dma_start3A_34 = arith.constant 0 : i32
    %dma_start3A_35 = tpu.memref_slice %arg5[%dma_start3A, %dma_start3A_33, %dma_start3A_34] : memref<4x2x80xi32, #tpu.memory_space<vmem>> -> memref<1x2x80xi32, #tpu.memory_space<vmem>>
    %dma_start3A_36 = tpu.memref_squeeze %dma_start3A_35 : memref<1x2x80xi32, #tpu.memory_space<vmem>> -> memref<2x80xi32, #tpu.memory_space<vmem>>
    %dma_start3A_37 = arith.constant 0 : i32
    %dma_start3A_38 = arith.constant 0 : i32
    %dma_start3A_39 = tpu.memref_slice %arg3[%arg0, %add3A_32, %dma_start3A_37, %dma_start3A_38] : memref<2x4096x2x80xi32, #tpu.memory_space<hbm>> -> memref<1x1x2x80xi32, #tpu.memory_space<hbm>>
    %dma_start3A_40 = tpu.memref_squeeze %dma_start3A_39 : memref<1x1x2x80xi32, #tpu.memory_space<hbm>> -> memref<2x80xi32, #tpu.memory_space<hbm>>
    %dma_start3A_41 = arith.constant 0 : i32
    %dma_start3A_42 = arith.constant 0 : i32
    %dma_start3A_43 = tpu.memref_slice %arg5[%dma_start3A, %dma_start3A_41, %dma_start3A_42] : memref<4x2x80xi32, #tpu.memory_space<vmem>> -> memref<1x2x80xi32, #tpu.memory_space<vmem>>
    %dma_start3A_44 = tpu.memref_squeeze %dma_start3A_43 : memref<1x2x80xi32, #tpu.memory_space<vmem>> -> memref<2x80xi32, #tpu.memory_space<vmem>>
    %dma_start3A_45 = arith.constant 0 : i32
    %dma_start3A_46 = arith.constant 0 : i32
    %dma_start3A_47 = tpu.memref_slice %arg3[%arg0, %add3A_32, %dma_start3A_45, %dma_start3A_46] : memref<2x4096x2x80xi32, #tpu.memory_space<hbm>> -> memref<1x1x2x80xi32, #tpu.memory_space<hbm>>
    %dma_start3A_48 = tpu.memref_squeeze %dma_start3A_47 : memref<1x1x2x80xi32, #tpu.memory_space<hbm>> -> memref<2x80xi32, #tpu.memory_space<hbm>>
    tpu.enqueue_dma source(%dma_start3A_48 : memref<2x80xi32, #tpu.memory_space<hbm>>) target(%dma_start3A_44 : memref<2x80xi32, #tpu.memory_space<vmem>>) target_semaphore(%arg8 : memref<!tpu.dma_semaphore, #tpu.memory_space<semaphore_mem>>)
    %add3A_49 = arith.constant 1 : i32
    %add3A_50 = arith.addi %mul3A_30, %add3A_49 : i32
    %dma_start3A_51 = arith.constant 1 : i32
    %dma_start3A_52 = arith.constant 0 : i32
    %dma_start3A_53 = arith.constant 0 : i32
    %dma_start3A_54 = tpu.memref_slice %arg5[%dma_start3A_51, %dma_start3A_52, %dma_start3A_53] : memref<4x2x80xi32, #tpu.memory_space<vmem>> -> memref<1x2x80xi32, #tpu.memory_space<vmem>>
    %dma_start3A_55 = tpu.memref_squeeze %dma_start3A_54 : memref<1x2x80xi32, #tpu.memory_space<vmem>> -> memref<2x80xi32, #tpu.memory_space<vmem>>
    %dma_start3A_56 = arith.constant 0 : i32
    %dma_start3A_57 = arith.constant 0 : i32
    %dma_start3A_58 = tpu.memref_slice %arg3[%arg0, %add3A_50, %dma_start3A_56, %dma_start3A_57] : memref<2x4096x2x80xi32, #tpu.memory_space<hbm>> -> memref<1x1x2x80xi32, #tpu.memory_space<hbm>>
    %dma_start3A_59 = tpu.memref_squeeze %dma_start3A_58 : memref<1x1x2x80xi32, #tpu.memory_space<hbm>> -> memref<2x80xi32, #tpu.memory_space<hbm>>
    %dma_start3A_60 = arith.constant 0 : i32
    %dma_start3A_61 = arith.constant 0 : i32
    %dma_start3A_62 = tpu.memref_slice %arg5[%dma_start3A_51, %dma_start3A_60, %dma_start3A_61] : memref<4x2x80xi32, #tpu.memory_space<vmem>> -> memref<1x2x80xi32, #tpu.memory_space<vmem>>
    %dma_start3A_63 = tpu.memref_squeeze %dma_start3A_62 : memref<1x2x80xi32, #tpu.memory_space<vmem>> -> memref<2x80xi32, #tpu.memory_space<vmem>>
    %dma_start3A_64 = arith.constant 0 : i32
    %dma_start3A_65 = arith.constant 0 : i32
    %dma_start3A_66 = tpu.memref_slice %arg3[%arg0, %add3A_50, %dma_start3A_64, %dma_start3A_65] : memref<2x4096x2x80xi32, #tpu.memory_space<hbm>> -> memref<1x1x2x80xi32, #tpu.memory_space<hbm>>
    %dma_start3A_67 = tpu.memref_squeeze %dma_start3A_66 : memref<1x1x2x80xi32, #tpu.memory_space<hbm>> -> memref<2x80xi32, #tpu.memory_space<hbm>>
    tpu.enqueue_dma source(%dma_start3A_67 : memref<2x80xi32, #tpu.memory_space<hbm>>) target(%dma_start3A_63 : memref<2x80xi32, #tpu.memory_space<vmem>>) target_semaphore(%arg9 : memref<!tpu.dma_semaphore, #tpu.memory_space<semaphore_mem>>)
    %add3A_68 = arith.constant 2 : i32
    %add3A_69 = arith.addi %mul3A_30, %add3A_68 : i32
    %dma_start3A_70 = arith.constant 2 : i32
    %dma_start3A_71 = arith.constant 0 : i32
    %dma_start3A_72 = arith.constant 0 : i32
    %dma_start3A_73 = tpu.memref_slice %arg5[%dma_start3A_70, %dma_start3A_71, %dma_start3A_72] : memref<4x2x80xi32, #tpu.memory_space<vmem>> -> memref<1x2x80xi32, #tpu.memory_space<vmem>>
    %dma_start3A_74 = tpu.memref_squeeze %dma_start3A_73 : memref<1x2x80xi32, #tpu.memory_space<vmem>> -> memref<2x80xi32, #tpu.memory_space<vmem>>
    %dma_start3A_75 = arith.constant 0 : i32
    %dma_start3A_76 = arith.constant 0 : i32
    %dma_start3A_77 = tpu.memref_slice %arg3[%arg0, %add3A_69, %dma_start3A_75, %dma_start3A_76] : memref<2x4096x2x80xi32, #tpu.memory_space<hbm>> -> memref<1x1x2x80xi32, #tpu.memory_space<hbm>>
    %dma_start3A_78 = tpu.memref_squeeze %dma_start3A_77 : memref<1x1x2x80xi32, #tpu.memory_space<hbm>> -> memref<2x80xi32, #tpu.memory_space<hbm>>
    %dma_start3A_79 = arith.constant 0 : i32
    %dma_start3A_80 = arith.constant 0 : i32
    %dma_start3A_81 = tpu.memref_slice %arg5[%dma_start3A_70, %dma_start3A_79, %dma_start3A_80] : memref<4x2x80xi32, #tpu.memory_space<vmem>> -> memref<1x2x80xi32, #tpu.memory_space<vmem>>
    %dma_start3A_82 = tpu.memref_squeeze %dma_start3A_81 : memref<1x2x80xi32, #tpu.memory_space<vmem>> -> memref<2x80xi32, #tpu.memory_space<vmem>>
    %dma_start3A_83 = arith.constant 0 : i32
    %dma_start3A_84 = arith.constant 0 : i32
    %dma_start3A_85 = tpu.memref_slice %arg3[%arg0, %add3A_69, %dma_start3A_83, %dma_start3A_84] : memref<2x4096x2x80xi32, #tpu.memory_space<hbm>> -> memref<1x1x2x80xi32, #tpu.memory_space<hbm>>
    %dma_start3A_86 = tpu.memref_squeeze %dma_start3A_85 : memref<1x1x2x80xi32, #tpu.memory_space<hbm>> -> memref<2x80xi32, #tpu.memory_space<hbm>>
    tpu.enqueue_dma source(%dma_start3A_86 : memref<2x80xi32, #tpu.memory_space<hbm>>) target(%dma_start3A_82 : memref<2x80xi32, #tpu.memory_space<vmem>>) target_semaphore(%arg10 : memref<!tpu.dma_semaphore, #tpu.memory_space<semaphore_mem>>)
    %add3A_87 = arith.constant 3 : i32
    %add3A_88 = arith.addi %mul3A_30, %add3A_87 : i32
    %dma_start3A_89 = arith.constant 3 : i32
    %dma_start3A_90 = arith.constant 0 : i32
    %dma_start3A_91 = arith.constant 0 : i32
    %dma_start3A_92 = tpu.memref_slice %arg5[%dma_start3A_89, %dma_start3A_90, %dma_start3A_91] : memref<4x2x80xi32, #tpu.memory_space<vmem>> -> memref<1x2x80xi32, #tpu.memory_space<vmem>>
    %dma_start3A_93 = tpu.memref_squeeze %dma_start3A_92 : memref<1x2x80xi32, #tpu.memory_space<vmem>> -> memref<2x80xi32, #tpu.memory_space<vmem>>
    %dma_start3A_94 = arith.constant 0 : i32
    %dma_start3A_95 = arith.constant 0 : i32
    %dma_start3A_96 = tpu.memref_slice %arg3[%arg0, %add3A_88, %dma_start3A_94, %dma_start3A_95] : memref<2x4096x2x80xi32, #tpu.memory_space<hbm>> -> memref<1x1x2x80xi32, #tpu.memory_space<hbm>>
    %dma_start3A_97 = tpu.memref_squeeze %dma_start3A_96 : memref<1x1x2x80xi32, #tpu.memory_space<hbm>> -> memref<2x80xi32, #tpu.memory_space<hbm>>
    %dma_start3A_98 = arith.constant 0 : i32
    %dma_start3A_99 = arith.constant 0 : i32
    %dma_start3A_100 = tpu.memref_slice %arg5[%dma_start3A_89, %dma_start3A_98, %dma_start3A_99] : memref<4x2x80xi32, #tpu.memory_space<vmem>> -> memref<1x2x80xi32, #tpu.memory_space<vmem>>
    %dma_start3A_101 = tpu.memref_squeeze %dma_start3A_100 : memref<1x2x80xi32, #tpu.memory_space<vmem>> -> memref<2x80xi32, #tpu.memory_space<vmem>>
    %dma_start3A_102 = arith.constant 0 : i32
    %dma_start3A_103 = arith.constant 0 : i32
    %dma_start3A_104 = tpu.memref_slice %arg3[%arg0, %add3A_88, %dma_start3A_102, %dma_start3A_103] : memref<2x4096x2x80xi32, #tpu.memory_space<hbm>> -> memref<1x1x2x80xi32, #tpu.memory_space<hbm>>
    %dma_start3A_105 = tpu.memref_squeeze %dma_start3A_104 : memref<1x1x2x80xi32, #tpu.memory_space<hbm>> -> memref<2x80xi32, #tpu.memory_space<hbm>>
    tpu.enqueue_dma source(%dma_start3A_105 : memref<2x80xi32, #tpu.memory_space<hbm>>) target(%dma_start3A_101 : memref<2x80xi32, #tpu.memory_space<vmem>>) target_semaphore(%arg11 : memref<!tpu.dma_semaphore, #tpu.memory_space<semaphore_mem>>)
    %add3A_106 = arith.constant 0 : i32
    %add3A_107 = arith.addi %mul3A_30, %add3A_106 : i32
    %dma_wait3A = arith.constant 0 : i32
    %dma_wait3A_108 = arith.constant 0 : i32
    %dma_wait3A_109 = arith.constant 0 : i32
    %dma_wait3A_110 = tpu.memref_slice %arg5[%dma_wait3A, %dma_wait3A_108, %dma_wait3A_109] : memref<4x2x80xi32, #tpu.memory_space<vmem>> -> memref<1x2x80xi32, #tpu.memory_space<vmem>>
    %dma_wait3A_111 = tpu.memref_squeeze %dma_wait3A_110 : memref<1x2x80xi32, #tpu.memory_space<vmem>> -> memref<2x80xi32, #tpu.memory_space<vmem>>
    %dma_wait3A_112 = arith.constant 0 : i32
    %dma_wait3A_113 = arith.constant 0 : i32
    %dma_wait3A_114 = tpu.memref_slice %arg3[%arg0, %add3A_107, %dma_wait3A_112, %dma_wait3A_113] : memref<2x4096x2x80xi32, #tpu.memory_space<hbm>> -> memref<1x1x2x80xi32, #tpu.memory_space<hbm>>
    %dma_wait3A_115 = tpu.memref_squeeze %dma_wait3A_114 : memref<1x1x2x80xi32, #tpu.memory_space<hbm>> -> memref<2x80xi32, #tpu.memory_space<hbm>>
    %dma_wait3A_116 = arith.constant 0 : i32
    %dma_wait3A_117 = arith.constant 0 : i32
    %dma_wait3A_118 = tpu.memref_slice %arg5[%dma_wait3A, %dma_wait3A_116, %dma_wait3A_117] : memref<4x2x80xi32, #tpu.memory_space<vmem>> -> memref<1x2x80xi32, #tpu.memory_space<vmem>>
    %dma_wait3A_119 = tpu.memref_squeeze %dma_wait3A_118 : memref<1x2x80xi32, #tpu.memory_space<vmem>> -> memref<2x80xi32, #tpu.memory_space<vmem>>
    %dma_wait3A_120 = arith.constant 0 : i32
    %dma_wait3A_121 = arith.constant 0 : i32
    %dma_wait3A_122 = tpu.memref_slice %arg3[%arg0, %add3A_107, %dma_wait3A_120, %dma_wait3A_121] : memref<2x4096x2x80xi32, #tpu.memory_space<hbm>> -> memref<1x1x2x80xi32, #tpu.memory_space<hbm>>
    %dma_wait3A_123 = tpu.memref_squeeze %dma_wait3A_122 : memref<1x1x2x80xi32, #tpu.memory_space<hbm>> -> memref<2x80xi32, #tpu.memory_space<hbm>>
    tpu.wait_dma2 semaphore(%arg8 : memref<!tpu.dma_semaphore, #tpu.memory_space<semaphore_mem>>) src(%dma_wait3A_123 : memref<2x80xi32, #tpu.memory_space<hbm>>) dst(%dma_wait3A_119 : memref<2x80xi32, #tpu.memory_space<vmem>>)
    %dma_start3A_124 = arith.constant 0 : i32
    %dma_start3A_125 = arith.constant 0 : i32
    %dma_start3A_126 = arith.constant 0 : i32
    %dma_start3A_127 = arith.constant 0 : i32
    %dma_start3A_128 = arith.constant 0 : i32
    %dma_start3A_129 = tpu.memref_slice %arg6[%dma_start3A_126, %dma_start3A_127, %dma_start3A_128] : memref<4x80x128xf32, #tpu.memory_space<vmem>> -> memref<1x80x128xf32, #tpu.memory_space<vmem>>
    %dma_start3A_130 = tpu.memref_squeeze %dma_start3A_129 : memref<1x80x128xf32, #tpu.memory_space<vmem>> -> memref<80x128xf32, #tpu.memory_space<vmem>>
    %dma_start3A_131 = arith.constant 0 : i32
    %dma_start3A_132 = tpu.memref_slice %arg5[%dma_start3A_124, %dma_start3A_125, %dma_start3A_131] : memref<4x2x80xi32, #tpu.memory_space<vmem>> -> memref<1x1x80xi32, #tpu.memory_space<vmem>>
    %dma_start3A_133 = tpu.memref_squeeze %dma_start3A_132 : memref<1x1x80xi32, #tpu.memory_space<vmem>> -> memref<80xi32, #tpu.memory_space<vmem>>
    %dma_start3A_134 = arith.constant 0 : i32
    %dma_start3A_135 = arith.constant 0 : i32
    %dma_start3A_136 = tpu.memref_slice %arg2[%dma_start3A_134, %dma_start3A_135] : memref<20000x128xf32, #tpu.memory_space<hbm>> -> memref<20000x128xf32, #tpu.memory_space<hbm>>
    tpu.enqueue_indirect_dma source(%dma_start3A_136 : memref<20000x128xf32, #tpu.memory_space<hbm>>) target(%dma_start3A_130 : memref<80x128xf32, #tpu.memory_space<vmem>>) offsets(%dma_start3A_133 : memref<80xi32, #tpu.memory_space<vmem>>) semaphore(%arg12 : memref<!tpu.dma_semaphore, #tpu.memory_space<semaphore_mem>>)
    %add3A_137 = arith.constant 1 : i32
    %add3A_138 = arith.addi %mul3A_30, %add3A_137 : i32
    %dma_wait3A_139 = arith.constant 1 : i32
    %dma_wait3A_140 = arith.constant 0 : i32
    %dma_wait3A_141 = arith.constant 0 : i32
    %dma_wait3A_142 = tpu.memref_slice %arg5[%dma_wait3A_139, %dma_wait3A_140, %dma_wait3A_141] : memref<4x2x80xi32, #tpu.memory_space<vmem>> -> memref<1x2x80xi32, #tpu.memory_space<vmem>>
    %dma_wait3A_143 = tpu.memref_squeeze %dma_wait3A_142 : memref<1x2x80xi32, #tpu.memory_space<vmem>> -> memref<2x80xi32, #tpu.memory_space<vmem>>
    %dma_wait3A_144 = arith.constant 0 : i32
    %dma_wait3A_145 = arith.constant 0 : i32
    %dma_wait3A_146 = tpu.memref_slice %arg3[%arg0, %add3A_138, %dma_wait3A_144, %dma_wait3A_145] : memref<2x4096x2x80xi32, #tpu.memory_space<hbm>> -> memref<1x1x2x80xi32, #tpu.memory_space<hbm>>
    %dma_wait3A_147 = tpu.memref_squeeze %dma_wait3A_146 : memref<1x1x2x80xi32, #tpu.memory_space<hbm>> -> memref<2x80xi32, #tpu.memory_space<hbm>>
    %dma_wait3A_148 = arith.constant 0 : i32
    %dma_wait3A_149 = arith.constant 0 : i32
    %dma_wait3A_150 = tpu.memref_slice %arg5[%dma_wait3A_139, %dma_wait3A_148, %dma_wait3A_149] : memref<4x2x80xi32, #tpu.memory_space<vmem>> -> memref<1x2x80xi32, #tpu.memory_space<vmem>>
    %dma_wait3A_151 = tpu.memref_squeeze %dma_wait3A_150 : memref<1x2x80xi32, #tpu.memory_space<vmem>> -> memref<2x80xi32, #tpu.memory_space<vmem>>
    %dma_wait3A_152 = arith.constant 0 : i32
    %dma_wait3A_153 = arith.constant 0 : i32
    %dma_wait3A_154 = tpu.memref_slice %arg3[%arg0, %add3A_138, %dma_wait3A_152, %dma_wait3A_153] : memref<2x4096x2x80xi32, #tpu.memory_space<hbm>> -> memref<1x1x2x80xi32, #tpu.memory_space<hbm>>
    %dma_wait3A_155 = tpu.memref_squeeze %dma_wait3A_154 : memref<1x1x2x80xi32, #tpu.memory_space<hbm>> -> memref<2x80xi32, #tpu.memory_space<hbm>>
    tpu.wait_dma2 semaphore(%arg9 : memref<!tpu.dma_semaphore, #tpu.memory_space<semaphore_mem>>) src(%dma_wait3A_155 : memref<2x80xi32, #tpu.memory_space<hbm>>) dst(%dma_wait3A_151 : memref<2x80xi32, #tpu.memory_space<vmem>>)
    %dma_start3A_156 = arith.constant 1 : i32
    %dma_start3A_157 = arith.constant 0 : i32
    %dma_start3A_158 = arith.constant 1 : i32
    %dma_start3A_159 = arith.constant 0 : i32
    %dma_start3A_160 = arith.constant 0 : i32
    %dma_start3A_161 = tpu.memref_slice %arg6[%dma_start3A_158, %dma_start3A_159, %dma_start3A_160] : memref<4x80x128xf32, #tpu.memory_space<vmem>> -> memref<1x80x128xf32, #tpu.memory_space<vmem>>
    %dma_start3A_162 = tpu.memref_squeeze %dma_start3A_161 : memref<1x80x128xf32, #tpu.memory_space<vmem>> -> memref<80x128xf32, #tpu.memory_space<vmem>>
    %dma_start3A_163 = arith.constant 0 : i32
    %dma_start3A_164 = tpu.memref_slice %arg5[%dma_start3A_156, %dma_start3A_157, %dma_start3A_163] : memref<4x2x80xi32, #tpu.memory_space<vmem>> -> memref<1x1x80xi32, #tpu.memory_space<vmem>>
    %dma_start3A_165 = tpu.memref_squeeze %dma_start3A_164 : memref<1x1x80xi32, #tpu.memory_space<vmem>> -> memref<80xi32, #tpu.memory_space<vmem>>
    %dma_start3A_166 = arith.constant 0 : i32
    %dma_start3A_167 = arith.constant 0 : i32
    %dma_start3A_168 = tpu.memref_slice %arg2[%dma_start3A_166, %dma_start3A_167] : memref<20000x128xf32, #tpu.memory_space<hbm>> -> memref<20000x128xf32, #tpu.memory_space<hbm>>
    tpu.enqueue_indirect_dma source(%dma_start3A_168 : memref<20000x128xf32, #tpu.memory_space<hbm>>) target(%dma_start3A_162 : memref<80x128xf32, #tpu.memory_space<vmem>>) offsets(%dma_start3A_165 : memref<80xi32, #tpu.memory_space<vmem>>) semaphore(%arg13 : memref<!tpu.dma_semaphore, #tpu.memory_space<semaphore_mem>>)
    %dma_wait3A_169 = arith.constant 0 : i32
    %dma_wait3A_170 = arith.constant 0 : i32
    %dma_wait3A_171 = arith.constant 0 : i32
    %dma_wait3A_172 = arith.constant 0 : i32
    %dma_wait3A_173 = arith.constant 0 : i32
    %dma_wait3A_174 = tpu.memref_slice %arg6[%dma_wait3A_171, %dma_wait3A_172, %dma_wait3A_173] : memref<4x80x128xf32, #tpu.memory_space<vmem>> -> memref<1x80x128xf32, #tpu.memory_space<vmem>>
    %dma_wait3A_175 = tpu.memref_squeeze %dma_wait3A_174 : memref<1x80x128xf32, #tpu.memory_space<vmem>> -> memref<80x128xf32, #tpu.memory_space<vmem>>
    %dma_wait3A_176 = arith.constant 0 : i32
    %dma_wait3A_177 = tpu.memref_slice %arg5[%dma_wait3A_169, %dma_wait3A_170, %dma_wait3A_176] : memref<4x2x80xi32, #tpu.memory_space<vmem>> -> memref<1x1x80xi32, #tpu.memory_space<vmem>>
    %dma_wait3A_178 = tpu.memref_squeeze %dma_wait3A_177 : memref<1x1x80xi32, #tpu.memory_space<vmem>> -> memref<80xi32, #tpu.memory_space<vmem>>
    %dma_wait3A_179 = arith.constant 0 : i32
    %dma_wait3A_180 = arith.constant 0 : i32
    %dma_wait3A_181 = tpu.memref_slice %arg2[%dma_wait3A_179, %dma_wait3A_180] : memref<20000x128xf32, #tpu.memory_space<hbm>> -> memref<20000x128xf32, #tpu.memory_space<hbm>>
    tpu.wait_indirect_dma semaphore(%arg12 : memref<!tpu.dma_semaphore, #tpu.memory_space<semaphore_mem>>) src(%dma_wait3A_181 : memref<20000x128xf32, #tpu.memory_space<hbm>>) dst(%dma_wait3A_175 : memref<80x128xf32, #tpu.memory_space<vmem>>)
    %dma_start3A_182 = arith.constant 0 : i32
    %dma_start3A_183 = arith.constant 0 : i32
    %dma_start3A_184 = arith.constant 1 : i32
    %dma_start3A_185 = arith.constant 0 : i32
    %dma_start3A_186 = arith.constant 0 : i32
    %dma_start3A_187 = tpu.memref_slice %arg6[%dma_start3A_182, %dma_start3A_185, %dma_start3A_186] : memref<4x80x128xf32, #tpu.memory_space<vmem>> -> memref<1x80x128xf32, #tpu.memory_space<vmem>>
    %dma_start3A_188 = tpu.memref_squeeze %dma_start3A_187 : memref<1x80x128xf32, #tpu.memory_space<vmem>> -> memref<80x128xf32, #tpu.memory_space<vmem>>
    %dma_start3A_189 = arith.constant 0 : i32
    %dma_start3A_190 = tpu.memref_slice %arg5[%dma_start3A_183, %dma_start3A_184, %dma_start3A_189] : memref<4x2x80xi32, #tpu.memory_space<vmem>> -> memref<1x1x80xi32, #tpu.memory_space<vmem>>
    %dma_start3A_191 = tpu.memref_squeeze %dma_start3A_190 : memref<1x1x80xi32, #tpu.memory_space<vmem>> -> memref<80xi32, #tpu.memory_space<vmem>>
    %dma_start3A_192 = arith.constant 0 : i32
    %dma_start3A_193 = arith.constant 0 : i32
    %dma_start3A_194 = tpu.memref_slice %arg7[%dma_start3A_192, %dma_start3A_193] : memref<10240x128xf32, #tpu.memory_space<vmem_shared>> -> memref<10240x128xf32, #tpu.memory_space<vmem_shared>>
    tpu.enqueue_indirect_dma source(%dma_start3A_188 : memref<80x128xf32, #tpu.memory_space<vmem>>) target(%dma_start3A_194 : memref<10240x128xf32, #tpu.memory_space<vmem_shared>>) offsets(%dma_start3A_191 : memref<80xi32, #tpu.memory_space<vmem>>) semaphore(%arg16 : memref<!tpu.dma_semaphore, #tpu.memory_space<semaphore_mem>>) {add = true}
    %add3A_195 = arith.constant 2 : i32
    %add3A_196 = arith.addi %mul3A_30, %add3A_195 : i32
    %dma_wait3A_197 = arith.constant 2 : i32
    %dma_wait3A_198 = arith.constant 0 : i32
    %dma_wait3A_199 = arith.constant 0 : i32
    %dma_wait3A_200 = tpu.memref_slice %arg5[%dma_wait3A_197, %dma_wait3A_198, %dma_wait3A_199] : memref<4x2x80xi32, #tpu.memory_space<vmem>> -> memref<1x2x80xi32, #tpu.memory_space<vmem>>
    %dma_wait3A_201 = tpu.memref_squeeze %dma_wait3A_200 : memref<1x2x80xi32, #tpu.memory_space<vmem>> -> memref<2x80xi32, #tpu.memory_space<vmem>>
    %dma_wait3A_202 = arith.constant 0 : i32
    %dma_wait3A_203 = arith.constant 0 : i32
    %dma_wait3A_204 = tpu.memref_slice %arg3[%arg0, %add3A_196, %dma_wait3A_202, %dma_wait3A_203] : memref<2x4096x2x80xi32, #tpu.memory_space<hbm>> -> memref<1x1x2x80xi32, #tpu.memory_space<hbm>>
    %dma_wait3A_205 = tpu.memref_squeeze %dma_wait3A_204 : memref<1x1x2x80xi32, #tpu.memory_space<hbm>> -> memref<2x80xi32, #tpu.memory_space<hbm>>
    %dma_wait3A_206 = arith.constant 0 : i32
    %dma_wait3A_207 = arith.constant 0 : i32
    %dma_wait3A_208 = tpu.memref_slice %arg5[%dma_wait3A_197, %dma_wait3A_206, %dma_wait3A_207] : memref<4x2x80xi32, #tpu.memory_space<vmem>> -> memref<1x2x80xi32, #tpu.memory_space<vmem>>
    %dma_wait3A_209 = tpu.memref_squeeze %dma_wait3A_208 : memref<1x2x80xi32, #tpu.memory_space<vmem>> -> memref<2x80xi32, #tpu.memory_space<vmem>>
    %dma_wait3A_210 = arith.constant 0 : i32
    %dma_wait3A_211 = arith.constant 0 : i32
    %dma_wait3A_212 = tpu.memref_slice %arg3[%arg0, %add3A_196, %dma_wait3A_210, %dma_wait3A_211] : memref<2x4096x2x80xi32, #tpu.memory_space<hbm>> -> memref<1x1x2x80xi32, #tpu.memory_space<hbm>>
    %dma_wait3A_213 = tpu.memref_squeeze %dma_wait3A_212 : memref<1x1x2x80xi32, #tpu.memory_space<hbm>> -> memref<2x80xi32, #tpu.memory_space<hbm>>
    tpu.wait_dma2 semaphore(%arg10 : memref<!tpu.dma_semaphore, #tpu.memory_space<semaphore_mem>>) src(%dma_wait3A_213 : memref<2x80xi32, #tpu.memory_space<hbm>>) dst(%dma_wait3A_209 : memref<2x80xi32, #tpu.memory_space<vmem>>)
    %dma_start3A_214 = arith.constant 2 : i32
    %dma_start3A_215 = arith.constant 0 : i32
    %dma_start3A_216 = arith.constant 2 : i32
    %dma_start3A_217 = arith.constant 0 : i32
    %dma_start3A_218 = arith.constant 0 : i32
    %dma_start3A_219 = tpu.memref_slice %arg6[%dma_start3A_216, %dma_start3A_217, %dma_start3A_218] : memref<4x80x128xf32, #tpu.memory_space<vmem>> -> memref<1x80x128xf32, #tpu.memory_space<vmem>>
    %dma_start3A_220 = tpu.memref_squeeze %dma_start3A_219 : memref<1x80x128xf32, #tpu.memory_space<vmem>> -> memref<80x128xf32, #tpu.memory_space<vmem>>
    %dma_start3A_221 = arith.constant 0 : i32
    %dma_start3A_222 = tpu.memref_slice %arg5[%dma_start3A_214, %dma_start3A_215, %dma_start3A_221] : memref<4x2x80xi32, #tpu.memory_space<vmem>> -> memref<1x1x80xi32, #tpu.memory_space<vmem>>
    %dma_start3A_223 = tpu.memref_squeeze %dma_start3A_222 : memref<1x1x80xi32, #tpu.memory_space<vmem>> -> memref<80xi32, #tpu.memory_space<vmem>>
    %dma_start3A_224 = arith.constant 0 : i32
    %dma_start3A_225 = arith.constant 0 : i32
    %dma_start3A_226 = tpu.memref_slice %arg2[%dma_start3A_224, %dma_start3A_225] : memref<20000x128xf32, #tpu.memory_space<hbm>> -> memref<20000x128xf32, #tpu.memory_space<hbm>>
    tpu.enqueue_indirect_dma source(%dma_start3A_226 : memref<20000x128xf32, #tpu.memory_space<hbm>>) target(%dma_start3A_220 : memref<80x128xf32, #tpu.memory_space<vmem>>) offsets(%dma_start3A_223 : memref<80xi32, #tpu.memory_space<vmem>>) semaphore(%arg14 : memref<!tpu.dma_semaphore, #tpu.memory_space<semaphore_mem>>)
    %dma_wait3A_227 = arith.constant 1 : i32
    %dma_wait3A_228 = arith.constant 0 : i32
    %dma_wait3A_229 = arith.constant 1 : i32
    %dma_wait3A_230 = arith.constant 0 : i32
    %dma_wait3A_231 = arith.constant 0 : i32
    %dma_wait3A_232 = tpu.memref_slice %arg6[%dma_wait3A_229, %dma_wait3A_230, %dma_wait3A_231] : memref<4x80x128xf32, #tpu.memory_space<vmem>> -> memref<1x80x128xf32, #tpu.memory_space<vmem>>
    %dma_wait3A_233 = tpu.memref_squeeze %dma_wait3A_232 : memref<1x80x128xf32, #tpu.memory_space<vmem>> -> memref<80x128xf32, #tpu.memory_space<vmem>>
    %dma_wait3A_234 = arith.constant 0 : i32
    %dma_wait3A_235 = tpu.memref_slice %arg5[%dma_wait3A_227, %dma_wait3A_228, %dma_wait3A_234] : memref<4x2x80xi32, #tpu.memory_space<vmem>> -> memref<1x1x80xi32, #tpu.memory_space<vmem>>
    %dma_wait3A_236 = tpu.memref_squeeze %dma_wait3A_235 : memref<1x1x80xi32, #tpu.memory_space<vmem>> -> memref<80xi32, #tpu.memory_space<vmem>>
    %dma_wait3A_237 = arith.constant 0 : i32
    %dma_wait3A_238 = arith.constant 0 : i32
    %dma_wait3A_239 = tpu.memref_slice %arg2[%dma_wait3A_237, %dma_wait3A_238] : memref<20000x128xf32, #tpu.memory_space<hbm>> -> memref<20000x128xf32, #tpu.memory_space<hbm>>
    tpu.wait_indirect_dma semaphore(%arg13 : memref<!tpu.dma_semaphore, #tpu.memory_space<semaphore_mem>>) src(%dma_wait3A_239 : memref<20000x128xf32, #tpu.memory_space<hbm>>) dst(%dma_wait3A_233 : memref<80x128xf32, #tpu.memory_space<vmem>>)
    %dma_start3A_240 = arith.constant 1 : i32
    %dma_start3A_241 = arith.constant 1 : i32
    %dma_start3A_242 = arith.constant 1 : i32
    %dma_start3A_243 = arith.constant 0 : i32
    %dma_start3A_244 = arith.constant 0 : i32
    %dma_start3A_245 = tpu.memref_slice %arg6[%dma_start3A_240, %dma_start3A_243, %dma_start3A_244] : memref<4x80x128xf32, #tpu.memory_space<vmem>> -> memref<1x80x128xf32, #tpu.memory_space<vmem>>
    %dma_start3A_246 = tpu.memref_squeeze %dma_start3A_245 : memref<1x80x128xf32, #tpu.memory_space<vmem>> -> memref<80x128xf32, #tpu.memory_space<vmem>>
    %dma_start3A_247 = arith.constant 0 : i32
    %dma_start3A_248 = tpu.memref_slice %arg5[%dma_start3A_241, %dma_start3A_242, %dma_start3A_247] : memref<4x2x80xi32, #tpu.memory_space<vmem>> -> memref<1x1x80xi32, #tpu.memory_space<vmem>>
    %dma_start3A_249 = tpu.memref_squeeze %dma_start3A_248 : memref<1x1x80xi32, #tpu.memory_space<vmem>> -> memref<80xi32, #tpu.memory_space<vmem>>
    %dma_start3A_250 = arith.constant 0 : i32
    %dma_start3A_251 = arith.constant 0 : i32
    %dma_start3A_252 = tpu.memref_slice %arg7[%dma_start3A_250, %dma_start3A_251] : memref<10240x128xf32, #tpu.memory_space<vmem_shared>> -> memref<10240x128xf32, #tpu.memory_space<vmem_shared>>
    tpu.enqueue_indirect_dma source(%dma_start3A_246 : memref<80x128xf32, #tpu.memory_space<vmem>>) target(%dma_start3A_252 : memref<10240x128xf32, #tpu.memory_space<vmem_shared>>) offsets(%dma_start3A_249 : memref<80xi32, #tpu.memory_space<vmem>>) semaphore(%arg17 : memref<!tpu.dma_semaphore, #tpu.memory_space<semaphore_mem>>) {add = true}
    %add3A_253 = arith.constant 3 : i32
    %add3A_254 = arith.addi %mul3A_30, %add3A_253 : i32
    %dma_wait3A_255 = arith.constant 3 : i32
    %dma_wait3A_256 = arith.constant 0 : i32
    %dma_wait3A_257 = arith.constant 0 : i32
    %dma_wait3A_258 = tpu.memref_slice %arg5[%dma_wait3A_255, %dma_wait3A_256, %dma_wait3A_257] : memref<4x2x80xi32, #tpu.memory_space<vmem>> -> memref<1x2x80xi32, #tpu.memory_space<vmem>>
    %dma_wait3A_259 = tpu.memref_squeeze %dma_wait3A_258 : memref<1x2x80xi32, #tpu.memory_space<vmem>> -> memref<2x80xi32, #tpu.memory_space<vmem>>
    %dma_wait3A_260 = arith.constant 0 : i32
    %dma_wait3A_261 = arith.constant 0 : i32
    %dma_wait3A_262 = tpu.memref_slice %arg3[%arg0, %add3A_254, %dma_wait3A_260, %dma_wait3A_261] : memref<2x4096x2x80xi32, #tpu.memory_space<hbm>> -> memref<1x1x2x80xi32, #tpu.memory_space<hbm>>
    %dma_wait3A_263 = tpu.memref_squeeze %dma_wait3A_262 : memref<1x1x2x80xi32, #tpu.memory_space<hbm>> -> memref<2x80xi32, #tpu.memory_space<hbm>>
    %dma_wait3A_264 = arith.constant 0 : i32
    %dma_wait3A_265 = arith.constant 0 : i32
    %dma_wait3A_266 = tpu.memref_slice %arg5[%dma_wait3A_255, %dma_wait3A_264, %dma_wait3A_265] : memref<4x2x80xi32, #tpu.memory_space<vmem>> -> memref<1x2x80xi32, #tpu.memory_space<vmem>>
    %dma_wait3A_267 = tpu.memref_squeeze %dma_wait3A_266 : memref<1x2x80xi32, #tpu.memory_space<vmem>> -> memref<2x80xi32, #tpu.memory_space<vmem>>
    %dma_wait3A_268 = arith.constant 0 : i32
    %dma_wait3A_269 = arith.constant 0 : i32
    %dma_wait3A_270 = tpu.memref_slice %arg3[%arg0, %add3A_254, %dma_wait3A_268, %dma_wait3A_269] : memref<2x4096x2x80xi32, #tpu.memory_space<hbm>> -> memref<1x1x2x80xi32, #tpu.memory_space<hbm>>
    %dma_wait3A_271 = tpu.memref_squeeze %dma_wait3A_270 : memref<1x1x2x80xi32, #tpu.memory_space<hbm>> -> memref<2x80xi32, #tpu.memory_space<hbm>>
    tpu.wait_dma2 semaphore(%arg11 : memref<!tpu.dma_semaphore, #tpu.memory_space<semaphore_mem>>) src(%dma_wait3A_271 : memref<2x80xi32, #tpu.memory_space<hbm>>) dst(%dma_wait3A_267 : memref<2x80xi32, #tpu.memory_space<vmem>>)
    %dma_start3A_272 = arith.constant 3 : i32
    %dma_start3A_273 = arith.constant 0 : i32
    %dma_start3A_274 = arith.constant 3 : i32
    %dma_start3A_275 = arith.constant 0 : i32
    %dma_start3A_276 = arith.constant 0 : i32
    %dma_start3A_277 = tpu.memref_slice %arg6[%dma_start3A_274, %dma_start3A_275, %dma_start3A_276] : memref<4x80x128xf32, #tpu.memory_space<vmem>> -> memref<1x80x128xf32, #tpu.memory_space<vmem>>
    %dma_start3A_278 = tpu.memref_squeeze %dma_start3A_277 : memref<1x80x128xf32, #tpu.memory_space<vmem>> -> memref<80x128xf32, #tpu.memory_space<vmem>>
    %dma_start3A_279 = arith.constant 0 : i32
    %dma_start3A_280 = tpu.memref_slice %arg5[%dma_start3A_272, %dma_start3A_273, %dma_start3A_279] : memref<4x2x80xi32, #tpu.memory_space<vmem>> -> memref<1x1x80xi32, #tpu.memory_space<vmem>>
    %dma_start3A_281 = tpu.memref_squeeze %dma_start3A_280 : memref<1x1x80xi32, #tpu.memory_space<vmem>> -> memref<80xi32, #tpu.memory_space<vmem>>
    %dma_start3A_282 = arith.constant 0 : i32
    %dma_start3A_283 = arith.constant 0 : i32
    %dma_start3A_284 = tpu.memref_slice %arg2[%dma_start3A_282, %dma_start3A_283] : memref<20000x128xf32, #tpu.memory_space<hbm>> -> memref<20000x128xf32, #tpu.memory_space<hbm>>
    tpu.enqueue_indirect_dma source(%dma_start3A_284 : memref<20000x128xf32, #tpu.memory_space<hbm>>) target(%dma_start3A_278 : memref<80x128xf32, #tpu.memory_space<vmem>>) offsets(%dma_start3A_281 : memref<80xi32, #tpu.memory_space<vmem>>) semaphore(%arg15 : memref<!tpu.dma_semaphore, #tpu.memory_space<semaphore_mem>>)
    %scan3A_285 = arith.constant 0 : i32
    %scan3A_286 = arith.constant 0 : i32
    %scan3A_287 = arith.constant 63 : i32
    %scan3A_288 = arith.addi %scan3A_286, %scan3A_287 : i32
    %scan3A_289 = arith.constant 1 : i32
    scf.for %scan3A_444 = %scan3A_286 to %scan3A_288 step %scan3A_289  : i32 {
      %mul3A_445 = arith.constant 4 : i32
      %mul3A_446 = arith.muli %scan3A_444, %mul3A_445 : i32
      %add3A_447 = arith.constant 2 : i32
      %add3A_448 = arith.addi %mul3A_446, %add3A_447 : i32
      %dma_wait3A_449 = arith.constant 0 : i32
      %dma_wait3A_450 = arith.constant 0 : i32
      %dma_wait3A_451 = arith.constant 1 : i32
      %dma_wait3A_452 = arith.constant 0 : i32
      %dma_wait3A_453 = arith.constant 0 : i32
      %dma_wait3A_454 = tpu.memref_slice %arg6[%dma_wait3A_449, %dma_wait3A_452, %dma_wait3A_453] : memref<4x80x128xf32, #tpu.memory_space<vmem>> -> memref<1x80x128xf32, #tpu.memory_space<vmem>>
      %dma_wait3A_455 = tpu.memref_squeeze %dma_wait3A_454 : memref<1x80x128xf32, #tpu.memory_space<vmem>> -> memref<80x128xf32, #tpu.memory_space<vmem>>
      %dma_wait3A_456 = arith.constant 0 : i32
      %dma_wait3A_457 = tpu.memref_slice %arg5[%dma_wait3A_450, %dma_wait3A_451, %dma_wait3A_456] : memref<4x2x80xi32, #tpu.memory_space<vmem>> -> memref<1x1x80xi32, #tpu.memory_space<vmem>>
      %dma_wait3A_458 = tpu.memref_squeeze %dma_wait3A_457 : memref<1x1x80xi32, #tpu.memory_space<vmem>> -> memref<80xi32, #tpu.memory_space<vmem>>
      %dma_wait3A_459 = arith.constant 0 : i32
      %dma_wait3A_460 = arith.constant 0 : i32
      %dma_wait3A_461 = tpu.memref_slice %arg7[%dma_wait3A_459, %dma_wait3A_460] : memref<10240x128xf32, #tpu.memory_space<vmem_shared>> -> memref<10240x128xf32, #tpu.memory_space<vmem_shared>>
      tpu.wait_indirect_dma semaphore(%arg16 : memref<!tpu.dma_semaphore, #tpu.memory_space<semaphore_mem>>) src(%dma_wait3A_455 : memref<80x128xf32, #tpu.memory_space<vmem>>) dst(%dma_wait3A_461 : memref<10240x128xf32, #tpu.memory_space<vmem_shared>>)
      %add3A_462 = arith.constant 2 : i32
      %add3A_463 = arith.addi %add3A_448, %add3A_462 : i32
      %add3A_464 = arith.addi %mul3A_30, %add3A_463 : i32
      %dma_start3A_465 = arith.constant 0 : i32
      %dma_start3A_466 = arith.constant 0 : i32
      %dma_start3A_467 = arith.constant 0 : i32
      %dma_start3A_468 = tpu.memref_slice %arg5[%dma_start3A_465, %dma_start3A_466, %dma_start3A_467] : memref<4x2x80xi32, #tpu.memory_space<vmem>> -> memref<1x2x80xi32, #tpu.memory_space<vmem>>
      %dma_start3A_469 = tpu.memref_squeeze %dma_start3A_468 : memref<1x2x80xi32, #tpu.memory_space<vmem>> -> memref<2x80xi32, #tpu.memory_space<vmem>>
      %dma_start3A_470 = arith.constant 0 : i32
      %dma_start3A_471 = arith.constant 0 : i32
      %dma_start3A_472 = tpu.memref_slice %arg3[%arg0, %add3A_464, %dma_start3A_470, %dma_start3A_471] : memref<2x4096x2x80xi32, #tpu.memory_space<hbm>> -> memref<1x1x2x80xi32, #tpu.memory_space<hbm>>
      %dma_start3A_473 = tpu.memref_squeeze %dma_start3A_472 : memref<1x1x2x80xi32, #tpu.memory_space<hbm>> -> memref<2x80xi32, #tpu.memory_space<hbm>>
      %dma_start3A_474 = arith.constant 0 : i32
      %dma_start3A_475 = arith.constant 0 : i32
      %dma_start3A_476 = tpu.memref_slice %arg5[%dma_start3A_465, %dma_start3A_474, %dma_start3A_475] : memref<4x2x80xi32, #tpu.memory_space<vmem>> -> memref<1x2x80xi32, #tpu.memory_space<vmem>>
      %dma_start3A_477 = tpu.memref_squeeze %dma_start3A_476 : memref<1x2x80xi32, #tpu.memory_space<vmem>> -> memref<2x80xi32, #tpu.memory_space<vmem>>
      %dma_start3A_478 = arith.constant 0 : i32
      %dma_start3A_479 = arith.constant 0 : i32
      %dma_start3A_480 = tpu.memref_slice %arg3[%arg0, %add3A_464, %dma_start3A_478, %dma_start3A_479] : memref<2x4096x2x80xi32, #tpu.memory_space<hbm>> -> memref<1x1x2x80xi32, #tpu.memory_space<hbm>>
      %dma_start3A_481 = tpu.memref_squeeze %dma_start3A_480 : memref<1x1x2x80xi32, #tpu.memory_space<hbm>> -> memref<2x80xi32, #tpu.memory_space<hbm>>
      tpu.enqueue_dma source(%dma_start3A_481 : memref<2x80xi32, #tpu.memory_space<hbm>>) target(%dma_start3A_477 : memref<2x80xi32, #tpu.memory_space<vmem>>) target_semaphore(%arg8 : memref<!tpu.dma_semaphore, #tpu.memory_space<semaphore_mem>>)
      %dma_wait3A_482 = arith.constant 2 : i32
      %dma_wait3A_483 = arith.constant 0 : i32
      %dma_wait3A_484 = arith.constant 2 : i32
      %dma_wait3A_485 = arith.constant 0 : i32
      %dma_wait3A_486 = arith.constant 0 : i32
      %dma_wait3A_487 = tpu.memref_slice %arg6[%dma_wait3A_484, %dma_wait3A_485, %dma_wait3A_486] : memref<4x80x128xf32, #tpu.memory_space<vmem>> -> memref<1x80x128xf32, #tpu.memory_space<vmem>>
      %dma_wait3A_488 = tpu.memref_squeeze %dma_wait3A_487 : memref<1x80x128xf32, #tpu.memory_space<vmem>> -> memref<80x128xf32, #tpu.memory_space<vmem>>
      %dma_wait3A_489 = arith.constant 0 : i32
      %dma_wait3A_490 = tpu.memref_slice %arg5[%dma_wait3A_482, %dma_wait3A_483, %dma_wait3A_489] : memref<4x2x80xi32, #tpu.memory_space<vmem>> -> memref<1x1x80xi32, #tpu.memory_space<vmem>>
      %dma_wait3A_491 = tpu.memref_squeeze %dma_wait3A_490 : memref<1x1x80xi32, #tpu.memory_space<vmem>> -> memref<80xi32, #tpu.memory_space<vmem>>
      %dma_wait3A_492 = arith.constant 0 : i32
      %dma_wait3A_493 = arith.constant 0 : i32
      %dma_wait3A_494 = tpu.memref_slice %arg2[%dma_wait3A_492, %dma_wait3A_493] : memref<20000x128xf32, #tpu.memory_space<hbm>> -> memref<20000x128xf32, #tpu.memory_space<hbm>>
      tpu.wait_indirect_dma semaphore(%arg14 : memref<!tpu.dma_semaphore, #tpu.memory_space<semaphore_mem>>) src(%dma_wait3A_494 : memref<20000x128xf32, #tpu.memory_space<hbm>>) dst(%dma_wait3A_488 : memref<80x128xf32, #tpu.memory_space<vmem>>)
      %dma_start3A_495 = arith.constant 2 : i32
      %dma_start3A_496 = arith.constant 2 : i32
      %dma_start3A_497 = arith.constant 1 : i32
      %dma_start3A_498 = arith.constant 0 : i32
      %dma_start3A_499 = arith.constant 0 : i32
      %dma_start3A_500 = tpu.memref_slice %arg6[%dma_start3A_495, %dma_start3A_498, %dma_start3A_499] : memref<4x80x128xf32, #tpu.memory_space<vmem>> -> memref<1x80x128xf32, #tpu.memory_space<vmem>>
      %dma_start3A_501 = tpu.memref_squeeze %dma_start3A_500 : memref<1x80x128xf32, #tpu.memory_space<vmem>> -> memref<80x128xf32, #tpu.memory_space<vmem>>
      %dma_start3A_502 = arith.constant 0 : i32
      %dma_start3A_503 = tpu.memref_slice %arg5[%dma_start3A_496, %dma_start3A_497, %dma_start3A_502] : memref<4x2x80xi32, #tpu.memory_space<vmem>> -> memref<1x1x80xi32, #tpu.memory_space<vmem>>
      %dma_start3A_504 = tpu.memref_squeeze %dma_start3A_503 : memref<1x1x80xi32, #tpu.memory_space<vmem>> -> memref<80xi32, #tpu.memory_space<vmem>>
      %dma_start3A_505 = arith.constant 0 : i32
      %dma_start3A_506 = arith.constant 0 : i32
      %dma_start3A_507 = tpu.memref_slice %arg7[%dma_start3A_505, %dma_start3A_506] : memref<10240x128xf32, #tpu.memory_space<vmem_shared>> -> memref<10240x128xf32, #tpu.memory_space<vmem_shared>>
      tpu.enqueue_indirect_dma source(%dma_start3A_501 : memref<80x128xf32, #tpu.memory_space<vmem>>) target(%dma_start3A_507 : memref<10240x128xf32, #tpu.memory_space<vmem_shared>>) offsets(%dma_start3A_504 : memref<80xi32, #tpu.memory_space<vmem>>) semaphore(%arg18 : memref<!tpu.dma_semaphore, #tpu.memory_space<semaphore_mem>>) {add = true}
      %add3A_508 = arith.constant 2 : i32
      %add3A_509 = arith.addi %add3A_448, %add3A_508 : i32
      %add3A_510 = arith.addi %mul3A_30, %add3A_509 : i32
      %dma_wait3A_511 = arith.constant 0 : i32
      %dma_wait3A_512 = arith.constant 0 : i32
      %dma_wait3A_513 = arith.constant 0 : i32
      %dma_wait3A_514 = tpu.memref_slice %arg5[%dma_wait3A_511, %dma_wait3A_512, %dma_wait3A_513] : memref<4x2x80xi32, #tpu.memory_space<vmem>> -> memref<1x2x80xi32, #tpu.memory_space<vmem>>
      %dma_wait3A_515 = tpu.memref_squeeze %dma_wait3A_514 : memref<1x2x80xi32, #tpu.memory_space<vmem>> -> memref<2x80xi32, #tpu.memory_space<vmem>>
      %dma_wait3A_516 = arith.constant 0 : i32
      %dma_wait3A_517 = arith.constant 0 : i32
      %dma_wait3A_518 = tpu.memref_slice %arg3[%arg0, %add3A_510, %dma_wait3A_516, %dma_wait3A_517] : memref<2x4096x2x80xi32, #tpu.memory_space<hbm>> -> memref<1x1x2x80xi32, #tpu.memory_space<hbm>>
      %dma_wait3A_519 = tpu.memref_squeeze %dma_wait3A_518 : memref<1x1x2x80xi32, #tpu.memory_space<hbm>> -> memref<2x80xi32, #tpu.memory_space<hbm>>
      %dma_wait3A_520 = arith.constant 0 : i32
      %dma_wait3A_521 = arith.constant 0 : i32
      %dma_wait3A_522 = tpu.memref_slice %arg5[%dma_wait3A_511, %dma_wait3A_520, %dma_wait3A_521] : memref<4x2x80xi32, #tpu.memory_space<vmem>> -> memref<1x2x80xi32, #tpu.memory_space<vmem>>
      %dma_wait3A_523 = tpu.memref_squeeze %dma_wait3A_522 : memref<1x2x80xi32, #tpu.memory_space<vmem>> -> memref<2x80xi32, #tpu.memory_space<vmem>>
      %dma_wait3A_524 = arith.constant 0 : i32
      %dma_wait3A_525 = arith.constant 0 : i32
      %dma_wait3A_526 = tpu.memref_slice %arg3[%arg0, %add3A_510, %dma_wait3A_524, %dma_wait3A_525] : memref<2x4096x2x80xi32, #tpu.memory_space<hbm>> -> memref<1x1x2x80xi32, #tpu.memory_space<hbm>>
      %dma_wait3A_527 = tpu.memref_squeeze %dma_wait3A_526 : memref<1x1x2x80xi32, #tpu.memory_space<hbm>> -> memref<2x80xi32, #tpu.memory_space<hbm>>
      tpu.wait_dma2 semaphore(%arg8 : memref<!tpu.dma_semaphore, #tpu.memory_space<semaphore_mem>>) src(%dma_wait3A_527 : memref<2x80xi32, #tpu.memory_space<hbm>>) dst(%dma_wait3A_523 : memref<2x80xi32, #tpu.memory_space<vmem>>)
      %add3A_528 = arith.constant 2 : i32
      %add3A_529 = arith.addi %add3A_448, %add3A_528 : i32
      %dma_start3A_530 = arith.constant 0 : i32
      %dma_start3A_531 = arith.constant 0 : i32
      %dma_start3A_532 = arith.constant 0 : i32
      %dma_start3A_533 = arith.constant 0 : i32
      %dma_start3A_534 = arith.constant 0 : i32
      %dma_start3A_535 = tpu.memref_slice %arg6[%dma_start3A_532, %dma_start3A_533, %dma_start3A_534] : memref<4x80x128xf32, #tpu.memory_space<vmem>> -> memref<1x80x128xf32, #tpu.memory_space<vmem>>
      %dma_start3A_536 = tpu.memref_squeeze %dma_start3A_535 : memref<1x80x128xf32, #tpu.memory_space<vmem>> -> memref<80x128xf32, #tpu.memory_space<vmem>>
      %dma_start3A_537 = arith.constant 0 : i32
      %dma_start3A_538 = tpu.memref_slice %arg5[%dma_start3A_530, %dma_start3A_531, %dma_start3A_537] : memref<4x2x80xi32, #tpu.memory_space<vmem>> -> memref<1x1x80xi32, #tpu.memory_space<vmem>>
      %dma_start3A_539 = tpu.memref_squeeze %dma_start3A_538 : memref<1x1x80xi32, #tpu.memory_space<vmem>> -> memref<80xi32, #tpu.memory_space<vmem>>
      %dma_start3A_540 = arith.constant 0 : i32
      %dma_start3A_541 = arith.constant 0 : i32
      %dma_start3A_542 = tpu.memref_slice %arg2[%dma_start3A_540, %dma_start3A_541] : memref<20000x128xf32, #tpu.memory_space<hbm>> -> memref<20000x128xf32, #tpu.memory_space<hbm>>
      tpu.enqueue_indirect_dma source(%dma_start3A_542 : memref<20000x128xf32, #tpu.memory_space<hbm>>) target(%dma_start3A_536 : memref<80x128xf32, #tpu.memory_space<vmem>>) offsets(%dma_start3A_539 : memref<80xi32, #tpu.memory_space<vmem>>) semaphore(%arg12 : memref<!tpu.dma_semaphore, #tpu.memory_space<semaphore_mem>>)
      %add3A_543 = arith.constant 1 : i32
      %add3A_544 = arith.addi %add3A_448, %add3A_543 : i32
      %dma_wait3A_545 = arith.constant 1 : i32
      %dma_wait3A_546 = arith.constant 1 : i32
      %dma_wait3A_547 = arith.constant 1 : i32
      %dma_wait3A_548 = arith.constant 0 : i32
      %dma_wait3A_549 = arith.constant 0 : i32
      %dma_wait3A_550 = tpu.memref_slice %arg6[%dma_wait3A_545, %dma_wait3A_548, %dma_wait3A_549] : memref<4x80x128xf32, #tpu.memory_space<vmem>> -> memref<1x80x128xf32, #tpu.memory_space<vmem>>
      %dma_wait3A_551 = tpu.memref_squeeze %dma_wait3A_550 : memref<1x80x128xf32, #tpu.memory_space<vmem>> -> memref<80x128xf32, #tpu.memory_space<vmem>>
      %dma_wait3A_552 = arith.constant 0 : i32
      %dma_wait3A_553 = tpu.memref_slice %arg5[%dma_wait3A_546, %dma_wait3A_547, %dma_wait3A_552] : memref<4x2x80xi32, #tpu.memory_space<vmem>> -> memref<1x1x80xi32, #tpu.memory_space<vmem>>
      %dma_wait3A_554 = tpu.memref_squeeze %dma_wait3A_553 : memref<1x1x80xi32, #tpu.memory_space<vmem>> -> memref<80xi32, #tpu.memory_space<vmem>>
      %dma_wait3A_555 = arith.constant 0 : i32
      %dma_wait3A_556 = arith.constant 0 : i32
      %dma_wait3A_557 = tpu.memref_slice %arg7[%dma_wait3A_555, %dma_wait3A_556] : memref<10240x128xf32, #tpu.memory_space<vmem_shared>> -> memref<10240x128xf32, #tpu.memory_space<vmem_shared>>
      tpu.wait_indirect_dma semaphore(%arg17 : memref<!tpu.dma_semaphore, #tpu.memory_space<semaphore_mem>>) src(%dma_wait3A_551 : memref<80x128xf32, #tpu.memory_space<vmem>>) dst(%dma_wait3A_557 : memref<10240x128xf32, #tpu.memory_space<vmem_shared>>)
      %add3A_558 = arith.constant 2 : i32
      %add3A_559 = arith.addi %add3A_544, %add3A_558 : i32
      %add3A_560 = arith.addi %mul3A_30, %add3A_559 : i32
      %dma_start3A_561 = arith.constant 1 : i32
      %dma_start3A_562 = arith.constant 0 : i32
      %dma_start3A_563 = arith.constant 0 : i32
      %dma_start3A_564 = tpu.memref_slice %arg5[%dma_start3A_561, %dma_start3A_562, %dma_start3A_563] : memref<4x2x80xi32, #tpu.memory_space<vmem>> -> memref<1x2x80xi32, #tpu.memory_space<vmem>>
      %dma_start3A_565 = tpu.memref_squeeze %dma_start3A_564 : memref<1x2x80xi32, #tpu.memory_space<vmem>> -> memref<2x80xi32, #tpu.memory_space<vmem>>
      %dma_start3A_566 = arith.constant 0 : i32
      %dma_start3A_567 = arith.constant 0 : i32
      %dma_start3A_568 = tpu.memref_slice %arg3[%arg0, %add3A_560, %dma_start3A_566, %dma_start3A_567] : memref<2x4096x2x80xi32, #tpu.memory_space<hbm>> -> memref<1x1x2x80xi32, #tpu.memory_space<hbm>>
      %dma_start3A_569 = tpu.memref_squeeze %dma_start3A_568 : memref<1x1x2x80xi32, #tpu.memory_space<hbm>> -> memref<2x80xi32, #tpu.memory_space<hbm>>
      %dma_start3A_570 = arith.constant 0 : i32
      %dma_start3A_571 = arith.constant 0 : i32
      %dma_start3A_572 = tpu.memref_slice %arg5[%dma_start3A_561, %dma_start3A_570, %dma_start3A_571] : memref<4x2x80xi32, #tpu.memory_space<vmem>> -> memref<1x2x80xi32, #tpu.memory_space<vmem>>
      %dma_start3A_573 = tpu.memref_squeeze %dma_start3A_572 : memref<1x2x80xi32, #tpu.memory_space<vmem>> -> memref<2x80xi32, #tpu.memory_space<vmem>>
      %dma_start3A_574 = arith.constant 0 : i32
      %dma_start3A_575 = arith.constant 0 : i32
      %dma_start3A_576 = tpu.memref_slice %arg3[%arg0, %add3A_560, %dma_start3A_574, %dma_start3A_575] : memref<2x4096x2x80xi32, #tpu.memory_space<hbm>> -> memref<1x1x2x80xi32, #tpu.memory_space<hbm>>
      %dma_start3A_577 = tpu.memref_squeeze %dma_start3A_576 : memref<1x1x2x80xi32, #tpu.memory_space<hbm>> -> memref<2x80xi32, #tpu.memory_space<hbm>>
      tpu.enqueue_dma source(%dma_start3A_577 : memref<2x80xi32, #tpu.memory_space<hbm>>) target(%dma_start3A_573 : memref<2x80xi32, #tpu.memory_space<vmem>>) target_semaphore(%arg9 : memref<!tpu.dma_semaphore, #tpu.memory_space<semaphore_mem>>)
      %dma_wait3A_578 = arith.constant 3 : i32
      %dma_wait3A_579 = arith.constant 0 : i32
      %dma_wait3A_580 = arith.constant 3 : i32
      %dma_wait3A_581 = arith.constant 0 : i32
      %dma_wait3A_582 = arith.constant 0 : i32
      %dma_wait3A_583 = tpu.memref_slice %arg6[%dma_wait3A_580, %dma_wait3A_581, %dma_wait3A_582] : memref<4x80x128xf32, #tpu.memory_space<vmem>> -> memref<1x80x128xf32, #tpu.memory_space<vmem>>
      %dma_wait3A_584 = tpu.memref_squeeze %dma_wait3A_583 : memref<1x80x128xf32, #tpu.memory_space<vmem>> -> memref<80x128xf32, #tpu.memory_space<vmem>>
      %dma_wait3A_585 = arith.constant 0 : i32
      %dma_wait3A_586 = tpu.memref_slice %arg5[%dma_wait3A_578, %dma_wait3A_579, %dma_wait3A_585] : memref<4x2x80xi32, #tpu.memory_space<vmem>> -> memref<1x1x80xi32, #tpu.memory_space<vmem>>
      %dma_wait3A_587 = tpu.memref_squeeze %dma_wait3A_586 : memref<1x1x80xi32, #tpu.memory_space<vmem>> -> memref<80xi32, #tpu.memory_space<vmem>>
      %dma_wait3A_588 = arith.constant 0 : i32
      %dma_wait3A_589 = arith.constant 0 : i32
      %dma_wait3A_590 = tpu.memref_slice %arg2[%dma_wait3A_588, %dma_wait3A_589] : memref<20000x128xf32, #tpu.memory_space<hbm>> -> memref<20000x128xf32, #tpu.memory_space<hbm>>
      tpu.wait_indirect_dma semaphore(%arg15 : memref<!tpu.dma_semaphore, #tpu.memory_space<semaphore_mem>>) src(%dma_wait3A_590 : memref<20000x128xf32, #tpu.memory_space<hbm>>) dst(%dma_wait3A_584 : memref<80x128xf32, #tpu.memory_space<vmem>>)
      %dma_start3A_591 = arith.constant 3 : i32
      %dma_start3A_592 = arith.constant 3 : i32
      %dma_start3A_593 = arith.constant 1 : i32
      %dma_start3A_594 = arith.constant 0 : i32
      %dma_start3A_595 = arith.constant 0 : i32
      %dma_start3A_596 = tpu.memref_slice %arg6[%dma_start3A_591, %dma_start3A_594, %dma_start3A_595] : memref<4x80x128xf32, #tpu.memory_space<vmem>> -> memref<1x80x128xf32, #tpu.memory_space<vmem>>
      %dma_start3A_597 = tpu.memref_squeeze %dma_start3A_596 : memref<1x80x128xf32, #tpu.memory_space<vmem>> -> memref<80x128xf32, #tpu.memory_space<vmem>>
      %dma_start3A_598 = arith.constant 0 : i32
      %dma_start3A_599 = tpu.memref_slice %arg5[%dma_start3A_592, %dma_start3A_593, %dma_start3A_598] : memref<4x2x80xi32, #tpu.memory_space<vmem>> -> memref<1x1x80xi32, #tpu.memory_space<vmem>>
      %dma_start3A_600 = tpu.memref_squeeze %dma_start3A_599 : memref<1x1x80xi32, #tpu.memory_space<vmem>> -> memref<80xi32, #tpu.memory_space<vmem>>
      %dma_start3A_601 = arith.constant 0 : i32
      %dma_start3A_602 = arith.constant 0 : i32
      %dma_start3A_603 = tpu.memref_slice %arg7[%dma_start3A_601, %dma_start3A_602] : memref<10240x128xf32, #tpu.memory_space<vmem_shared>> -> memref<10240x128xf32, #tpu.memory_space<vmem_shared>>
      tpu.enqueue_indirect_dma source(%dma_start3A_597 : memref<80x128xf32, #tpu.memory_space<vmem>>) target(%dma_start3A_603 : memref<10240x128xf32, #tpu.memory_space<vmem_shared>>) offsets(%dma_start3A_600 : memref<80xi32, #tpu.memory_space<vmem>>) semaphore(%arg19 : memref<!tpu.dma_semaphore, #tpu.memory_space<semaphore_mem>>) {add = true}
      %add3A_604 = arith.constant 2 : i32
      %add3A_605 = arith.addi %add3A_544, %add3A_604 : i32
      %add3A_606 = arith.addi %mul3A_30, %add3A_605 : i32
      %dma_wait3A_607 = arith.constant 1 : i32
      %dma_wait3A_608 = arith.constant 0 : i32
      %dma_wait3A_609 = arith.constant 0 : i32
      %dma_wait3A_610 = tpu.memref_slice %arg5[%dma_wait3A_607, %dma_wait3A_608, %dma_wait3A_609] : memref<4x2x80xi32, #tpu.memory_space<vmem>> -> memref<1x2x80xi32, #tpu.memory_space<vmem>>
      %dma_wait3A_611 = tpu.memref_squeeze %dma_wait3A_610 : memref<1x2x80xi32, #tpu.memory_space<vmem>> -> memref<2x80xi32, #tpu.memory_space<vmem>>
      %dma_wait3A_612 = arith.constant 0 : i32
      %dma_wait3A_613 = arith.constant 0 : i32
      %dma_wait3A_614 = tpu.memref_slice %arg3[%arg0, %add3A_606, %dma_wait3A_612, %dma_wait3A_613] : memref<2x4096x2x80xi32, #tpu.memory_space<hbm>> -> memref<1x1x2x80xi32, #tpu.memory_space<hbm>>
      %dma_wait3A_615 = tpu.memref_squeeze %dma_wait3A_614 : memref<1x1x2x80xi32, #tpu.memory_space<hbm>> -> memref<2x80xi32, #tpu.memory_space<hbm>>
      %dma_wait3A_616 = arith.constant 0 : i32
      %dma_wait3A_617 = arith.constant 0 : i32
      %dma_wait3A_618 = tpu.memref_slice %arg5[%dma_wait3A_607, %dma_wait3A_616, %dma_wait3A_617] : memref<4x2x80xi32, #tpu.memory_space<vmem>> -> memref<1x2x80xi32, #tpu.memory_space<vmem>>
      %dma_wait3A_619 = tpu.memref_squeeze %dma_wait3A_618 : memref<1x2x80xi32, #tpu.memory_space<vmem>> -> memref<2x80xi32, #tpu.memory_space<vmem>>
      %dma_wait3A_620 = arith.constant 0 : i32
      %dma_wait3A_621 = arith.constant 0 : i32
      %dma_wait3A_622 = tpu.memref_slice %arg3[%arg0, %add3A_606, %dma_wait3A_620, %dma_wait3A_621] : memref<2x4096x2x80xi32, #tpu.memory_space<hbm>> -> memref<1x1x2x80xi32, #tpu.memory_space<hbm>>
      %dma_wait3A_623 = tpu.memref_squeeze %dma_wait3A_622 : memref<1x1x2x80xi32, #tpu.memory_space<hbm>> -> memref<2x80xi32, #tpu.memory_space<hbm>>
      tpu.wait_dma2 semaphore(%arg9 : memref<!tpu.dma_semaphore, #tpu.memory_space<semaphore_mem>>) src(%dma_wait3A_623 : memref<2x80xi32, #tpu.memory_space<hbm>>) dst(%dma_wait3A_619 : memref<2x80xi32, #tpu.memory_space<vmem>>)
      %add3A_624 = arith.constant 2 : i32
      %add3A_625 = arith.addi %add3A_544, %add3A_624 : i32
      %dma_start3A_626 = arith.constant 1 : i32
      %dma_start3A_627 = arith.constant 0 : i32
      %dma_start3A_628 = arith.constant 1 : i32
      %dma_start3A_629 = arith.constant 0 : i32
      %dma_start3A_630 = arith.constant 0 : i32
      %dma_start3A_631 = tpu.memref_slice %arg6[%dma_start3A_628, %dma_start3A_629, %dma_start3A_630] : memref<4x80x128xf32, #tpu.memory_space<vmem>> -> memref<1x80x128xf32, #tpu.memory_space<vmem>>
      %dma_start3A_632 = tpu.memref_squeeze %dma_start3A_631 : memref<1x80x128xf32, #tpu.memory_space<vmem>> -> memref<80x128xf32, #tpu.memory_space<vmem>>
      %dma_start3A_633 = arith.constant 0 : i32
      %dma_start3A_634 = tpu.memref_slice %arg5[%dma_start3A_626, %dma_start3A_627, %dma_start3A_633] : memref<4x2x80xi32, #tpu.memory_space<vmem>> -> memref<1x1x80xi32, #tpu.memory_space<vmem>>
      %dma_start3A_635 = tpu.memref_squeeze %dma_start3A_634 : memref<1x1x80xi32, #tpu.memory_space<vmem>> -> memref<80xi32, #tpu.memory_space<vmem>>
      %dma_start3A_636 = arith.constant 0 : i32
      %dma_start3A_637 = arith.constant 0 : i32
      %dma_start3A_638 = tpu.memref_slice %arg2[%dma_start3A_636, %dma_start3A_637] : memref<20000x128xf32, #tpu.memory_space<hbm>> -> memref<20000x128xf32, #tpu.memory_space<hbm>>
      tpu.enqueue_indirect_dma source(%dma_start3A_638 : memref<20000x128xf32, #tpu.memory_space<hbm>>) target(%dma_start3A_632 : memref<80x128xf32, #tpu.memory_space<vmem>>) offsets(%dma_start3A_635 : memref<80xi32, #tpu.memory_space<vmem>>) semaphore(%arg13 : memref<!tpu.dma_semaphore, #tpu.memory_space<semaphore_mem>>)
      %add3A_639 = arith.constant 2 : i32
      %add3A_640 = arith.addi %add3A_448, %add3A_639 : i32
      %dma_wait3A_641 = arith.constant 2 : i32
      %dma_wait3A_642 = arith.constant 2 : i32
      %dma_wait3A_643 = arith.constant 1 : i32
      %dma_wait3A_644 = arith.constant 0 : i32
      %dma_wait3A_645 = arith.constant 0 : i32
      %dma_wait3A_646 = tpu.memref_slice %arg6[%dma_wait3A_641, %dma_wait3A_644, %dma_wait3A_645] : memref<4x80x128xf32, #tpu.memory_space<vmem>> -> memref<1x80x128xf32, #tpu.memory_space<vmem>>
      %dma_wait3A_647 = tpu.memref_squeeze %dma_wait3A_646 : memref<1x80x128xf32, #tpu.memory_space<vmem>> -> memref<80x128xf32, #tpu.memory_space<vmem>>
      %dma_wait3A_648 = arith.constant 0 : i32
      %dma_wait3A_649 = tpu.memref_slice %arg5[%dma_wait3A_642, %dma_wait3A_643, %dma_wait3A_648] : memref<4x2x80xi32, #tpu.memory_space<vmem>> -> memref<1x1x80xi32, #tpu.memory_space<vmem>>
      %dma_wait3A_650 = tpu.memref_squeeze %dma_wait3A_649 : memref<1x1x80xi32, #tpu.memory_space<vmem>> -> memref<80xi32, #tpu.memory_space<vmem>>
      %dma_wait3A_651 = arith.constant 0 : i32
      %dma_wait3A_652 = arith.constant 0 : i32
      %dma_wait3A_653 = tpu.memref_slice %arg7[%dma_wait3A_651, %dma_wait3A_652] : memref<10240x128xf32, #tpu.memory_space<vmem_shared>> -> memref<10240x128xf32, #tpu.memory_space<vmem_shared>>
      tpu.wait_indirect_dma semaphore(%arg18 : memref<!tpu.dma_semaphore, #tpu.memory_space<semaphore_mem>>) src(%dma_wait3A_647 : memref<80x128xf32, #tpu.memory_space<vmem>>) dst(%dma_wait3A_653 : memref<10240x128xf32, #tpu.memory_space<vmem_shared>>)
      %add3A_654 = arith.constant 2 : i32
      %add3A_655 = arith.addi %add3A_640, %add3A_654 : i32
      %add3A_656 = arith.addi %mul3A_30, %add3A_655 : i32
      %dma_start3A_657 = arith.constant 2 : i32
      %dma_start3A_658 = arith.constant 0 : i32
      %dma_start3A_659 = arith.constant 0 : i32
      %dma_start3A_660 = tpu.memref_slice %arg5[%dma_start3A_657, %dma_start3A_658, %dma_start3A_659] : memref<4x2x80xi32, #tpu.memory_space<vmem>> -> memref<1x2x80xi32, #tpu.memory_space<vmem>>
      %dma_start3A_661 = tpu.memref_squeeze %dma_start3A_660 : memref<1x2x80xi32, #tpu.memory_space<vmem>> -> memref<2x80xi32, #tpu.memory_space<vmem>>
      %dma_start3A_662 = arith.constant 0 : i32
      %dma_start3A_663 = arith.constant 0 : i32
      %dma_start3A_664 = tpu.memref_slice %arg3[%arg0, %add3A_656, %dma_start3A_662, %dma_start3A_663] : memref<2x4096x2x80xi32, #tpu.memory_space<hbm>> -> memref<1x1x2x80xi32, #tpu.memory_space<hbm>>
      %dma_start3A_665 = tpu.memref_squeeze %dma_start3A_664 : memref<1x1x2x80xi32, #tpu.memory_space<hbm>> -> memref<2x80xi32, #tpu.memory_space<hbm>>
      %dma_start3A_666 = arith.constant 0 : i32
      %dma_start3A_667 = arith.constant 0 : i32
      %dma_start3A_668 = tpu.memref_slice %arg5[%dma_start3A_657, %dma_start3A_666, %dma_start3A_667] : memref<4x2x80xi32, #tpu.memory_space<vmem>> -> memref<1x2x80xi32, #tpu.memory_space<vmem>>
      %dma_start3A_669 = tpu.memref_squeeze %dma_start3A_668 : memref<1x2x80xi32, #tpu.memory_space<vmem>> -> memref<2x80xi32, #tpu.memory_space<vmem>>
      %dma_start3A_670 = arith.constant 0 : i32
      %dma_start3A_671 = arith.constant 0 : i32
      %dma_start3A_672 = tpu.memref_slice %arg3[%arg0, %add3A_656, %dma_start3A_670, %dma_start3A_671] : memref<2x4096x2x80xi32, #tpu.memory_space<hbm>> -> memref<1x1x2x80xi32, #tpu.memory_space<hbm>>
      %dma_start3A_673 = tpu.memref_squeeze %dma_start3A_672 : memref<1x1x2x80xi32, #tpu.memory_space<hbm>> -> memref<2x80xi32, #tpu.memory_space<hbm>>
      tpu.enqueue_dma source(%dma_start3A_673 : memref<2x80xi32, #tpu.memory_space<hbm>>) target(%dma_start3A_669 : memref<2x80xi32, #tpu.memory_space<vmem>>) target_semaphore(%arg10 : memref<!tpu.dma_semaphore, #tpu.memory_space<semaphore_mem>>)
      %dma_wait3A_674 = arith.constant 0 : i32
      %dma_wait3A_675 = arith.constant 0 : i32
      %dma_wait3A_676 = arith.constant 0 : i32
      %dma_wait3A_677 = arith.constant 0 : i32
      %dma_wait3A_678 = arith.constant 0 : i32
      %dma_wait3A_679 = tpu.memref_slice %arg6[%dma_wait3A_676, %dma_wait3A_677, %dma_wait3A_678] : memref<4x80x128xf32, #tpu.memory_space<vmem>> -> memref<1x80x128xf32, #tpu.memory_space<vmem>>
      %dma_wait3A_680 = tpu.memref_squeeze %dma_wait3A_679 : memref<1x80x128xf32, #tpu.memory_space<vmem>> -> memref<80x128xf32, #tpu.memory_space<vmem>>
      %dma_wait3A_681 = arith.constant 0 : i32
      %dma_wait3A_682 = tpu.memref_slice %arg5[%dma_wait3A_674, %dma_wait3A_675, %dma_wait3A_681] : memref<4x2x80xi32, #tpu.memory_space<vmem>> -> memref<1x1x80xi32, #tpu.memory_space<vmem>>
      %dma_wait3A_683 = tpu.memref_squeeze %dma_wait3A_682 : memref<1x1x80xi32, #tpu.memory_space<vmem>> -> memref<80xi32, #tpu.memory_space<vmem>>
      %dma_wait3A_684 = arith.constant 0 : i32
      %dma_wait3A_685 = arith.constant 0 : i32
      %dma_wait3A_686 = tpu.memref_slice %arg2[%dma_wait3A_684, %dma_wait3A_685] : memref<20000x128xf32, #tpu.memory_space<hbm>> -> memref<20000x128xf32, #tpu.memory_space<hbm>>
      tpu.wait_indirect_dma semaphore(%arg12 : memref<!tpu.dma_semaphore, #tpu.memory_space<semaphore_mem>>) src(%dma_wait3A_686 : memref<20000x128xf32, #tpu.memory_space<hbm>>) dst(%dma_wait3A_680 : memref<80x128xf32, #tpu.memory_space<vmem>>)
      %dma_start3A_687 = arith.constant 0 : i32
      %dma_start3A_688 = arith.constant 0 : i32
      %dma_start3A_689 = arith.constant 1 : i32
      %dma_start3A_690 = arith.constant 0 : i32
      %dma_start3A_691 = arith.constant 0 : i32
      %dma_start3A_692 = tpu.memref_slice %arg6[%dma_start3A_687, %dma_start3A_690, %dma_start3A_691] : memref<4x80x128xf32, #tpu.memory_space<vmem>> -> memref<1x80x128xf32, #tpu.memory_space<vmem>>
      %dma_start3A_693 = tpu.memref_squeeze %dma_start3A_692 : memref<1x80x128xf32, #tpu.memory_space<vmem>> -> memref<80x128xf32, #tpu.memory_space<vmem>>
      %dma_start3A_694 = arith.constant 0 : i32
      %dma_start3A_695 = tpu.memref_slice %arg5[%dma_start3A_688, %dma_start3A_689, %dma_start3A_694] : memref<4x2x80xi32, #tpu.memory_space<vmem>> -> memref<1x1x80xi32, #tpu.memory_space<vmem>>
      %dma_start3A_696 = tpu.memref_squeeze %dma_start3A_695 : memref<1x1x80xi32, #tpu.memory_space<vmem>> -> memref<80xi32, #tpu.memory_space<vmem>>
      %dma_start3A_697 = arith.constant 0 : i32
      %dma_start3A_698 = arith.constant 0 : i32
      %dma_start3A_699 = tpu.memref_slice %arg7[%dma_start3A_697, %dma_start3A_698] : memref<10240x128xf32, #tpu.memory_space<vmem_shared>> -> memref<10240x128xf32, #tpu.memory_space<vmem_shared>>
      tpu.enqueue_indirect_dma source(%dma_start3A_693 : memref<80x128xf32, #tpu.memory_space<vmem>>) target(%dma_start3A_699 : memref<10240x128xf32, #tpu.memory_space<vmem_shared>>) offsets(%dma_start3A_696 : memref<80xi32, #tpu.memory_space<vmem>>) semaphore(%arg16 : memref<!tpu.dma_semaphore, #tpu.memory_space<semaphore_mem>>) {add = true}
      %add3A_700 = arith.constant 2 : i32
      %add3A_701 = arith.addi %add3A_640, %add3A_700 : i32
      %add3A_702 = arith.addi %mul3A_30, %add3A_701 : i32
      %dma_wait3A_703 = arith.constant 2 : i32
      %dma_wait3A_704 = arith.constant 0 : i32
      %dma_wait3A_705 = arith.constant 0 : i32
      %dma_wait3A_706 = tpu.memref_slice %arg5[%dma_wait3A_703, %dma_wait3A_704, %dma_wait3A_705] : memref<4x2x80xi32, #tpu.memory_space<vmem>> -> memref<1x2x80xi32, #tpu.memory_space<vmem>>
      %dma_wait3A_707 = tpu.memref_squeeze %dma_wait3A_706 : memref<1x2x80xi32, #tpu.memory_space<vmem>> -> memref<2x80xi32, #tpu.memory_space<vmem>>
      %dma_wait3A_708 = arith.constant 0 : i32
      %dma_wait3A_709 = arith.constant 0 : i32
      %dma_wait3A_710 = tpu.memref_slice %arg3[%arg0, %add3A_702, %dma_wait3A_708, %dma_wait3A_709] : memref<2x4096x2x80xi32, #tpu.memory_space<hbm>> -> memref<1x1x2x80xi32, #tpu.memory_space<hbm>>
      %dma_wait3A_711 = tpu.memref_squeeze %dma_wait3A_710 : memref<1x1x2x80xi32, #tpu.memory_space<hbm>> -> memref<2x80xi32, #tpu.memory_space<hbm>>
      %dma_wait3A_712 = arith.constant 0 : i32
      %dma_wait3A_713 = arith.constant 0 : i32
      %dma_wait3A_714 = tpu.memref_slice %arg5[%dma_wait3A_703, %dma_wait3A_712, %dma_wait3A_713] : memref<4x2x80xi32, #tpu.memory_space<vmem>> -> memref<1x2x80xi32, #tpu.memory_space<vmem>>
      %dma_wait3A_715 = tpu.memref_squeeze %dma_wait3A_714 : memref<1x2x80xi32, #tpu.memory_space<vmem>> -> memref<2x80xi32, #tpu.memory_space<vmem>>
      %dma_wait3A_716 = arith.constant 0 : i32
      %dma_wait3A_717 = arith.constant 0 : i32
      %dma_wait3A_718 = tpu.memref_slice %arg3[%arg0, %add3A_702, %dma_wait3A_716, %dma_wait3A_717] : memref<2x4096x2x80xi32, #tpu.memory_space<hbm>> -> memref<1x1x2x80xi32, #tpu.memory_space<hbm>>
      %dma_wait3A_719 = tpu.memref_squeeze %dma_wait3A_718 : memref<1x1x2x80xi32, #tpu.memory_space<hbm>> -> memref<2x80xi32, #tpu.memory_space<hbm>>
      tpu.wait_dma2 semaphore(%arg10 : memref<!tpu.dma_semaphore, #tpu.memory_space<semaphore_mem>>) src(%dma_wait3A_719 : memref<2x80xi32, #tpu.memory_space<hbm>>) dst(%dma_wait3A_715 : memref<2x80xi32, #tpu.memory_space<vmem>>)
      %add3A_720 = arith.constant 2 : i32
      %add3A_721 = arith.addi %add3A_640, %add3A_720 : i32
      %dma_start3A_722 = arith.constant 2 : i32
      %dma_start3A_723 = arith.constant 0 : i32
      %dma_start3A_724 = arith.constant 2 : i32
      %dma_start3A_725 = arith.constant 0 : i32
      %dma_start3A_726 = arith.constant 0 : i32
      %dma_start3A_727 = tpu.memref_slice %arg6[%dma_start3A_724, %dma_start3A_725, %dma_start3A_726] : memref<4x80x128xf32, #tpu.memory_space<vmem>> -> memref<1x80x128xf32, #tpu.memory_space<vmem>>
      %dma_start3A_728 = tpu.memref_squeeze %dma_start3A_727 : memref<1x80x128xf32, #tpu.memory_space<vmem>> -> memref<80x128xf32, #tpu.memory_space<vmem>>
      %dma_start3A_729 = arith.constant 0 : i32
      %dma_start3A_730 = tpu.memref_slice %arg5[%dma_start3A_722, %dma_start3A_723, %dma_start3A_729] : memref<4x2x80xi32, #tpu.memory_space<vmem>> -> memref<1x1x80xi32, #tpu.memory_space<vmem>>
      %dma_start3A_731 = tpu.memref_squeeze %dma_start3A_730 : memref<1x1x80xi32, #tpu.memory_space<vmem>> -> memref<80xi32, #tpu.memory_space<vmem>>
      %dma_start3A_732 = arith.constant 0 : i32
      %dma_start3A_733 = arith.constant 0 : i32
      %dma_start3A_734 = tpu.memref_slice %arg2[%dma_start3A_732, %dma_start3A_733] : memref<20000x128xf32, #tpu.memory_space<hbm>> -> memref<20000x128xf32, #tpu.memory_space<hbm>>
      tpu.enqueue_indirect_dma source(%dma_start3A_734 : memref<20000x128xf32, #tpu.memory_space<hbm>>) target(%dma_start3A_728 : memref<80x128xf32, #tpu.memory_space<vmem>>) offsets(%dma_start3A_731 : memref<80xi32, #tpu.memory_space<vmem>>) semaphore(%arg14 : memref<!tpu.dma_semaphore, #tpu.memory_space<semaphore_mem>>)
      %add3A_735 = arith.constant 3 : i32
      %add3A_736 = arith.addi %add3A_448, %add3A_735 : i32
      %dma_wait3A_737 = arith.constant 3 : i32
      %dma_wait3A_738 = arith.constant 3 : i32
      %dma_wait3A_739 = arith.constant 1 : i32
      %dma_wait3A_740 = arith.constant 0 : i32
      %dma_wait3A_741 = arith.constant 0 : i32
      %dma_wait3A_742 = tpu.memref_slice %arg6[%dma_wait3A_737, %dma_wait3A_740, %dma_wait3A_741] : memref<4x80x128xf32, #tpu.memory_space<vmem>> -> memref<1x80x128xf32, #tpu.memory_space<vmem>>
      %dma_wait3A_743 = tpu.memref_squeeze %dma_wait3A_742 : memref<1x80x128xf32, #tpu.memory_space<vmem>> -> memref<80x128xf32, #tpu.memory_space<vmem>>
      %dma_wait3A_744 = arith.constant 0 : i32
      %dma_wait3A_745 = tpu.memref_slice %arg5[%dma_wait3A_738, %dma_wait3A_739, %dma_wait3A_744] : memref<4x2x80xi32, #tpu.memory_space<vmem>> -> memref<1x1x80xi32, #tpu.memory_space<vmem>>
      %dma_wait3A_746 = tpu.memref_squeeze %dma_wait3A_745 : memref<1x1x80xi32, #tpu.memory_space<vmem>> -> memref<80xi32, #tpu.memory_space<vmem>>
      %dma_wait3A_747 = arith.constant 0 : i32
      %dma_wait3A_748 = arith.constant 0 : i32
      %dma_wait3A_749 = tpu.memref_slice %arg7[%dma_wait3A_747, %dma_wait3A_748] : memref<10240x128xf32, #tpu.memory_space<vmem_shared>> -> memref<10240x128xf32, #tpu.memory_space<vmem_shared>>
      tpu.wait_indirect_dma semaphore(%arg19 : memref<!tpu.dma_semaphore, #tpu.memory_space<semaphore_mem>>) src(%dma_wait3A_743 : memref<80x128xf32, #tpu.memory_space<vmem>>) dst(%dma_wait3A_749 : memref<10240x128xf32, #tpu.memory_space<vmem_shared>>)
      %add3A_750 = arith.constant 2 : i32
      %add3A_751 = arith.addi %add3A_736, %add3A_750 : i32
      %add3A_752 = arith.addi %mul3A_30, %add3A_751 : i32
      %dma_start3A_753 = arith.constant 3 : i32
      %dma_start3A_754 = arith.constant 0 : i32
      %dma_start3A_755 = arith.constant 0 : i32
      %dma_start3A_756 = tpu.memref_slice %arg5[%dma_start3A_753, %dma_start3A_754, %dma_start3A_755] : memref<4x2x80xi32, #tpu.memory_space<vmem>> -> memref<1x2x80xi32, #tpu.memory_space<vmem>>
      %dma_start3A_757 = tpu.memref_squeeze %dma_start3A_756 : memref<1x2x80xi32, #tpu.memory_space<vmem>> -> memref<2x80xi32, #tpu.memory_space<vmem>>
      %dma_start3A_758 = arith.constant 0 : i32
      %dma_start3A_759 = arith.constant 0 : i32
      %dma_start3A_760 = tpu.memref_slice %arg3[%arg0, %add3A_752, %dma_start3A_758, %dma_start3A_759] : memref<2x4096x2x80xi32, #tpu.memory_space<hbm>> -> memref<1x1x2x80xi32, #tpu.memory_space<hbm>>
      %dma_start3A_761 = tpu.memref_squeeze %dma_start3A_760 : memref<1x1x2x80xi32, #tpu.memory_space<hbm>> -> memref<2x80xi32, #tpu.memory_space<hbm>>
      %dma_start3A_762 = arith.constant 0 : i32
      %dma_start3A_763 = arith.constant 0 : i32
      %dma_start3A_764 = tpu.memref_slice %arg5[%dma_start3A_753, %dma_start3A_762, %dma_start3A_763] : memref<4x2x80xi32, #tpu.memory_space<vmem>> -> memref<1x2x80xi32, #tpu.memory_space<vmem>>
      %dma_start3A_765 = tpu.memref_squeeze %dma_start3A_764 : memref<1x2x80xi32, #tpu.memory_space<vmem>> -> memref<2x80xi32, #tpu.memory_space<vmem>>
      %dma_start3A_766 = arith.constant 0 : i32
      %dma_start3A_767 = arith.constant 0 : i32
      %dma_start3A_768 = tpu.memref_slice %arg3[%arg0, %add3A_752, %dma_start3A_766, %dma_start3A_767] : memref<2x4096x2x80xi32, #tpu.memory_space<hbm>> -> memref<1x1x2x80xi32, #tpu.memory_space<hbm>>
      %dma_start3A_769 = tpu.memref_squeeze %dma_start3A_768 : memref<1x1x2x80xi32, #tpu.memory_space<hbm>> -> memref<2x80xi32, #tpu.memory_space<hbm>>
      tpu.enqueue_dma source(%dma_start3A_769 : memref<2x80xi32, #tpu.memory_space<hbm>>) target(%dma_start3A_765 : memref<2x80xi32, #tpu.memory_space<vmem>>) target_semaphore(%arg11 : memref<!tpu.dma_semaphore, #tpu.memory_space<semaphore_mem>>)
      %dma_wait3A_770 = arith.constant 1 : i32
      %dma_wait3A_771 = arith.constant 0 : i32
      %dma_wait3A_772 = arith.constant 1 : i32
      %dma_wait3A_773 = arith.constant 0 : i32
      %dma_wait3A_774 = arith.constant 0 : i32
      %dma_wait3A_775 = tpu.memref_slice %arg6[%dma_wait3A_772, %dma_wait3A_773, %dma_wait3A_774] : memref<4x80x128xf32, #tpu.memory_space<vmem>> -> memref<1x80x128xf32, #tpu.memory_space<vmem>>
      %dma_wait3A_776 = tpu.memref_squeeze %dma_wait3A_775 : memref<1x80x128xf32, #tpu.memory_space<vmem>> -> memref<80x128xf32, #tpu.memory_space<vmem>>
      %dma_wait3A_777 = arith.constant 0 : i32
      %dma_wait3A_778 = tpu.memref_slice %arg5[%dma_wait3A_770, %dma_wait3A_771, %dma_wait3A_777] : memref<4x2x80xi32, #tpu.memory_space<vmem>> -> memref<1x1x80xi32, #tpu.memory_space<vmem>>
      %dma_wait3A_779 = tpu.memref_squeeze %dma_wait3A_778 : memref<1x1x80xi32, #tpu.memory_space<vmem>> -> memref<80xi32, #tpu.memory_space<vmem>>
      %dma_wait3A_780 = arith.constant 0 : i32
      %dma_wait3A_781 = arith.constant 0 : i32
      %dma_wait3A_782 = tpu.memref_slice %arg2[%dma_wait3A_780, %dma_wait3A_781] : memref<20000x128xf32, #tpu.memory_space<hbm>> -> memref<20000x128xf32, #tpu.memory_space<hbm>>
      tpu.wait_indirect_dma semaphore(%arg13 : memref<!tpu.dma_semaphore, #tpu.memory_space<semaphore_mem>>) src(%dma_wait3A_782 : memref<20000x128xf32, #tpu.memory_space<hbm>>) dst(%dma_wait3A_776 : memref<80x128xf32, #tpu.memory_space<vmem>>)
      %dma_start3A_783 = arith.constant 1 : i32
      %dma_start3A_784 = arith.constant 1 : i32
      %dma_start3A_785 = arith.constant 1 : i32
      %dma_start3A_786 = arith.constant 0 : i32
      %dma_start3A_787 = arith.constant 0 : i32
      %dma_start3A_788 = tpu.memref_slice %arg6[%dma_start3A_783, %dma_start3A_786, %dma_start3A_787] : memref<4x80x128xf32, #tpu.memory_space<vmem>> -> memref<1x80x128xf32, #tpu.memory_space<vmem>>
      %dma_start3A_789 = tpu.memref_squeeze %dma_start3A_788 : memref<1x80x128xf32, #tpu.memory_space<vmem>> -> memref<80x128xf32, #tpu.memory_space<vmem>>
      %dma_start3A_790 = arith.constant 0 : i32
      %dma_start3A_791 = tpu.memref_slice %arg5[%dma_start3A_784, %dma_start3A_785, %dma_start3A_790] : memref<4x2x80xi32, #tpu.memory_space<vmem>> -> memref<1x1x80xi32, #tpu.memory_space<vmem>>
      %dma_start3A_792 = tpu.memref_squeeze %dma_start3A_791 : memref<1x1x80xi32, #tpu.memory_space<vmem>> -> memref<80xi32, #tpu.memory_space<vmem>>
      %dma_start3A_793 = arith.constant 0 : i32
      %dma_start3A_794 = arith.constant 0 : i32
      %dma_start3A_795 = tpu.memref_slice %arg7[%dma_start3A_793, %dma_start3A_794] : memref<10240x128xf32, #tpu.memory_space<vmem_shared>> -> memref<10240x128xf32, #tpu.memory_space<vmem_shared>>
      tpu.enqueue_indirect_dma source(%dma_start3A_789 : memref<80x128xf32, #tpu.memory_space<vmem>>) target(%dma_start3A_795 : memref<10240x128xf32, #tpu.memory_space<vmem_shared>>) offsets(%dma_start3A_792 : memref<80xi32, #tpu.memory_space<vmem>>) semaphore(%arg17 : memref<!tpu.dma_semaphore, #tpu.memory_space<semaphore_mem>>) {add = true}
      %add3A_796 = arith.constant 2 : i32
      %add3A_797 = arith.addi %add3A_736, %add3A_796 : i32
      %add3A_798 = arith.addi %mul3A_30, %add3A_797 : i32
      %dma_wait3A_799 = arith.constant 3 : i32
      %dma_wait3A_800 = arith.constant 0 : i32
      %dma_wait3A_801 = arith.constant 0 : i32
      %dma_wait3A_802 = tpu.memref_slice %arg5[%dma_wait3A_799, %dma_wait3A_800, %dma_wait3A_801] : memref<4x2x80xi32, #tpu.memory_space<vmem>> -> memref<1x2x80xi32, #tpu.memory_space<vmem>>
      %dma_wait3A_803 = tpu.memref_squeeze %dma_wait3A_802 : memref<1x2x80xi32, #tpu.memory_space<vmem>> -> memref<2x80xi32, #tpu.memory_space<vmem>>
      %dma_wait3A_804 = arith.constant 0 : i32
      %dma_wait3A_805 = arith.constant 0 : i32
      %dma_wait3A_806 = tpu.memref_slice %arg3[%arg0, %add3A_798, %dma_wait3A_804, %dma_wait3A_805] : memref<2x4096x2x80xi32, #tpu.memory_space<hbm>> -> memref<1x1x2x80xi32, #tpu.memory_space<hbm>>
      %dma_wait3A_807 = tpu.memref_squeeze %dma_wait3A_806 : memref<1x1x2x80xi32, #tpu.memory_space<hbm>> -> memref<2x80xi32, #tpu.memory_space<hbm>>
      %dma_wait3A_808 = arith.constant 0 : i32
      %dma_wait3A_809 = arith.constant 0 : i32
      %dma_wait3A_810 = tpu.memref_slice %arg5[%dma_wait3A_799, %dma_wait3A_808, %dma_wait3A_809] : memref<4x2x80xi32, #tpu.memory_space<vmem>> -> memref<1x2x80xi32, #tpu.memory_space<vmem>>
      %dma_wait3A_811 = tpu.memref_squeeze %dma_wait3A_810 : memref<1x2x80xi32, #tpu.memory_space<vmem>> -> memref<2x80xi32, #tpu.memory_space<vmem>>
      %dma_wait3A_812 = arith.constant 0 : i32
      %dma_wait3A_813 = arith.constant 0 : i32
      %dma_wait3A_814 = tpu.memref_slice %arg3[%arg0, %add3A_798, %dma_wait3A_812, %dma_wait3A_813] : memref<2x4096x2x80xi32, #tpu.memory_space<hbm>> -> memref<1x1x2x80xi32, #tpu.memory_space<hbm>>
      %dma_wait3A_815 = tpu.memref_squeeze %dma_wait3A_814 : memref<1x1x2x80xi32, #tpu.memory_space<hbm>> -> memref<2x80xi32, #tpu.memory_space<hbm>>
      tpu.wait_dma2 semaphore(%arg11 : memref<!tpu.dma_semaphore, #tpu.memory_space<semaphore_mem>>) src(%dma_wait3A_815 : memref<2x80xi32, #tpu.memory_space<hbm>>) dst(%dma_wait3A_811 : memref<2x80xi32, #tpu.memory_space<vmem>>)
      %add3A_816 = arith.constant 2 : i32
      %add3A_817 = arith.addi %add3A_736, %add3A_816 : i32
      %dma_start3A_818 = arith.constant 3 : i32
      %dma_start3A_819 = arith.constant 0 : i32
      %dma_start3A_820 = arith.constant 3 : i32
      %dma_start3A_821 = arith.constant 0 : i32
      %dma_start3A_822 = arith.constant 0 : i32
      %dma_start3A_823 = tpu.memref_slice %arg6[%dma_start3A_820, %dma_start3A_821, %dma_start3A_822] : memref<4x80x128xf32, #tpu.memory_space<vmem>> -> memref<1x80x128xf32, #tpu.memory_space<vmem>>
      %dma_start3A_824 = tpu.memref_squeeze %dma_start3A_823 : memref<1x80x128xf32, #tpu.memory_space<vmem>> -> memref<80x128xf32, #tpu.memory_space<vmem>>
      %dma_start3A_825 = arith.constant 0 : i32
      %dma_start3A_826 = tpu.memref_slice %arg5[%dma_start3A_818, %dma_start3A_819, %dma_start3A_825] : memref<4x2x80xi32, #tpu.memory_space<vmem>> -> memref<1x1x80xi32, #tpu.memory_space<vmem>>
      %dma_start3A_827 = tpu.memref_squeeze %dma_start3A_826 : memref<1x1x80xi32, #tpu.memory_space<vmem>> -> memref<80xi32, #tpu.memory_space<vmem>>
      %dma_start3A_828 = arith.constant 0 : i32
      %dma_start3A_829 = arith.constant 0 : i32
      %dma_start3A_830 = tpu.memref_slice %arg2[%dma_start3A_828, %dma_start3A_829] : memref<20000x128xf32, #tpu.memory_space<hbm>> -> memref<20000x128xf32, #tpu.memory_space<hbm>>
      tpu.enqueue_indirect_dma source(%dma_start3A_830 : memref<20000x128xf32, #tpu.memory_space<hbm>>) target(%dma_start3A_824 : memref<80x128xf32, #tpu.memory_space<vmem>>) offsets(%dma_start3A_827 : memref<80xi32, #tpu.memory_space<vmem>>) semaphore(%arg15 : memref<!tpu.dma_semaphore, #tpu.memory_space<semaphore_mem>>)
    }
    %scan3A_290 = arith.constant 63 : i32
    %dma_wait3A_291 = arith.constant 0 : i32
    %dma_wait3A_292 = arith.constant 0 : i32
    %dma_wait3A_293 = arith.constant 1 : i32
    %dma_wait3A_294 = arith.constant 0 : i32
    %dma_wait3A_295 = arith.constant 0 : i32
    %dma_wait3A_296 = tpu.memref_slice %arg6[%dma_wait3A_291, %dma_wait3A_294, %dma_wait3A_295] : memref<4x80x128xf32, #tpu.memory_space<vmem>> -> memref<1x80x128xf32, #tpu.memory_space<vmem>>
    %dma_wait3A_297 = tpu.memref_squeeze %dma_wait3A_296 : memref<1x80x128xf32, #tpu.memory_space<vmem>> -> memref<80x128xf32, #tpu.memory_space<vmem>>
    %dma_wait3A_298 = arith.constant 0 : i32
    %dma_wait3A_299 = tpu.memref_slice %arg5[%dma_wait3A_292, %dma_wait3A_293, %dma_wait3A_298] : memref<4x2x80xi32, #tpu.memory_space<vmem>> -> memref<1x1x80xi32, #tpu.memory_space<vmem>>
    %dma_wait3A_300 = tpu.memref_squeeze %dma_wait3A_299 : memref<1x1x80xi32, #tpu.memory_space<vmem>> -> memref<80xi32, #tpu.memory_space<vmem>>
    %dma_wait3A_301 = arith.constant 0 : i32
    %dma_wait3A_302 = arith.constant 0 : i32
    %dma_wait3A_303 = tpu.memref_slice %arg7[%dma_wait3A_301, %dma_wait3A_302] : memref<10240x128xf32, #tpu.memory_space<vmem_shared>> -> memref<10240x128xf32, #tpu.memory_space<vmem_shared>>
    tpu.wait_indirect_dma semaphore(%arg16 : memref<!tpu.dma_semaphore, #tpu.memory_space<semaphore_mem>>) src(%dma_wait3A_297 : memref<80x128xf32, #tpu.memory_space<vmem>>) dst(%dma_wait3A_303 : memref<10240x128xf32, #tpu.memory_space<vmem_shared>>)
    %dma_wait3A_304 = arith.constant 2 : i32
    %dma_wait3A_305 = arith.constant 0 : i32
    %dma_wait3A_306 = arith.constant 2 : i32
    %dma_wait3A_307 = arith.constant 0 : i32
    %dma_wait3A_308 = arith.constant 0 : i32
    %dma_wait3A_309 = tpu.memref_slice %arg6[%dma_wait3A_306, %dma_wait3A_307, %dma_wait3A_308] : memref<4x80x128xf32, #tpu.memory_space<vmem>> -> memref<1x80x128xf32, #tpu.memory_space<vmem>>
    %dma_wait3A_310 = tpu.memref_squeeze %dma_wait3A_309 : memref<1x80x128xf32, #tpu.memory_space<vmem>> -> memref<80x128xf32, #tpu.memory_space<vmem>>
    %dma_wait3A_311 = arith.constant 0 : i32
    %dma_wait3A_312 = tpu.memref_slice %arg5[%dma_wait3A_304, %dma_wait3A_305, %dma_wait3A_311] : memref<4x2x80xi32, #tpu.memory_space<vmem>> -> memref<1x1x80xi32, #tpu.memory_space<vmem>>
    %dma_wait3A_313 = tpu.memref_squeeze %dma_wait3A_312 : memref<1x1x80xi32, #tpu.memory_space<vmem>> -> memref<80xi32, #tpu.memory_space<vmem>>
    %dma_wait3A_314 = arith.constant 0 : i32
    %dma_wait3A_315 = arith.constant 0 : i32
    %dma_wait3A_316 = tpu.memref_slice %arg2[%dma_wait3A_314, %dma_wait3A_315] : memref<20000x128xf32, #tpu.memory_space<hbm>> -> memref<20000x128xf32, #tpu.memory_space<hbm>>
    tpu.wait_indirect_dma semaphore(%arg14 : memref<!tpu.dma_semaphore, #tpu.memory_space<semaphore_mem>>) src(%dma_wait3A_316 : memref<20000x128xf32, #tpu.memory_space<hbm>>) dst(%dma_wait3A_310 : memref<80x128xf32, #tpu.memory_space<vmem>>)
    %dma_start3A_317 = arith.constant 2 : i32
    %dma_start3A_318 = arith.constant 2 : i32
    %dma_start3A_319 = arith.constant 1 : i32
    %dma_start3A_320 = arith.constant 0 : i32
    %dma_start3A_321 = arith.constant 0 : i32
    %dma_start3A_322 = tpu.memref_slice %arg6[%dma_start3A_317, %dma_start3A_320, %dma_start3A_321] : memref<4x80x128xf32, #tpu.memory_space<vmem>> -> memref<1x80x128xf32, #tpu.memory_space<vmem>>
    %dma_start3A_323 = tpu.memref_squeeze %dma_start3A_322 : memref<1x80x128xf32, #tpu.memory_space<vmem>> -> memref<80x128xf32, #tpu.memory_space<vmem>>
    %dma_start3A_324 = arith.constant 0 : i32
    %dma_start3A_325 = tpu.memref_slice %arg5[%dma_start3A_318, %dma_start3A_319, %dma_start3A_324] : memref<4x2x80xi32, #tpu.memory_space<vmem>> -> memref<1x1x80xi32, #tpu.memory_space<vmem>>
    %dma_start3A_326 = tpu.memref_squeeze %dma_start3A_325 : memref<1x1x80xi32, #tpu.memory_space<vmem>> -> memref<80xi32, #tpu.memory_space<vmem>>
    %dma_start3A_327 = arith.constant 0 : i32
    %dma_start3A_328 = arith.constant 0 : i32
    %dma_start3A_329 = tpu.memref_slice %arg7[%dma_start3A_327, %dma_start3A_328] : memref<10240x128xf32, #tpu.memory_space<vmem_shared>> -> memref<10240x128xf32, #tpu.memory_space<vmem_shared>>
    tpu.enqueue_indirect_dma source(%dma_start3A_323 : memref<80x128xf32, #tpu.memory_space<vmem>>) target(%dma_start3A_329 : memref<10240x128xf32, #tpu.memory_space<vmem_shared>>) offsets(%dma_start3A_326 : memref<80xi32, #tpu.memory_space<vmem>>) semaphore(%arg18 : memref<!tpu.dma_semaphore, #tpu.memory_space<semaphore_mem>>) {add = true}
    %dma_wait3A_330 = arith.constant 1 : i32
    %dma_wait3A_331 = arith.constant 1 : i32
    %dma_wait3A_332 = arith.constant 1 : i32
    %dma_wait3A_333 = arith.constant 0 : i32
    %dma_wait3A_334 = arith.constant 0 : i32
    %dma_wait3A_335 = tpu.memref_slice %arg6[%dma_wait3A_330, %dma_wait3A_333, %dma_wait3A_334] : memref<4x80x128xf32, #tpu.memory_space<vmem>> -> memref<1x80x128xf32, #tpu.memory_space<vmem>>
    %dma_wait3A_336 = tpu.memref_squeeze %dma_wait3A_335 : memref<1x80x128xf32, #tpu.memory_space<vmem>> -> memref<80x128xf32, #tpu.memory_space<vmem>>
    %dma_wait3A_337 = arith.constant 0 : i32
    %dma_wait3A_338 = tpu.memref_slice %arg5[%dma_wait3A_331, %dma_wait3A_332, %dma_wait3A_337] : memref<4x2x80xi32, #tpu.memory_space<vmem>> -> memref<1x1x80xi32, #tpu.memory_space<vmem>>
    %dma_wait3A_339 = tpu.memref_squeeze %dma_wait3A_338 : memref<1x1x80xi32, #tpu.memory_space<vmem>> -> memref<80xi32, #tpu.memory_space<vmem>>
    %dma_wait3A_340 = arith.constant 0 : i32
    %dma_wait3A_341 = arith.constant 0 : i32
    %dma_wait3A_342 = tpu.memref_slice %arg7[%dma_wait3A_340, %dma_wait3A_341] : memref<10240x128xf32, #tpu.memory_space<vmem_shared>> -> memref<10240x128xf32, #tpu.memory_space<vmem_shared>>
    tpu.wait_indirect_dma semaphore(%arg17 : memref<!tpu.dma_semaphore, #tpu.memory_space<semaphore_mem>>) src(%dma_wait3A_336 : memref<80x128xf32, #tpu.memory_space<vmem>>) dst(%dma_wait3A_342 : memref<10240x128xf32, #tpu.memory_space<vmem_shared>>)
    %dma_wait3A_343 = arith.constant 3 : i32
    %dma_wait3A_344 = arith.constant 0 : i32
    %dma_wait3A_345 = arith.constant 3 : i32
    %dma_wait3A_346 = arith.constant 0 : i32
    %dma_wait3A_347 = arith.constant 0 : i32
    %dma_wait3A_348 = tpu.memref_slice %arg6[%dma_wait3A_345, %dma_wait3A_346, %dma_wait3A_347] : memref<4x80x128xf32, #tpu.memory_space<vmem>> -> memref<1x80x128xf32, #tpu.memory_space<vmem>>
    %dma_wait3A_349 = tpu.memref_squeeze %dma_wait3A_348 : memref<1x80x128xf32, #tpu.memory_space<vmem>> -> memref<80x128xf32, #tpu.memory_space<vmem>>
    %dma_wait3A_350 = arith.constant 0 : i32
    %dma_wait3A_351 = tpu.memref_slice %arg5[%dma_wait3A_343, %dma_wait3A_344, %dma_wait3A_350] : memref<4x2x80xi32, #tpu.memory_space<vmem>> -> memref<1x1x80xi32, #tpu.memory_space<vmem>>
    %dma_wait3A_352 = tpu.memref_squeeze %dma_wait3A_351 : memref<1x1x80xi32, #tpu.memory_space<vmem>> -> memref<80xi32, #tpu.memory_space<vmem>>
    %dma_wait3A_353 = arith.constant 0 : i32
    %dma_wait3A_354 = arith.constant 0 : i32
    %dma_wait3A_355 = tpu.memref_slice %arg2[%dma_wait3A_353, %dma_wait3A_354] : memref<20000x128xf32, #tpu.memory_space<hbm>> -> memref<20000x128xf32, #tpu.memory_space<hbm>>
    tpu.wait_indirect_dma semaphore(%arg15 : memref<!tpu.dma_semaphore, #tpu.memory_space<semaphore_mem>>) src(%dma_wait3A_355 : memref<20000x128xf32, #tpu.memory_space<hbm>>) dst(%dma_wait3A_349 : memref<80x128xf32, #tpu.memory_space<vmem>>)
    %dma_start3A_356 = arith.constant 3 : i32
    %dma_start3A_357 = arith.constant 3 : i32
    %dma_start3A_358 = arith.constant 1 : i32
    %dma_start3A_359 = arith.constant 0 : i32
    %dma_start3A_360 = arith.constant 0 : i32
    %dma_start3A_361 = tpu.memref_slice %arg6[%dma_start3A_356, %dma_start3A_359, %dma_start3A_360] : memref<4x80x128xf32, #tpu.memory_space<vmem>> -> memref<1x80x128xf32, #tpu.memory_space<vmem>>
    %dma_start3A_362 = tpu.memref_squeeze %dma_start3A_361 : memref<1x80x128xf32, #tpu.memory_space<vmem>> -> memref<80x128xf32, #tpu.memory_space<vmem>>
    %dma_start3A_363 = arith.constant 0 : i32
    %dma_start3A_364 = tpu.memref_slice %arg5[%dma_start3A_357, %dma_start3A_358, %dma_start3A_363] : memref<4x2x80xi32, #tpu.memory_space<vmem>> -> memref<1x1x80xi32, #tpu.memory_space<vmem>>
    %dma_start3A_365 = tpu.memref_squeeze %dma_start3A_364 : memref<1x1x80xi32, #tpu.memory_space<vmem>> -> memref<80xi32, #tpu.memory_space<vmem>>
    %dma_start3A_366 = arith.constant 0 : i32
    %dma_start3A_367 = arith.constant 0 : i32
    %dma_start3A_368 = tpu.memref_slice %arg7[%dma_start3A_366, %dma_start3A_367] : memref<10240x128xf32, #tpu.memory_space<vmem_shared>> -> memref<10240x128xf32, #tpu.memory_space<vmem_shared>>
    tpu.enqueue_indirect_dma source(%dma_start3A_362 : memref<80x128xf32, #tpu.memory_space<vmem>>) target(%dma_start3A_368 : memref<10240x128xf32, #tpu.memory_space<vmem_shared>>) offsets(%dma_start3A_365 : memref<80xi32, #tpu.memory_space<vmem>>) semaphore(%arg19 : memref<!tpu.dma_semaphore, #tpu.memory_space<semaphore_mem>>) {add = true}
    %dma_wait3A_369 = arith.constant 2 : i32
    %dma_wait3A_370 = arith.constant 2 : i32
    %dma_wait3A_371 = arith.constant 1 : i32
    %dma_wait3A_372 = arith.constant 0 : i32
    %dma_wait3A_373 = arith.constant 0 : i32
    %dma_wait3A_374 = tpu.memref_slice %arg6[%dma_wait3A_369, %dma_wait3A_372, %dma_wait3A_373] : memref<4x80x128xf32, #tpu.memory_space<vmem>> -> memref<1x80x128xf32, #tpu.memory_space<vmem>>
    %dma_wait3A_375 = tpu.memref_squeeze %dma_wait3A_374 : memref<1x80x128xf32, #tpu.memory_space<vmem>> -> memref<80x128xf32, #tpu.memory_space<vmem>>
    %dma_wait3A_376 = arith.constant 0 : i32
    %dma_wait3A_377 = tpu.memref_slice %arg5[%dma_wait3A_370, %dma_wait3A_371, %dma_wait3A_376] : memref<4x2x80xi32, #tpu.memory_space<vmem>> -> memref<1x1x80xi32, #tpu.memory_space<vmem>>
    %dma_wait3A_378 = tpu.memref_squeeze %dma_wait3A_377 : memref<1x1x80xi32, #tpu.memory_space<vmem>> -> memref<80xi32, #tpu.memory_space<vmem>>
    %dma_wait3A_379 = arith.constant 0 : i32
    %dma_wait3A_380 = arith.constant 0 : i32
    %dma_wait3A_381 = tpu.memref_slice %arg7[%dma_wait3A_379, %dma_wait3A_380] : memref<10240x128xf32, #tpu.memory_space<vmem_shared>> -> memref<10240x128xf32, #tpu.memory_space<vmem_shared>>
    tpu.wait_indirect_dma semaphore(%arg18 : memref<!tpu.dma_semaphore, #tpu.memory_space<semaphore_mem>>) src(%dma_wait3A_375 : memref<80x128xf32, #tpu.memory_space<vmem>>) dst(%dma_wait3A_381 : memref<10240x128xf32, #tpu.memory_space<vmem_shared>>)
    %dma_wait3A_382 = arith.constant 3 : i32
    %dma_wait3A_383 = arith.constant 3 : i32
    %dma_wait3A_384 = arith.constant 1 : i32
    %dma_wait3A_385 = arith.constant 0 : i32
    %dma_wait3A_386 = arith.constant 0 : i32
    %dma_wait3A_387 = tpu.memref_slice %arg6[%dma_wait3A_382, %dma_wait3A_385, %dma_wait3A_386] : memref<4x80x128xf32, #tpu.memory_space<vmem>> -> memref<1x80x128xf32, #tpu.memory_space<vmem>>
    %dma_wait3A_388 = tpu.memref_squeeze %dma_wait3A_387 : memref<1x80x128xf32, #tpu.memory_space<vmem>> -> memref<80x128xf32, #tpu.memory_space<vmem>>
    %dma_wait3A_389 = arith.constant 0 : i32
    %dma_wait3A_390 = tpu.memref_slice %arg5[%dma_wait3A_383, %dma_wait3A_384, %dma_wait3A_389] : memref<4x2x80xi32, #tpu.memory_space<vmem>> -> memref<1x1x80xi32, #tpu.memory_space<vmem>>
    %dma_wait3A_391 = tpu.memref_squeeze %dma_wait3A_390 : memref<1x1x80xi32, #tpu.memory_space<vmem>> -> memref<80xi32, #tpu.memory_space<vmem>>
    %dma_wait3A_392 = arith.constant 0 : i32
    %dma_wait3A_393 = arith.constant 0 : i32
    %dma_wait3A_394 = tpu.memref_slice %arg7[%dma_wait3A_392, %dma_wait3A_393] : memref<10240x128xf32, #tpu.memory_space<vmem_shared>> -> memref<10240x128xf32, #tpu.memory_space<vmem_shared>>
    tpu.wait_indirect_dma semaphore(%arg19 : memref<!tpu.dma_semaphore, #tpu.memory_space<semaphore_mem>>) src(%dma_wait3A_388 : memref<80x128xf32, #tpu.memory_space<vmem>>) dst(%dma_wait3A_394 : memref<10240x128xf32, #tpu.memory_space<vmem_shared>>)
    %barrier3A_395 = arith.constant 0 : index
    tpu.barrier barrier_id(%barrier3A_395)
    %add3A_396 = arith.constant 0 : i32
    %add3A_397 = arith.addi %mul3A_6, %add3A_396 : i32
    %run_scoped3A_398 = arith.constant 0 : i32
    "tpu.region"() ({
      %run_scoped3A_444 = tpu.sem_alloc : memref<!tpu.dma_semaphore, #tpu.memory_space<semaphore_mem>>
      %dma_start3A_445 = arith.constant 0 : i32
      %dma_start3A_446 = arith.constant 0 : i32
      %dma_start3A_447 = tpu.memref_slice %arg6[%run_scoped3A_398, %dma_start3A_445, %dma_start3A_446] : memref<4x80x128xf32, #tpu.memory_space<vmem>> -> memref<1x80x128xf32, #tpu.memory_space<vmem>>
      %dma_start3A_448 = tpu.memref_squeeze %dma_start3A_447 : memref<1x80x128xf32, #tpu.memory_space<vmem>> -> memref<80x128xf32, #tpu.memory_space<vmem>>
      %dma_start3A_449 = arith.constant 0 : i32
      %dma_start3A_450 = tpu.memref_slice %arg7[%add3A_397, %dma_start3A_449] : memref<10240x128xf32, #tpu.memory_space<vmem_shared>> -> memref<80x128xf32, #tpu.memory_space<vmem_shared>>
      %dma_start3A_451 = arith.constant 0 : i32
      %dma_start3A_452 = arith.constant 0 : i32
      %dma_start3A_453 = tpu.memref_slice %arg6[%run_scoped3A_398, %dma_start3A_451, %dma_start3A_452] : memref<4x80x128xf32, #tpu.memory_space<vmem>> -> memref<1x80x128xf32, #tpu.memory_space<vmem>>
      %dma_start3A_454 = tpu.memref_squeeze %dma_start3A_453 : memref<1x80x128xf32, #tpu.memory_space<vmem>> -> memref<80x128xf32, #tpu.memory_space<vmem>>
      %dma_start3A_455 = arith.constant 0 : i32
      %dma_start3A_456 = tpu.memref_slice %arg7[%add3A_397, %dma_start3A_455] : memref<10240x128xf32, #tpu.memory_space<vmem_shared>> -> memref<80x128xf32, #tpu.memory_space<vmem_shared>>
      tpu.enqueue_dma source(%dma_start3A_456 : memref<80x128xf32, #tpu.memory_space<vmem_shared>>) target(%dma_start3A_454 : memref<80x128xf32, #tpu.memory_space<vmem>>) target_semaphore(%run_scoped3A_444 : memref<!tpu.dma_semaphore, #tpu.memory_space<semaphore_mem>>)
      %dma_wait3A_457 = arith.constant 0 : i32
      %dma_wait3A_458 = arith.constant 0 : i32
      %dma_wait3A_459 = tpu.memref_slice %arg6[%run_scoped3A_398, %dma_wait3A_457, %dma_wait3A_458] : memref<4x80x128xf32, #tpu.memory_space<vmem>> -> memref<1x80x128xf32, #tpu.memory_space<vmem>>
      %dma_wait3A_460 = tpu.memref_squeeze %dma_wait3A_459 : memref<1x80x128xf32, #tpu.memory_space<vmem>> -> memref<80x128xf32, #tpu.memory_space<vmem>>
      %dma_wait3A_461 = arith.constant 0 : i32
      %dma_wait3A_462 = tpu.memref_slice %arg7[%add3A_397, %dma_wait3A_461] : memref<10240x128xf32, #tpu.memory_space<vmem_shared>> -> memref<80x128xf32, #tpu.memory_space<vmem_shared>>
      %dma_wait3A_463 = arith.constant 0 : i32
      %dma_wait3A_464 = arith.constant 0 : i32
      %dma_wait3A_465 = tpu.memref_slice %arg6[%run_scoped3A_398, %dma_wait3A_463, %dma_wait3A_464] : memref<4x80x128xf32, #tpu.memory_space<vmem>> -> memref<1x80x128xf32, #tpu.memory_space<vmem>>
      %dma_wait3A_466 = tpu.memref_squeeze %dma_wait3A_465 : memref<1x80x128xf32, #tpu.memory_space<vmem>> -> memref<80x128xf32, #tpu.memory_space<vmem>>
      %dma_wait3A_467 = arith.constant 0 : i32
      %dma_wait3A_468 = tpu.memref_slice %arg7[%add3A_397, %dma_wait3A_467] : memref<10240x128xf32, #tpu.memory_space<vmem_shared>> -> memref<80x128xf32, #tpu.memory_space<vmem_shared>>
      tpu.wait_dma2 semaphore(%run_scoped3A_444 : memref<!tpu.dma_semaphore, #tpu.memory_space<semaphore_mem>>) src(%dma_wait3A_468 : memref<80x128xf32, #tpu.memory_space<vmem_shared>>) dst(%dma_wait3A_466 : memref<80x128xf32, #tpu.memory_space<vmem>>)
      tpu.yield
    }) : () -> ()
    %add3A_399 = arith.constant 0 : i32
    %add3A_400 = arith.addi %mul3A_6, %add3A_399 : i32
    %run_scoped3A_401 = arith.constant 0 : i32
    "tpu.region"() ({
      %run_scoped3A_444 = tpu.sem_alloc : memref<!tpu.dma_semaphore, #tpu.memory_space<semaphore_mem>>
      %dma_start3A_445 = arith.constant 0 : i32
      %dma_start3A_446 = arith.constant 0 : i32
      %dma_start3A_447 = tpu.memref_slice %arg6[%run_scoped3A_401, %dma_start3A_445, %dma_start3A_446] : memref<4x80x128xf32, #tpu.memory_space<vmem>> -> memref<1x80x128xf32, #tpu.memory_space<vmem>>
      %dma_start3A_448 = tpu.memref_squeeze %dma_start3A_447 : memref<1x80x128xf32, #tpu.memory_space<vmem>> -> memref<80x128xf32, #tpu.memory_space<vmem>>
      %dma_start3A_449 = arith.constant 0 : i32
      %dma_start3A_450 = tpu.memref_slice %arg4[%arg0, %add3A_400, %dma_start3A_449] : memref<2x10240x128xf32, #tpu.memory_space<hbm>> -> memref<1x80x128xf32, #tpu.memory_space<hbm>>
      %dma_start3A_451 = tpu.memref_squeeze %dma_start3A_450 : memref<1x80x128xf32, #tpu.memory_space<hbm>> -> memref<80x128xf32, #tpu.memory_space<hbm>>
      %dma_start3A_452 = arith.constant 0 : i32
      %dma_start3A_453 = tpu.memref_slice %arg4[%arg0, %add3A_400, %dma_start3A_452] : memref<2x10240x128xf32, #tpu.memory_space<hbm>> -> memref<1x80x128xf32, #tpu.memory_space<hbm>>
      %dma_start3A_454 = tpu.memref_squeeze %dma_start3A_453 : memref<1x80x128xf32, #tpu.memory_space<hbm>> -> memref<80x128xf32, #tpu.memory_space<hbm>>
      %dma_start3A_455 = arith.constant 0 : i32
      %dma_start3A_456 = arith.constant 0 : i32
      %dma_start3A_457 = tpu.memref_slice %arg6[%run_scoped3A_401, %dma_start3A_455, %dma_start3A_456] : memref<4x80x128xf32, #tpu.memory_space<vmem>> -> memref<1x80x128xf32, #tpu.memory_space<vmem>>
      %dma_start3A_458 = tpu.memref_squeeze %dma_start3A_457 : memref<1x80x128xf32, #tpu.memory_space<vmem>> -> memref<80x128xf32, #tpu.memory_space<vmem>>
      tpu.enqueue_dma source(%dma_start3A_458 : memref<80x128xf32, #tpu.memory_space<vmem>>) target(%dma_start3A_454 : memref<80x128xf32, #tpu.memory_space<hbm>>) target_semaphore(%run_scoped3A_444 : memref<!tpu.dma_semaphore, #tpu.memory_space<semaphore_mem>>)
      %dma_wait3A_459 = arith.constant 0 : i32
      %dma_wait3A_460 = arith.constant 0 : i32
      %dma_wait3A_461 = tpu.memref_slice %arg6[%run_scoped3A_401, %dma_wait3A_459, %dma_wait3A_460] : memref<4x80x128xf32, #tpu.memory_space<vmem>> -> memref<1x80x128xf32, #tpu.memory_space<vmem>>
      %dma_wait3A_462 = tpu.memref_squeeze %dma_wait3A_461 : memref<1x80x128xf32, #tpu.memory_space<vmem>> -> memref<80x128xf32, #tpu.memory_space<vmem>>
      %dma_wait3A_463 = arith.constant 0 : i32
      %dma_wait3A_464 = tpu.memref_slice %arg4[%arg0, %add3A_400, %dma_wait3A_463] : memref<2x10240x128xf32, #tpu.memory_space<hbm>> -> memref<1x80x128xf32, #tpu.memory_space<hbm>>
      %dma_wait3A_465 = tpu.memref_squeeze %dma_wait3A_464 : memref<1x80x128xf32, #tpu.memory_space<hbm>> -> memref<80x128xf32, #tpu.memory_space<hbm>>
      %dma_wait3A_466 = arith.constant 0 : i32
      %dma_wait3A_467 = tpu.memref_slice %arg4[%arg0, %add3A_400, %dma_wait3A_466] : memref<2x10240x128xf32, #tpu.memory_space<hbm>> -> memref<1x80x128xf32, #tpu.memory_space<hbm>>
      %dma_wait3A_468 = tpu.memref_squeeze %dma_wait3A_467 : memref<1x80x128xf32, #tpu.memory_space<hbm>> -> memref<80x128xf32, #tpu.memory_space<hbm>>
      %dma_wait3A_469 = arith.constant 0 : i32
      %dma_wait3A_470 = arith.constant 0 : i32
      %dma_wait3A_471 = tpu.memref_slice %arg6[%run_scoped3A_401, %dma_wait3A_469, %dma_wait3A_470] : memref<4x80x128xf32, #tpu.memory_space<vmem>> -> memref<1x80x128xf32, #tpu.memory_space<vmem>>
      %dma_wait3A_472 = tpu.memref_squeeze %dma_wait3A_471 : memref<1x80x128xf32, #tpu.memory_space<vmem>> -> memref<80x128xf32, #tpu.memory_space<vmem>>
      tpu.wait_dma2 semaphore(%run_scoped3A_444 : memref<!tpu.dma_semaphore, #tpu.memory_space<semaphore_mem>>) src(%dma_wait3A_472 : memref<80x128xf32, #tpu.memory_space<vmem>>) dst(%dma_wait3A_468 : memref<80x128xf32, #tpu.memory_space<hbm>>)
      tpu.yield
    }) : () -> ()
    %add3A_402 = arith.constant 80 : i32
    %add3A_403 = arith.addi %mul3A_6, %add3A_402 : i32
    %run_scoped3A_404 = arith.constant 0 : i32
    "tpu.region"() ({
      %run_scoped3A_444 = tpu.sem_alloc : memref<!tpu.dma_semaphore, #tpu.memory_space<semaphore_mem>>
      %dma_start3A_445 = arith.constant 0 : i32
      %dma_start3A_446 = arith.constant 0 : i32
      %dma_start3A_447 = tpu.memref_slice %arg6[%run_scoped3A_404, %dma_start3A_445, %dma_start3A_446] : memref<4x80x128xf32, #tpu.memory_space<vmem>> -> memref<1x80x128xf32, #tpu.memory_space<vmem>>
      %dma_start3A_448 = tpu.memref_squeeze %dma_start3A_447 : memref<1x80x128xf32, #tpu.memory_space<vmem>> -> memref<80x128xf32, #tpu.memory_space<vmem>>
      %dma_start3A_449 = arith.constant 0 : i32
      %dma_start3A_450 = tpu.memref_slice %arg7[%add3A_403, %dma_start3A_449] : memref<10240x128xf32, #tpu.memory_space<vmem_shared>> -> memref<80x128xf32, #tpu.memory_space<vmem_shared>>
      %dma_start3A_451 = arith.constant 0 : i32
      %dma_start3A_452 = arith.constant 0 : i32
      %dma_start3A_453 = tpu.memref_slice %arg6[%run_scoped3A_404, %dma_start3A_451, %dma_start3A_452] : memref<4x80x128xf32, #tpu.memory_space<vmem>> -> memref<1x80x128xf32, #tpu.memory_space<vmem>>
      %dma_start3A_454 = tpu.memref_squeeze %dma_start3A_453 : memref<1x80x128xf32, #tpu.memory_space<vmem>> -> memref<80x128xf32, #tpu.memory_space<vmem>>
      %dma_start3A_455 = arith.constant 0 : i32
      %dma_start3A_456 = tpu.memref_slice %arg7[%add3A_403, %dma_start3A_455] : memref<10240x128xf32, #tpu.memory_space<vmem_shared>> -> memref<80x128xf32, #tpu.memory_space<vmem_shared>>
      tpu.enqueue_dma source(%dma_start3A_456 : memref<80x128xf32, #tpu.memory_space<vmem_shared>>) target(%dma_start3A_454 : memref<80x128xf32, #tpu.memory_space<vmem>>) target_semaphore(%run_scoped3A_444 : memref<!tpu.dma_semaphore, #tpu.memory_space<semaphore_mem>>)
      %dma_wait3A_457 = arith.constant 0 : i32
      %dma_wait3A_458 = arith.constant 0 : i32
      %dma_wait3A_459 = tpu.memref_slice %arg6[%run_scoped3A_404, %dma_wait3A_457, %dma_wait3A_458] : memref<4x80x128xf32, #tpu.memory_space<vmem>> -> memref<1x80x128xf32, #tpu.memory_space<vmem>>
      %dma_wait3A_460 = tpu.memref_squeeze %dma_wait3A_459 : memref<1x80x128xf32, #tpu.memory_space<vmem>> -> memref<80x128xf32, #tpu.memory_space<vmem>>
      %dma_wait3A_461 = arith.constant 0 : i32
      %dma_wait3A_462 = tpu.memref_slice %arg7[%add3A_403, %dma_wait3A_461] : memref<10240x128xf32, #tpu.memory_space<vmem_shared>> -> memref<80x128xf32, #tpu.memory_space<vmem_shared>>
      %dma_wait3A_463 = arith.constant 0 : i32
      %dma_wait3A_464 = arith.constant 0 : i32
      %dma_wait3A_465 = tpu.memref_slice %arg6[%run_scoped3A_404, %dma_wait3A_463, %dma_wait3A_464] : memref<4x80x128xf32, #tpu.memory_space<vmem>> -> memref<1x80x128xf32, #tpu.memory_space<vmem>>
      %dma_wait3A_466 = tpu.memref_squeeze %dma_wait3A_465 : memref<1x80x128xf32, #tpu.memory_space<vmem>> -> memref<80x128xf32, #tpu.memory_space<vmem>>
      %dma_wait3A_467 = arith.constant 0 : i32
      %dma_wait3A_468 = tpu.memref_slice %arg7[%add3A_403, %dma_wait3A_467] : memref<10240x128xf32, #tpu.memory_space<vmem_shared>> -> memref<80x128xf32, #tpu.memory_space<vmem_shared>>
      tpu.wait_dma2 semaphore(%run_scoped3A_444 : memref<!tpu.dma_semaphore, #tpu.memory_space<semaphore_mem>>) src(%dma_wait3A_468 : memref<80x128xf32, #tpu.memory_space<vmem_shared>>) dst(%dma_wait3A_466 : memref<80x128xf32, #tpu.memory_space<vmem>>)
      tpu.yield
    }) : () -> ()
    %add3A_405 = arith.constant 80 : i32
    %add3A_406 = arith.addi %mul3A_6, %add3A_405 : i32
    %run_scoped3A_407 = arith.constant 0 : i32
    "tpu.region"() ({
      %run_scoped3A_444 = tpu.sem_alloc : memref<!tpu.dma_semaphore, #tpu.memory_space<semaphore_mem>>
      %dma_start3A_445 = arith.constant 0 : i32
      %dma_start3A_446 = arith.constant 0 : i32
      %dma_start3A_447 = tpu.memref_slice %arg6[%run_scoped3A_407, %dma_start3A_445, %dma_start3A_446] : memref<4x80x128xf32, #tpu.memory_space<vmem>> -> memref<1x80x128xf32, #tpu.memory_space<vmem>>
      %dma_start3A_448 = tpu.memref_squeeze %dma_start3A_447 : memref<1x80x128xf32, #tpu.memory_space<vmem>> -> memref<80x128xf32, #tpu.memory_space<vmem>>
      %dma_start3A_449 = arith.constant 0 : i32
      %dma_start3A_450 = tpu.memref_slice %arg4[%arg0, %add3A_406, %dma_start3A_449] : memref<2x10240x128xf32, #tpu.memory_space<hbm>> -> memref<1x80x128xf32, #tpu.memory_space<hbm>>
      %dma_start3A_451 = tpu.memref_squeeze %dma_start3A_450 : memref<1x80x128xf32, #tpu.memory_space<hbm>> -> memref<80x128xf32, #tpu.memory_space<hbm>>
      %dma_start3A_452 = arith.constant 0 : i32
      %dma_start3A_453 = tpu.memref_slice %arg4[%arg0, %add3A_406, %dma_start3A_452] : memref<2x10240x128xf32, #tpu.memory_space<hbm>> -> memref<1x80x128xf32, #tpu.memory_space<hbm>>
      %dma_start3A_454 = tpu.memref_squeeze %dma_start3A_453 : memref<1x80x128xf32, #tpu.memory_space<hbm>> -> memref<80x128xf32, #tpu.memory_space<hbm>>
      %dma_start3A_455 = arith.constant 0 : i32
      %dma_start3A_456 = arith.constant 0 : i32
      %dma_start3A_457 = tpu.memref_slice %arg6[%run_scoped3A_407, %dma_start3A_455, %dma_start3A_456] : memref<4x80x128xf32, #tpu.memory_space<vmem>> -> memref<1x80x128xf32, #tpu.memory_space<vmem>>
      %dma_start3A_458 = tpu.memref_squeeze %dma_start3A_457 : memref<1x80x128xf32, #tpu.memory_space<vmem>> -> memref<80x128xf32, #tpu.memory_space<vmem>>
      tpu.enqueue_dma source(%dma_start3A_458 : memref<80x128xf32, #tpu.memory_space<vmem>>) target(%dma_start3A_454 : memref<80x128xf32, #tpu.memory_space<hbm>>) target_semaphore(%run_scoped3A_444 : memref<!tpu.dma_semaphore, #tpu.memory_space<semaphore_mem>>)
      %dma_wait3A_459 = arith.constant 0 : i32
      %dma_wait3A_460 = arith.constant 0 : i32
      %dma_wait3A_461 = tpu.memref_slice %arg6[%run_scoped3A_407, %dma_wait3A_459, %dma_wait3A_460] : memref<4x80x128xf32, #tpu.memory_space<vmem>> -> memref<1x80x128xf32, #tpu.memory_space<vmem>>
      %dma_wait3A_462 = tpu.memref_squeeze %dma_wait3A_461 : memref<1x80x128xf32, #tpu.memory_space<vmem>> -> memref<80x128xf32, #tpu.memory_space<vmem>>
      %dma_wait3A_463 = arith.constant 0 : i32
      %dma_wait3A_464 = tpu.memref_slice %arg4[%arg0, %add3A_406, %dma_wait3A_463] : memref<2x10240x128xf32, #tpu.memory_space<hbm>> -> memref<1x80x128xf32, #tpu.memory_space<hbm>>
      %dma_wait3A_465 = tpu.memref_squeeze %dma_wait3A_464 : memref<1x80x128xf32, #tpu.memory_space<hbm>> -> memref<80x128xf32, #tpu.memory_space<hbm>>
      %dma_wait3A_466 = arith.constant 0 : i32
      %dma_wait3A_467 = tpu.memref_slice %arg4[%arg0, %add3A_406, %dma_wait3A_466] : memref<2x10240x128xf32, #tpu.memory_space<hbm>> -> memref<1x80x128xf32, #tpu.memory_space<hbm>>
      %dma_wait3A_468 = tpu.memref_squeeze %dma_wait3A_467 : memref<1x80x128xf32, #tpu.memory_space<hbm>> -> memref<80x128xf32, #tpu.memory_space<hbm>>
      %dma_wait3A_469 = arith.constant 0 : i32
      %dma_wait3A_470 = arith.constant 0 : i32
      %dma_wait3A_471 = tpu.memref_slice %arg6[%run_scoped3A_407, %dma_wait3A_469, %dma_wait3A_470] : memref<4x80x128xf32, #tpu.memory_space<vmem>> -> memref<1x80x128xf32, #tpu.memory_space<vmem>>
      %dma_wait3A_472 = tpu.memref_squeeze %dma_wait3A_471 : memref<1x80x128xf32, #tpu.memory_space<vmem>> -> memref<80x128xf32, #tpu.memory_space<vmem>>
      tpu.wait_dma2 semaphore(%run_scoped3A_444 : memref<!tpu.dma_semaphore, #tpu.memory_space<semaphore_mem>>) src(%dma_wait3A_472 : memref<80x128xf32, #tpu.memory_space<vmem>>) dst(%dma_wait3A_468 : memref<80x128xf32, #tpu.memory_space<hbm>>)
      tpu.yield
    }) : () -> ()
    %add3A_408 = arith.constant 160 : i32
    %add3A_409 = arith.addi %mul3A_6, %add3A_408 : i32
    %run_scoped3A_410 = arith.constant 0 : i32
    "tpu.region"() ({
      %run_scoped3A_444 = tpu.sem_alloc : memref<!tpu.dma_semaphore, #tpu.memory_space<semaphore_mem>>
      %dma_start3A_445 = arith.constant 0 : i32
      %dma_start3A_446 = arith.constant 0 : i32
      %dma_start3A_447 = tpu.memref_slice %arg6[%run_scoped3A_410, %dma_start3A_445, %dma_start3A_446] : memref<4x80x128xf32, #tpu.memory_space<vmem>> -> memref<1x80x128xf32, #tpu.memory_space<vmem>>
      %dma_start3A_448 = tpu.memref_squeeze %dma_start3A_447 : memref<1x80x128xf32, #tpu.memory_space<vmem>> -> memref<80x128xf32, #tpu.memory_space<vmem>>
      %dma_start3A_449 = arith.constant 0 : i32
      %dma_start3A_450 = tpu.memref_slice %arg7[%add3A_409, %dma_start3A_449] : memref<10240x128xf32, #tpu.memory_space<vmem_shared>> -> memref<80x128xf32, #tpu.memory_space<vmem_shared>>
      %dma_start3A_451 = arith.constant 0 : i32
      %dma_start3A_452 = arith.constant 0 : i32
      %dma_start3A_453 = tpu.memref_slice %arg6[%run_scoped3A_410, %dma_start3A_451, %dma_start3A_452] : memref<4x80x128xf32, #tpu.memory_space<vmem>> -> memref<1x80x128xf32, #tpu.memory_space<vmem>>
      %dma_start3A_454 = tpu.memref_squeeze %dma_start3A_453 : memref<1x80x128xf32, #tpu.memory_space<vmem>> -> memref<80x128xf32, #tpu.memory_space<vmem>>
      %dma_start3A_455 = arith.constant 0 : i32
      %dma_start3A_456 = tpu.memref_slice %arg7[%add3A_409, %dma_start3A_455] : memref<10240x128xf32, #tpu.memory_space<vmem_shared>> -> memref<80x128xf32, #tpu.memory_space<vmem_shared>>
      tpu.enqueue_dma source(%dma_start3A_456 : memref<80x128xf32, #tpu.memory_space<vmem_shared>>) target(%dma_start3A_454 : memref<80x128xf32, #tpu.memory_space<vmem>>) target_semaphore(%run_scoped3A_444 : memref<!tpu.dma_semaphore, #tpu.memory_space<semaphore_mem>>)
      %dma_wait3A_457 = arith.constant 0 : i32
      %dma_wait3A_458 = arith.constant 0 : i32
      %dma_wait3A_459 = tpu.memref_slice %arg6[%run_scoped3A_410, %dma_wait3A_457, %dma_wait3A_458] : memref<4x80x128xf32, #tpu.memory_space<vmem>> -> memref<1x80x128xf32, #tpu.memory_space<vmem>>
      %dma_wait3A_460 = tpu.memref_squeeze %dma_wait3A_459 : memref<1x80x128xf32, #tpu.memory_space<vmem>> -> memref<80x128xf32, #tpu.memory_space<vmem>>
      %dma_wait3A_461 = arith.constant 0 : i32
      %dma_wait3A_462 = tpu.memref_slice %arg7[%add3A_409, %dma_wait3A_461] : memref<10240x128xf32, #tpu.memory_space<vmem_shared>> -> memref<80x128xf32, #tpu.memory_space<vmem_shared>>
      %dma_wait3A_463 = arith.constant 0 : i32
      %dma_wait3A_464 = arith.constant 0 : i32
      %dma_wait3A_465 = tpu.memref_slice %arg6[%run_scoped3A_410, %dma_wait3A_463, %dma_wait3A_464] : memref<4x80x128xf32, #tpu.memory_space<vmem>> -> memref<1x80x128xf32, #tpu.memory_space<vmem>>
      %dma_wait3A_466 = tpu.memref_squeeze %dma_wait3A_465 : memref<1x80x128xf32, #tpu.memory_space<vmem>> -> memref<80x128xf32, #tpu.memory_space<vmem>>
      %dma_wait3A_467 = arith.constant 0 : i32
      %dma_wait3A_468 = tpu.memref_slice %arg7[%add3A_409, %dma_wait3A_467] : memref<10240x128xf32, #tpu.memory_space<vmem_shared>> -> memref<80x128xf32, #tpu.memory_space<vmem_shared>>
      tpu.wait_dma2 semaphore(%run_scoped3A_444 : memref<!tpu.dma_semaphore, #tpu.memory_space<semaphore_mem>>) src(%dma_wait3A_468 : memref<80x128xf32, #tpu.memory_space<vmem_shared>>) dst(%dma_wait3A_466 : memref<80x128xf32, #tpu.memory_space<vmem>>)
      tpu.yield
    }) : () -> ()
    %add3A_411 = arith.constant 160 : i32
    %add3A_412 = arith.addi %mul3A_6, %add3A_411 : i32
    %run_scoped3A_413 = arith.constant 0 : i32
    "tpu.region"() ({
      %run_scoped3A_444 = tpu.sem_alloc : memref<!tpu.dma_semaphore, #tpu.memory_space<semaphore_mem>>
      %dma_start3A_445 = arith.constant 0 : i32
      %dma_start3A_446 = arith.constant 0 : i32
      %dma_start3A_447 = tpu.memref_slice %arg6[%run_scoped3A_413, %dma_start3A_445, %dma_start3A_446] : memref<4x80x128xf32, #tpu.memory_space<vmem>> -> memref<1x80x128xf32, #tpu.memory_space<vmem>>
      %dma_start3A_448 = tpu.memref_squeeze %dma_start3A_447 : memref<1x80x128xf32, #tpu.memory_space<vmem>> -> memref<80x128xf32, #tpu.memory_space<vmem>>
      %dma_start3A_449 = arith.constant 0 : i32
      %dma_start3A_450 = tpu.memref_slice %arg4[%arg0, %add3A_412, %dma_start3A_449] : memref<2x10240x128xf32, #tpu.memory_space<hbm>> -> memref<1x80x128xf32, #tpu.memory_space<hbm>>
      %dma_start3A_451 = tpu.memref_squeeze %dma_start3A_450 : memref<1x80x128xf32, #tpu.memory_space<hbm>> -> memref<80x128xf32, #tpu.memory_space<hbm>>
      %dma_start3A_452 = arith.constant 0 : i32
      %dma_start3A_453 = tpu.memref_slice %arg4[%arg0, %add3A_412, %dma_start3A_452] : memref<2x10240x128xf32, #tpu.memory_space<hbm>> -> memref<1x80x128xf32, #tpu.memory_space<hbm>>
      %dma_start3A_454 = tpu.memref_squeeze %dma_start3A_453 : memref<1x80x128xf32, #tpu.memory_space<hbm>> -> memref<80x128xf32, #tpu.memory_space<hbm>>
      %dma_start3A_455 = arith.constant 0 : i32
      %dma_start3A_456 = arith.constant 0 : i32
      %dma_start3A_457 = tpu.memref_slice %arg6[%run_scoped3A_413, %dma_start3A_455, %dma_start3A_456] : memref<4x80x128xf32, #tpu.memory_space<vmem>> -> memref<1x80x128xf32, #tpu.memory_space<vmem>>
      %dma_start3A_458 = tpu.memref_squeeze %dma_start3A_457 : memref<1x80x128xf32, #tpu.memory_space<vmem>> -> memref<80x128xf32, #tpu.memory_space<vmem>>
      tpu.enqueue_dma source(%dma_start3A_458 : memref<80x128xf32, #tpu.memory_space<vmem>>) target(%dma_start3A_454 : memref<80x128xf32, #tpu.memory_space<hbm>>) target_semaphore(%run_scoped3A_444 : memref<!tpu.dma_semaphore, #tpu.memory_space<semaphore_mem>>)
      %dma_wait3A_459 = arith.constant 0 : i32
      %dma_wait3A_460 = arith.constant 0 : i32
      %dma_wait3A_461 = tpu.memref_slice %arg6[%run_scoped3A_413, %dma_wait3A_459, %dma_wait3A_460] : memref<4x80x128xf32, #tpu.memory_space<vmem>> -> memref<1x80x128xf32, #tpu.memory_space<vmem>>
      %dma_wait3A_462 = tpu.memref_squeeze %dma_wait3A_461 : memref<1x80x128xf32, #tpu.memory_space<vmem>> -> memref<80x128xf32, #tpu.memory_space<vmem>>
      %dma_wait3A_463 = arith.constant 0 : i32
      %dma_wait3A_464 = tpu.memref_slice %arg4[%arg0, %add3A_412, %dma_wait3A_463] : memref<2x10240x128xf32, #tpu.memory_space<hbm>> -> memref<1x80x128xf32, #tpu.memory_space<hbm>>
      %dma_wait3A_465 = tpu.memref_squeeze %dma_wait3A_464 : memref<1x80x128xf32, #tpu.memory_space<hbm>> -> memref<80x128xf32, #tpu.memory_space<hbm>>
      %dma_wait3A_466 = arith.constant 0 : i32
      %dma_wait3A_467 = tpu.memref_slice %arg4[%arg0, %add3A_412, %dma_wait3A_466] : memref<2x10240x128xf32, #tpu.memory_space<hbm>> -> memref<1x80x128xf32, #tpu.memory_space<hbm>>
      %dma_wait3A_468 = tpu.memref_squeeze %dma_wait3A_467 : memref<1x80x128xf32, #tpu.memory_space<hbm>> -> memref<80x128xf32, #tpu.memory_space<hbm>>
      %dma_wait3A_469 = arith.constant 0 : i32
      %dma_wait3A_470 = arith.constant 0 : i32
      %dma_wait3A_471 = tpu.memref_slice %arg6[%run_scoped3A_413, %dma_wait3A_469, %dma_wait3A_470] : memref<4x80x128xf32, #tpu.memory_space<vmem>> -> memref<1x80x128xf32, #tpu.memory_space<vmem>>
      %dma_wait3A_472 = tpu.memref_squeeze %dma_wait3A_471 : memref<1x80x128xf32, #tpu.memory_space<vmem>> -> memref<80x128xf32, #tpu.memory_space<vmem>>
      tpu.wait_dma2 semaphore(%run_scoped3A_444 : memref<!tpu.dma_semaphore, #tpu.memory_space<semaphore_mem>>) src(%dma_wait3A_472 : memref<80x128xf32, #tpu.memory_space<vmem>>) dst(%dma_wait3A_468 : memref<80x128xf32, #tpu.memory_space<hbm>>)
      tpu.yield
    }) : () -> ()
    %add3A_414 = arith.constant 240 : i32
    %add3A_415 = arith.addi %mul3A_6, %add3A_414 : i32
    %run_scoped3A_416 = arith.constant 0 : i32
    "tpu.region"() ({
      %run_scoped3A_444 = tpu.sem_alloc : memref<!tpu.dma_semaphore, #tpu.memory_space<semaphore_mem>>
      %dma_start3A_445 = arith.constant 0 : i32
      %dma_start3A_446 = arith.constant 0 : i32
      %dma_start3A_447 = tpu.memref_slice %arg6[%run_scoped3A_416, %dma_start3A_445, %dma_start3A_446] : memref<4x80x128xf32, #tpu.memory_space<vmem>> -> memref<1x80x128xf32, #tpu.memory_space<vmem>>
      %dma_start3A_448 = tpu.memref_squeeze %dma_start3A_447 : memref<1x80x128xf32, #tpu.memory_space<vmem>> -> memref<80x128xf32, #tpu.memory_space<vmem>>
      %dma_start3A_449 = arith.constant 0 : i32
      %dma_start3A_450 = tpu.memref_slice %arg7[%add3A_415, %dma_start3A_449] : memref<10240x128xf32, #tpu.memory_space<vmem_shared>> -> memref<80x128xf32, #tpu.memory_space<vmem_shared>>
      %dma_start3A_451 = arith.constant 0 : i32
      %dma_start3A_452 = arith.constant 0 : i32
      %dma_start3A_453 = tpu.memref_slice %arg6[%run_scoped3A_416, %dma_start3A_451, %dma_start3A_452] : memref<4x80x128xf32, #tpu.memory_space<vmem>> -> memref<1x80x128xf32, #tpu.memory_space<vmem>>
      %dma_start3A_454 = tpu.memref_squeeze %dma_start3A_453 : memref<1x80x128xf32, #tpu.memory_space<vmem>> -> memref<80x128xf32, #tpu.memory_space<vmem>>
      %dma_start3A_455 = arith.constant 0 : i32
      %dma_start3A_456 = tpu.memref_slice %arg7[%add3A_415, %dma_start3A_455] : memref<10240x128xf32, #tpu.memory_space<vmem_shared>> -> memref<80x128xf32, #tpu.memory_space<vmem_shared>>
      tpu.enqueue_dma source(%dma_start3A_456 : memref<80x128xf32, #tpu.memory_space<vmem_shared>>) target(%dma_start3A_454 : memref<80x128xf32, #tpu.memory_space<vmem>>) target_semaphore(%run_scoped3A_444 : memref<!tpu.dma_semaphore, #tpu.memory_space<semaphore_mem>>)
      %dma_wait3A_457 = arith.constant 0 : i32
      %dma_wait3A_458 = arith.constant 0 : i32
      %dma_wait3A_459 = tpu.memref_slice %arg6[%run_scoped3A_416, %dma_wait3A_457, %dma_wait3A_458] : memref<4x80x128xf32, #tpu.memory_space<vmem>> -> memref<1x80x128xf32, #tpu.memory_space<vmem>>
      %dma_wait3A_460 = tpu.memref_squeeze %dma_wait3A_459 : memref<1x80x128xf32, #tpu.memory_space<vmem>> -> memref<80x128xf32, #tpu.memory_space<vmem>>
      %dma_wait3A_461 = arith.constant 0 : i32
      %dma_wait3A_462 = tpu.memref_slice %arg7[%add3A_415, %dma_wait3A_461] : memref<10240x128xf32, #tpu.memory_space<vmem_shared>> -> memref<80x128xf32, #tpu.memory_space<vmem_shared>>
      %dma_wait3A_463 = arith.constant 0 : i32
      %dma_wait3A_464 = arith.constant 0 : i32
      %dma_wait3A_465 = tpu.memref_slice %arg6[%run_scoped3A_416, %dma_wait3A_463, %dma_wait3A_464] : memref<4x80x128xf32, #tpu.memory_space<vmem>> -> memref<1x80x128xf32, #tpu.memory_space<vmem>>
      %dma_wait3A_466 = tpu.memref_squeeze %dma_wait3A_465 : memref<1x80x128xf32, #tpu.memory_space<vmem>> -> memref<80x128xf32, #tpu.memory_space<vmem>>
      %dma_wait3A_467 = arith.constant 0 : i32
      %dma_wait3A_468 = tpu.memref_slice %arg7[%add3A_415, %dma_wait3A_467] : memref<10240x128xf32, #tpu.memory_space<vmem_shared>> -> memref<80x128xf32, #tpu.memory_space<vmem_shared>>
      tpu.wait_dma2 semaphore(%run_scoped3A_444 : memref<!tpu.dma_semaphore, #tpu.memory_space<semaphore_mem>>) src(%dma_wait3A_468 : memref<80x128xf32, #tpu.memory_space<vmem_shared>>) dst(%dma_wait3A_466 : memref<80x128xf32, #tpu.memory_space<vmem>>)
      tpu.yield
    }) : () -> ()
    %add3A_417 = arith.constant 240 : i32
    %add3A_418 = arith.addi %mul3A_6, %add3A_417 : i32
    %run_scoped3A_419 = arith.constant 0 : i32
    "tpu.region"() ({
      %run_scoped3A_444 = tpu.sem_alloc : memref<!tpu.dma_semaphore, #tpu.memory_space<semaphore_mem>>
      %dma_start3A_445 = arith.constant 0 : i32
      %dma_start3A_446 = arith.constant 0 : i32
      %dma_start3A_447 = tpu.memref_slice %arg6[%run_scoped3A_419, %dma_start3A_445, %dma_start3A_446] : memref<4x80x128xf32, #tpu.memory_space<vmem>> -> memref<1x80x128xf32, #tpu.memory_space<vmem>>
      %dma_start3A_448 = tpu.memref_squeeze %dma_start3A_447 : memref<1x80x128xf32, #tpu.memory_space<vmem>> -> memref<80x128xf32, #tpu.memory_space<vmem>>
      %dma_start3A_449 = arith.constant 0 : i32
      %dma_start3A_450 = tpu.memref_slice %arg4[%arg0, %add3A_418, %dma_start3A_449] : memref<2x10240x128xf32, #tpu.memory_space<hbm>> -> memref<1x80x128xf32, #tpu.memory_space<hbm>>
      %dma_start3A_451 = tpu.memref_squeeze %dma_start3A_450 : memref<1x80x128xf32, #tpu.memory_space<hbm>> -> memref<80x128xf32, #tpu.memory_space<hbm>>
      %dma_start3A_452 = arith.constant 0 : i32
      %dma_start3A_453 = tpu.memref_slice %arg4[%arg0, %add3A_418, %dma_start3A_452] : memref<2x10240x128xf32, #tpu.memory_space<hbm>> -> memref<1x80x128xf32, #tpu.memory_space<hbm>>
      %dma_start3A_454 = tpu.memref_squeeze %dma_start3A_453 : memref<1x80x128xf32, #tpu.memory_space<hbm>> -> memref<80x128xf32, #tpu.memory_space<hbm>>
      %dma_start3A_455 = arith.constant 0 : i32
      %dma_start3A_456 = arith.constant 0 : i32
      %dma_start3A_457 = tpu.memref_slice %arg6[%run_scoped3A_419, %dma_start3A_455, %dma_start3A_456] : memref<4x80x128xf32, #tpu.memory_space<vmem>> -> memref<1x80x128xf32, #tpu.memory_space<vmem>>
      %dma_start3A_458 = tpu.memref_squeeze %dma_start3A_457 : memref<1x80x128xf32, #tpu.memory_space<vmem>> -> memref<80x128xf32, #tpu.memory_space<vmem>>
      tpu.enqueue_dma source(%dma_start3A_458 : memref<80x128xf32, #tpu.memory_space<vmem>>) target(%dma_start3A_454 : memref<80x128xf32, #tpu.memory_space<hbm>>) target_semaphore(%run_scoped3A_444 : memref<!tpu.dma_semaphore, #tpu.memory_space<semaphore_mem>>)
      %dma_wait3A_459 = arith.constant 0 : i32
      %dma_wait3A_460 = arith.constant 0 : i32
      %dma_wait3A_461 = tpu.memref_slice %arg6[%run_scoped3A_419, %dma_wait3A_459, %dma_wait3A_460] : memref<4x80x128xf32, #tpu.memory_space<vmem>> -> memref<1x80x128xf32, #tpu.memory_space<vmem>>
      %dma_wait3A_462 = tpu.memref_squeeze %dma_wait3A_461 : memref<1x80x128xf32, #tpu.memory_space<vmem>> -> memref<80x128xf32, #tpu.memory_space<vmem>>
      %dma_wait3A_463 = arith.constant 0 : i32
      %dma_wait3A_464 = tpu.memref_slice %arg4[%arg0, %add3A_418, %dma_wait3A_463] : memref<2x10240x128xf32, #tpu.memory_space<hbm>> -> memref<1x80x128xf32, #tpu.memory_space<hbm>>
      %dma_wait3A_465 = tpu.memref_squeeze %dma_wait3A_464 : memref<1x80x128xf32, #tpu.memory_space<hbm>> -> memref<80x128xf32, #tpu.memory_space<hbm>>
      %dma_wait3A_466 = arith.constant 0 : i32
      %dma_wait3A_467 = tpu.memref_slice %arg4[%arg0, %add3A_418, %dma_wait3A_466] : memref<2x10240x128xf32, #tpu.memory_space<hbm>> -> memref<1x80x128xf32, #tpu.memory_space<hbm>>
      %dma_wait3A_468 = tpu.memref_squeeze %dma_wait3A_467 : memref<1x80x128xf32, #tpu.memory_space<hbm>> -> memref<80x128xf32, #tpu.memory_space<hbm>>
      %dma_wait3A_469 = arith.constant 0 : i32
      %dma_wait3A_470 = arith.constant 0 : i32
      %dma_wait3A_471 = tpu.memref_slice %arg6[%run_scoped3A_419, %dma_wait3A_469, %dma_wait3A_470] : memref<4x80x128xf32, #tpu.memory_space<vmem>> -> memref<1x80x128xf32, #tpu.memory_space<vmem>>
      %dma_wait3A_472 = tpu.memref_squeeze %dma_wait3A_471 : memref<1x80x128xf32, #tpu.memory_space<vmem>> -> memref<80x128xf32, #tpu.memory_space<vmem>>
      tpu.wait_dma2 semaphore(%run_scoped3A_444 : memref<!tpu.dma_semaphore, #tpu.memory_space<semaphore_mem>>) src(%dma_wait3A_472 : memref<80x128xf32, #tpu.memory_space<vmem>>) dst(%dma_wait3A_468 : memref<80x128xf32, #tpu.memory_space<hbm>>)
      tpu.yield
    }) : () -> ()
    %add3A_420 = arith.constant 320 : i32
    %add3A_421 = arith.addi %mul3A_6, %add3A_420 : i32
    %run_scoped3A_422 = arith.constant 0 : i32
    "tpu.region"() ({
      %run_scoped3A_444 = tpu.sem_alloc : memref<!tpu.dma_semaphore, #tpu.memory_space<semaphore_mem>>
      %dma_start3A_445 = arith.constant 0 : i32
      %dma_start3A_446 = arith.constant 0 : i32
      %dma_start3A_447 = tpu.memref_slice %arg6[%run_scoped3A_422, %dma_start3A_445, %dma_start3A_446] : memref<4x80x128xf32, #tpu.memory_space<vmem>> -> memref<1x80x128xf32, #tpu.memory_space<vmem>>
      %dma_start3A_448 = tpu.memref_squeeze %dma_start3A_447 : memref<1x80x128xf32, #tpu.memory_space<vmem>> -> memref<80x128xf32, #tpu.memory_space<vmem>>
      %dma_start3A_449 = arith.constant 0 : i32
      %dma_start3A_450 = tpu.memref_slice %arg7[%add3A_421, %dma_start3A_449] : memref<10240x128xf32, #tpu.memory_space<vmem_shared>> -> memref<80x128xf32, #tpu.memory_space<vmem_shared>>
      %dma_start3A_451 = arith.constant 0 : i32
      %dma_start3A_452 = arith.constant 0 : i32
      %dma_start3A_453 = tpu.memref_slice %arg6[%run_scoped3A_422, %dma_start3A_451, %dma_start3A_452] : memref<4x80x128xf32, #tpu.memory_space<vmem>> -> memref<1x80x128xf32, #tpu.memory_space<vmem>>
      %dma_start3A_454 = tpu.memref_squeeze %dma_start3A_453 : memref<1x80x128xf32, #tpu.memory_space<vmem>> -> memref<80x128xf32, #tpu.memory_space<vmem>>
      %dma_start3A_455 = arith.constant 0 : i32
      %dma_start3A_456 = tpu.memref_slice %arg7[%add3A_421, %dma_start3A_455] : memref<10240x128xf32, #tpu.memory_space<vmem_shared>> -> memref<80x128xf32, #tpu.memory_space<vmem_shared>>
      tpu.enqueue_dma source(%dma_start3A_456 : memref<80x128xf32, #tpu.memory_space<vmem_shared>>) target(%dma_start3A_454 : memref<80x128xf32, #tpu.memory_space<vmem>>) target_semaphore(%run_scoped3A_444 : memref<!tpu.dma_semaphore, #tpu.memory_space<semaphore_mem>>)
      %dma_wait3A_457 = arith.constant 0 : i32
      %dma_wait3A_458 = arith.constant 0 : i32
      %dma_wait3A_459 = tpu.memref_slice %arg6[%run_scoped3A_422, %dma_wait3A_457, %dma_wait3A_458] : memref<4x80x128xf32, #tpu.memory_space<vmem>> -> memref<1x80x128xf32, #tpu.memory_space<vmem>>
      %dma_wait3A_460 = tpu.memref_squeeze %dma_wait3A_459 : memref<1x80x128xf32, #tpu.memory_space<vmem>> -> memref<80x128xf32, #tpu.memory_space<vmem>>
      %dma_wait3A_461 = arith.constant 0 : i32
      %dma_wait3A_462 = tpu.memref_slice %arg7[%add3A_421, %dma_wait3A_461] : memref<10240x128xf32, #tpu.memory_space<vmem_shared>> -> memref<80x128xf32, #tpu.memory_space<vmem_shared>>
      %dma_wait3A_463 = arith.constant 0 : i32
      %dma_wait3A_464 = arith.constant 0 : i32
      %dma_wait3A_465 = tpu.memref_slice %arg6[%run_scoped3A_422, %dma_wait3A_463, %dma_wait3A_464] : memref<4x80x128xf32, #tpu.memory_space<vmem>> -> memref<1x80x128xf32, #tpu.memory_space<vmem>>
      %dma_wait3A_466 = tpu.memref_squeeze %dma_wait3A_465 : memref<1x80x128xf32, #tpu.memory_space<vmem>> -> memref<80x128xf32, #tpu.memory_space<vmem>>
      %dma_wait3A_467 = arith.constant 0 : i32
      %dma_wait3A_468 = tpu.memref_slice %arg7[%add3A_421, %dma_wait3A_467] : memref<10240x128xf32, #tpu.memory_space<vmem_shared>> -> memref<80x128xf32, #tpu.memory_space<vmem_shared>>
      tpu.wait_dma2 semaphore(%run_scoped3A_444 : memref<!tpu.dma_semaphore, #tpu.memory_space<semaphore_mem>>) src(%dma_wait3A_468 : memref<80x128xf32, #tpu.memory_space<vmem_shared>>) dst(%dma_wait3A_466 : memref<80x128xf32, #tpu.memory_space<vmem>>)
      tpu.yield
    }) : () -> ()
    %add3A_423 = arith.constant 320 : i32
    %add3A_424 = arith.addi %mul3A_6, %add3A_423 : i32
    %run_scoped3A_425 = arith.constant 0 : i32
    "tpu.region"() ({
      %run_scoped3A_444 = tpu.sem_alloc : memref<!tpu.dma_semaphore, #tpu.memory_space<semaphore_mem>>
      %dma_start3A_445 = arith.constant 0 : i32
      %dma_start3A_446 = arith.constant 0 : i32
      %dma_start3A_447 = tpu.memref_slice %arg6[%run_scoped3A_425, %dma_start3A_445, %dma_start3A_446] : memref<4x80x128xf32, #tpu.memory_space<vmem>> -> memref<1x80x128xf32, #tpu.memory_space<vmem>>
      %dma_start3A_448 = tpu.memref_squeeze %dma_start3A_447 : memref<1x80x128xf32, #tpu.memory_space<vmem>> -> memref<80x128xf32, #tpu.memory_space<vmem>>
      %dma_start3A_449 = arith.constant 0 : i32
      %dma_start3A_450 = tpu.memref_slice %arg4[%arg0, %add3A_424, %dma_start3A_449] : memref<2x10240x128xf32, #tpu.memory_space<hbm>> -> memref<1x80x128xf32, #tpu.memory_space<hbm>>
      %dma_start3A_451 = tpu.memref_squeeze %dma_start3A_450 : memref<1x80x128xf32, #tpu.memory_space<hbm>> -> memref<80x128xf32, #tpu.memory_space<hbm>>
      %dma_start3A_452 = arith.constant 0 : i32
      %dma_start3A_453 = tpu.memref_slice %arg4[%arg0, %add3A_424, %dma_start3A_452] : memref<2x10240x128xf32, #tpu.memory_space<hbm>> -> memref<1x80x128xf32, #tpu.memory_space<hbm>>
      %dma_start3A_454 = tpu.memref_squeeze %dma_start3A_453 : memref<1x80x128xf32, #tpu.memory_space<hbm>> -> memref<80x128xf32, #tpu.memory_space<hbm>>
      %dma_start3A_455 = arith.constant 0 : i32
      %dma_start3A_456 = arith.constant 0 : i32
      %dma_start3A_457 = tpu.memref_slice %arg6[%run_scoped3A_425, %dma_start3A_455, %dma_start3A_456] : memref<4x80x128xf32, #tpu.memory_space<vmem>> -> memref<1x80x128xf32, #tpu.memory_space<vmem>>
      %dma_start3A_458 = tpu.memref_squeeze %dma_start3A_457 : memref<1x80x128xf32, #tpu.memory_space<vmem>> -> memref<80x128xf32, #tpu.memory_space<vmem>>
      tpu.enqueue_dma source(%dma_start3A_458 : memref<80x128xf32, #tpu.memory_space<vmem>>) target(%dma_start3A_454 : memref<80x128xf32, #tpu.memory_space<hbm>>) target_semaphore(%run_scoped3A_444 : memref<!tpu.dma_semaphore, #tpu.memory_space<semaphore_mem>>)
      %dma_wait3A_459 = arith.constant 0 : i32
      %dma_wait3A_460 = arith.constant 0 : i32
      %dma_wait3A_461 = tpu.memref_slice %arg6[%run_scoped3A_425, %dma_wait3A_459, %dma_wait3A_460] : memref<4x80x128xf32, #tpu.memory_space<vmem>> -> memref<1x80x128xf32, #tpu.memory_space<vmem>>
      %dma_wait3A_462 = tpu.memref_squeeze %dma_wait3A_461 : memref<1x80x128xf32, #tpu.memory_space<vmem>> -> memref<80x128xf32, #tpu.memory_space<vmem>>
      %dma_wait3A_463 = arith.constant 0 : i32
      %dma_wait3A_464 = tpu.memref_slice %arg4[%arg0, %add3A_424, %dma_wait3A_463] : memref<2x10240x128xf32, #tpu.memory_space<hbm>> -> memref<1x80x128xf32, #tpu.memory_space<hbm>>
      %dma_wait3A_465 = tpu.memref_squeeze %dma_wait3A_464 : memref<1x80x128xf32, #tpu.memory_space<hbm>> -> memref<80x128xf32, #tpu.memory_space<hbm>>
      %dma_wait3A_466 = arith.constant 0 : i32
      %dma_wait3A_467 = tpu.memref_slice %arg4[%arg0, %add3A_424, %dma_wait3A_466] : memref<2x10240x128xf32, #tpu.memory_space<hbm>> -> memref<1x80x128xf32, #tpu.memory_space<hbm>>
      %dma_wait3A_468 = tpu.memref_squeeze %dma_wait3A_467 : memref<1x80x128xf32, #tpu.memory_space<hbm>> -> memref<80x128xf32, #tpu.memory_space<hbm>>
      %dma_wait3A_469 = arith.constant 0 : i32
      %dma_wait3A_470 = arith.constant 0 : i32
      %dma_wait3A_471 = tpu.memref_slice %arg6[%run_scoped3A_425, %dma_wait3A_469, %dma_wait3A_470] : memref<4x80x128xf32, #tpu.memory_space<vmem>> -> memref<1x80x128xf32, #tpu.memory_space<vmem>>
      %dma_wait3A_472 = tpu.memref_squeeze %dma_wait3A_471 : memref<1x80x128xf32, #tpu.memory_space<vmem>> -> memref<80x128xf32, #tpu.memory_space<vmem>>
      tpu.wait_dma2 semaphore(%run_scoped3A_444 : memref<!tpu.dma_semaphore, #tpu.memory_space<semaphore_mem>>) src(%dma_wait3A_472 : memref<80x128xf32, #tpu.memory_space<vmem>>) dst(%dma_wait3A_468 : memref<80x128xf32, #tpu.memory_space<hbm>>)
      tpu.yield
    }) : () -> ()
    %add3A_426 = arith.constant 400 : i32
    %add3A_427 = arith.addi %mul3A_6, %add3A_426 : i32
    %run_scoped3A_428 = arith.constant 0 : i32
    "tpu.region"() ({
      %run_scoped3A_444 = tpu.sem_alloc : memref<!tpu.dma_semaphore, #tpu.memory_space<semaphore_mem>>
      %dma_start3A_445 = arith.constant 0 : i32
      %dma_start3A_446 = arith.constant 0 : i32
      %dma_start3A_447 = tpu.memref_slice %arg6[%run_scoped3A_428, %dma_start3A_445, %dma_start3A_446] : memref<4x80x128xf32, #tpu.memory_space<vmem>> -> memref<1x80x128xf32, #tpu.memory_space<vmem>>
      %dma_start3A_448 = tpu.memref_squeeze %dma_start3A_447 : memref<1x80x128xf32, #tpu.memory_space<vmem>> -> memref<80x128xf32, #tpu.memory_space<vmem>>
      %dma_start3A_449 = arith.constant 0 : i32
      %dma_start3A_450 = tpu.memref_slice %arg7[%add3A_427, %dma_start3A_449] : memref<10240x128xf32, #tpu.memory_space<vmem_shared>> -> memref<80x128xf32, #tpu.memory_space<vmem_shared>>
      %dma_start3A_451 = arith.constant 0 : i32
      %dma_start3A_452 = arith.constant 0 : i32
      %dma_start3A_453 = tpu.memref_slice %arg6[%run_scoped3A_428, %dma_start3A_451, %dma_start3A_452] : memref<4x80x128xf32, #tpu.memory_space<vmem>> -> memref<1x80x128xf32, #tpu.memory_space<vmem>>
      %dma_start3A_454 = tpu.memref_squeeze %dma_start3A_453 : memref<1x80x128xf32, #tpu.memory_space<vmem>> -> memref<80x128xf32, #tpu.memory_space<vmem>>
      %dma_start3A_455 = arith.constant 0 : i32
      %dma_start3A_456 = tpu.memref_slice %arg7[%add3A_427, %dma_start3A_455] : memref<10240x128xf32, #tpu.memory_space<vmem_shared>> -> memref<80x128xf32, #tpu.memory_space<vmem_shared>>
      tpu.enqueue_dma source(%dma_start3A_456 : memref<80x128xf32, #tpu.memory_space<vmem_shared>>) target(%dma_start3A_454 : memref<80x128xf32, #tpu.memory_space<vmem>>) target_semaphore(%run_scoped3A_444 : memref<!tpu.dma_semaphore, #tpu.memory_space<semaphore_mem>>)
      %dma_wait3A_457 = arith.constant 0 : i32
      %dma_wait3A_458 = arith.constant 0 : i32
      %dma_wait3A_459 = tpu.memref_slice %arg6[%run_scoped3A_428, %dma_wait3A_457, %dma_wait3A_458] : memref<4x80x128xf32, #tpu.memory_space<vmem>> -> memref<1x80x128xf32, #tpu.memory_space<vmem>>
      %dma_wait3A_460 = tpu.memref_squeeze %dma_wait3A_459 : memref<1x80x128xf32, #tpu.memory_space<vmem>> -> memref<80x128xf32, #tpu.memory_space<vmem>>
      %dma_wait3A_461 = arith.constant 0 : i32
      %dma_wait3A_462 = tpu.memref_slice %arg7[%add3A_427, %dma_wait3A_461] : memref<10240x128xf32, #tpu.memory_space<vmem_shared>> -> memref<80x128xf32, #tpu.memory_space<vmem_shared>>
      %dma_wait3A_463 = arith.constant 0 : i32
      %dma_wait3A_464 = arith.constant 0 : i32
      %dma_wait3A_465 = tpu.memref_slice %arg6[%run_scoped3A_428, %dma_wait3A_463, %dma_wait3A_464] : memref<4x80x128xf32, #tpu.memory_space<vmem>> -> memref<1x80x128xf32, #tpu.memory_space<vmem>>
      %dma_wait3A_466 = tpu.memref_squeeze %dma_wait3A_465 : memref<1x80x128xf32, #tpu.memory_space<vmem>> -> memref<80x128xf32, #tpu.memory_space<vmem>>
      %dma_wait3A_467 = arith.constant 0 : i32
      %dma_wait3A_468 = tpu.memref_slice %arg7[%add3A_427, %dma_wait3A_467] : memref<10240x128xf32, #tpu.memory_space<vmem_shared>> -> memref<80x128xf32, #tpu.memory_space<vmem_shared>>
      tpu.wait_dma2 semaphore(%run_scoped3A_444 : memref<!tpu.dma_semaphore, #tpu.memory_space<semaphore_mem>>) src(%dma_wait3A_468 : memref<80x128xf32, #tpu.memory_space<vmem_shared>>) dst(%dma_wait3A_466 : memref<80x128xf32, #tpu.memory_space<vmem>>)
      tpu.yield
    }) : () -> ()
    %add3A_429 = arith.constant 400 : i32
    %add3A_430 = arith.addi %mul3A_6, %add3A_429 : i32
    %run_scoped3A_431 = arith.constant 0 : i32
    "tpu.region"() ({
      %run_scoped3A_444 = tpu.sem_alloc : memref<!tpu.dma_semaphore, #tpu.memory_space<semaphore_mem>>
      %dma_start3A_445 = arith.constant 0 : i32
      %dma_start3A_446 = arith.constant 0 : i32
      %dma_start3A_447 = tpu.memref_slice %arg6[%run_scoped3A_431, %dma_start3A_445, %dma_start3A_446] : memref<4x80x128xf32, #tpu.memory_space<vmem>> -> memref<1x80x128xf32, #tpu.memory_space<vmem>>
      %dma_start3A_448 = tpu.memref_squeeze %dma_start3A_447 : memref<1x80x128xf32, #tpu.memory_space<vmem>> -> memref<80x128xf32, #tpu.memory_space<vmem>>
      %dma_start3A_449 = arith.constant 0 : i32
      %dma_start3A_450 = tpu.memref_slice %arg4[%arg0, %add3A_430, %dma_start3A_449] : memref<2x10240x128xf32, #tpu.memory_space<hbm>> -> memref<1x80x128xf32, #tpu.memory_space<hbm>>
      %dma_start3A_451 = tpu.memref_squeeze %dma_start3A_450 : memref<1x80x128xf32, #tpu.memory_space<hbm>> -> memref<80x128xf32, #tpu.memory_space<hbm>>
      %dma_start3A_452 = arith.constant 0 : i32
      %dma_start3A_453 = tpu.memref_slice %arg4[%arg0, %add3A_430, %dma_start3A_452] : memref<2x10240x128xf32, #tpu.memory_space<hbm>> -> memref<1x80x128xf32, #tpu.memory_space<hbm>>
      %dma_start3A_454 = tpu.memref_squeeze %dma_start3A_453 : memref<1x80x128xf32, #tpu.memory_space<hbm>> -> memref<80x128xf32, #tpu.memory_space<hbm>>
      %dma_start3A_455 = arith.constant 0 : i32
      %dma_start3A_456 = arith.constant 0 : i32
      %dma_start3A_457 = tpu.memref_slice %arg6[%run_scoped3A_431, %dma_start3A_455, %dma_start3A_456] : memref<4x80x128xf32, #tpu.memory_space<vmem>> -> memref<1x80x128xf32, #tpu.memory_space<vmem>>
      %dma_start3A_458 = tpu.memref_squeeze %dma_start3A_457 : memref<1x80x128xf32, #tpu.memory_space<vmem>> -> memref<80x128xf32, #tpu.memory_space<vmem>>
      tpu.enqueue_dma source(%dma_start3A_458 : memref<80x128xf32, #tpu.memory_space<vmem>>) target(%dma_start3A_454 : memref<80x128xf32, #tpu.memory_space<hbm>>) target_semaphore(%run_scoped3A_444 : memref<!tpu.dma_semaphore, #tpu.memory_space<semaphore_mem>>)
      %dma_wait3A_459 = arith.constant 0 : i32
      %dma_wait3A_460 = arith.constant 0 : i32
      %dma_wait3A_461 = tpu.memref_slice %arg6[%run_scoped3A_431, %dma_wait3A_459, %dma_wait3A_460] : memref<4x80x128xf32, #tpu.memory_space<vmem>> -> memref<1x80x128xf32, #tpu.memory_space<vmem>>
      %dma_wait3A_462 = tpu.memref_squeeze %dma_wait3A_461 : memref<1x80x128xf32, #tpu.memory_space<vmem>> -> memref<80x128xf32, #tpu.memory_space<vmem>>
      %dma_wait3A_463 = arith.constant 0 : i32
      %dma_wait3A_464 = tpu.memref_slice %arg4[%arg0, %add3A_430, %dma_wait3A_463] : memref<2x10240x128xf32, #tpu.memory_space<hbm>> -> memref<1x80x128xf32, #tpu.memory_space<hbm>>
      %dma_wait3A_465 = tpu.memref_squeeze %dma_wait3A_464 : memref<1x80x128xf32, #tpu.memory_space<hbm>> -> memref<80x128xf32, #tpu.memory_space<hbm>>
      %dma_wait3A_466 = arith.constant 0 : i32
      %dma_wait3A_467 = tpu.memref_slice %arg4[%arg0, %add3A_430, %dma_wait3A_466] : memref<2x10240x128xf32, #tpu.memory_space<hbm>> -> memref<1x80x128xf32, #tpu.memory_space<hbm>>
      %dma_wait3A_468 = tpu.memref_squeeze %dma_wait3A_467 : memref<1x80x128xf32, #tpu.memory_space<hbm>> -> memref<80x128xf32, #tpu.memory_space<hbm>>
      %dma_wait3A_469 = arith.constant 0 : i32
      %dma_wait3A_470 = arith.constant 0 : i32
      %dma_wait3A_471 = tpu.memref_slice %arg6[%run_scoped3A_431, %dma_wait3A_469, %dma_wait3A_470] : memref<4x80x128xf32, #tpu.memory_space<vmem>> -> memref<1x80x128xf32, #tpu.memory_space<vmem>>
      %dma_wait3A_472 = tpu.memref_squeeze %dma_wait3A_471 : memref<1x80x128xf32, #tpu.memory_space<vmem>> -> memref<80x128xf32, #tpu.memory_space<vmem>>
      tpu.wait_dma2 semaphore(%run_scoped3A_444 : memref<!tpu.dma_semaphore, #tpu.memory_space<semaphore_mem>>) src(%dma_wait3A_472 : memref<80x128xf32, #tpu.memory_space<vmem>>) dst(%dma_wait3A_468 : memref<80x128xf32, #tpu.memory_space<hbm>>)
      tpu.yield
    }) : () -> ()
    %add3A_432 = arith.constant 480 : i32
    %add3A_433 = arith.addi %mul3A_6, %add3A_432 : i32
    %run_scoped3A_434 = arith.constant 0 : i32
    "tpu.region"() ({
      %run_scoped3A_444 = tpu.sem_alloc : memref<!tpu.dma_semaphore, #tpu.memory_space<semaphore_mem>>
      %dma_start3A_445 = arith.constant 0 : i32
      %dma_start3A_446 = arith.constant 0 : i32
      %dma_start3A_447 = tpu.memref_slice %arg6[%run_scoped3A_434, %dma_start3A_445, %dma_start3A_446] : memref<4x80x128xf32, #tpu.memory_space<vmem>> -> memref<1x80x128xf32, #tpu.memory_space<vmem>>
      %dma_start3A_448 = tpu.memref_squeeze %dma_start3A_447 : memref<1x80x128xf32, #tpu.memory_space<vmem>> -> memref<80x128xf32, #tpu.memory_space<vmem>>
      %dma_start3A_449 = arith.constant 0 : i32
      %dma_start3A_450 = tpu.memref_slice %arg7[%add3A_433, %dma_start3A_449] : memref<10240x128xf32, #tpu.memory_space<vmem_shared>> -> memref<80x128xf32, #tpu.memory_space<vmem_shared>>
      %dma_start3A_451 = arith.constant 0 : i32
      %dma_start3A_452 = arith.constant 0 : i32
      %dma_start3A_453 = tpu.memref_slice %arg6[%run_scoped3A_434, %dma_start3A_451, %dma_start3A_452] : memref<4x80x128xf32, #tpu.memory_space<vmem>> -> memref<1x80x128xf32, #tpu.memory_space<vmem>>
      %dma_start3A_454 = tpu.memref_squeeze %dma_start3A_453 : memref<1x80x128xf32, #tpu.memory_space<vmem>> -> memref<80x128xf32, #tpu.memory_space<vmem>>
      %dma_start3A_455 = arith.constant 0 : i32
      %dma_start3A_456 = tpu.memref_slice %arg7[%add3A_433, %dma_start3A_455] : memref<10240x128xf32, #tpu.memory_space<vmem_shared>> -> memref<80x128xf32, #tpu.memory_space<vmem_shared>>
      tpu.enqueue_dma source(%dma_start3A_456 : memref<80x128xf32, #tpu.memory_space<vmem_shared>>) target(%dma_start3A_454 : memref<80x128xf32, #tpu.memory_space<vmem>>) target_semaphore(%run_scoped3A_444 : memref<!tpu.dma_semaphore, #tpu.memory_space<semaphore_mem>>)
      %dma_wait3A_457 = arith.constant 0 : i32
      %dma_wait3A_458 = arith.constant 0 : i32
      %dma_wait3A_459 = tpu.memref_slice %arg6[%run_scoped3A_434, %dma_wait3A_457, %dma_wait3A_458] : memref<4x80x128xf32, #tpu.memory_space<vmem>> -> memref<1x80x128xf32, #tpu.memory_space<vmem>>
      %dma_wait3A_460 = tpu.memref_squeeze %dma_wait3A_459 : memref<1x80x128xf32, #tpu.memory_space<vmem>> -> memref<80x128xf32, #tpu.memory_space<vmem>>
      %dma_wait3A_461 = arith.constant 0 : i32
      %dma_wait3A_462 = tpu.memref_slice %arg7[%add3A_433, %dma_wait3A_461] : memref<10240x128xf32, #tpu.memory_space<vmem_shared>> -> memref<80x128xf32, #tpu.memory_space<vmem_shared>>
      %dma_wait3A_463 = arith.constant 0 : i32
      %dma_wait3A_464 = arith.constant 0 : i32
      %dma_wait3A_465 = tpu.memref_slice %arg6[%run_scoped3A_434, %dma_wait3A_463, %dma_wait3A_464] : memref<4x80x128xf32, #tpu.memory_space<vmem>> -> memref<1x80x128xf32, #tpu.memory_space<vmem>>
      %dma_wait3A_466 = tpu.memref_squeeze %dma_wait3A_465 : memref<1x80x128xf32, #tpu.memory_space<vmem>> -> memref<80x128xf32, #tpu.memory_space<vmem>>
      %dma_wait3A_467 = arith.constant 0 : i32
      %dma_wait3A_468 = tpu.memref_slice %arg7[%add3A_433, %dma_wait3A_467] : memref<10240x128xf32, #tpu.memory_space<vmem_shared>> -> memref<80x128xf32, #tpu.memory_space<vmem_shared>>
      tpu.wait_dma2 semaphore(%run_scoped3A_444 : memref<!tpu.dma_semaphore, #tpu.memory_space<semaphore_mem>>) src(%dma_wait3A_468 : memref<80x128xf32, #tpu.memory_space<vmem_shared>>) dst(%dma_wait3A_466 : memref<80x128xf32, #tpu.memory_space<vmem>>)
      tpu.yield
    }) : () -> ()
    %add3A_435 = arith.constant 480 : i32
    %add3A_436 = arith.addi %mul3A_6, %add3A_435 : i32
    %run_scoped3A_437 = arith.constant 0 : i32
    "tpu.region"() ({
      %run_scoped3A_444 = tpu.sem_alloc : memref<!tpu.dma_semaphore, #tpu.memory_space<semaphore_mem>>
      %dma_start3A_445 = arith.constant 0 : i32
      %dma_start3A_446 = arith.constant 0 : i32
      %dma_start3A_447 = tpu.memref_slice %arg6[%run_scoped3A_437, %dma_start3A_445, %dma_start3A_446] : memref<4x80x128xf32, #tpu.memory_space<vmem>> -> memref<1x80x128xf32, #tpu.memory_space<vmem>>
      %dma_start3A_448 = tpu.memref_squeeze %dma_start3A_447 : memref<1x80x128xf32, #tpu.memory_space<vmem>> -> memref<80x128xf32, #tpu.memory_space<vmem>>
      %dma_start3A_449 = arith.constant 0 : i32
      %dma_start3A_450 = tpu.memref_slice %arg4[%arg0, %add3A_436, %dma_start3A_449] : memref<2x10240x128xf32, #tpu.memory_space<hbm>> -> memref<1x80x128xf32, #tpu.memory_space<hbm>>
      %dma_start3A_451 = tpu.memref_squeeze %dma_start3A_450 : memref<1x80x128xf32, #tpu.memory_space<hbm>> -> memref<80x128xf32, #tpu.memory_space<hbm>>
      %dma_start3A_452 = arith.constant 0 : i32
      %dma_start3A_453 = tpu.memref_slice %arg4[%arg0, %add3A_436, %dma_start3A_452] : memref<2x10240x128xf32, #tpu.memory_space<hbm>> -> memref<1x80x128xf32, #tpu.memory_space<hbm>>
      %dma_start3A_454 = tpu.memref_squeeze %dma_start3A_453 : memref<1x80x128xf32, #tpu.memory_space<hbm>> -> memref<80x128xf32, #tpu.memory_space<hbm>>
      %dma_start3A_455 = arith.constant 0 : i32
      %dma_start3A_456 = arith.constant 0 : i32
      %dma_start3A_457 = tpu.memref_slice %arg6[%run_scoped3A_437, %dma_start3A_455, %dma_start3A_456] : memref<4x80x128xf32, #tpu.memory_space<vmem>> -> memref<1x80x128xf32, #tpu.memory_space<vmem>>
      %dma_start3A_458 = tpu.memref_squeeze %dma_start3A_457 : memref<1x80x128xf32, #tpu.memory_space<vmem>> -> memref<80x128xf32, #tpu.memory_space<vmem>>
      tpu.enqueue_dma source(%dma_start3A_458 : memref<80x128xf32, #tpu.memory_space<vmem>>) target(%dma_start3A_454 : memref<80x128xf32, #tpu.memory_space<hbm>>) target_semaphore(%run_scoped3A_444 : memref<!tpu.dma_semaphore, #tpu.memory_space<semaphore_mem>>)
      %dma_wait3A_459 = arith.constant 0 : i32
      %dma_wait3A_460 = arith.constant 0 : i32
      %dma_wait3A_461 = tpu.memref_slice %arg6[%run_scoped3A_437, %dma_wait3A_459, %dma_wait3A_460] : memref<4x80x128xf32, #tpu.memory_space<vmem>> -> memref<1x80x128xf32, #tpu.memory_space<vmem>>
      %dma_wait3A_462 = tpu.memref_squeeze %dma_wait3A_461 : memref<1x80x128xf32, #tpu.memory_space<vmem>> -> memref<80x128xf32, #tpu.memory_space<vmem>>
      %dma_wait3A_463 = arith.constant 0 : i32
      %dma_wait3A_464 = tpu.memref_slice %arg4[%arg0, %add3A_436, %dma_wait3A_463] : memref<2x10240x128xf32, #tpu.memory_space<hbm>> -> memref<1x80x128xf32, #tpu.memory_space<hbm>>
      %dma_wait3A_465 = tpu.memref_squeeze %dma_wait3A_464 : memref<1x80x128xf32, #tpu.memory_space<hbm>> -> memref<80x128xf32, #tpu.memory_space<hbm>>
      %dma_wait3A_466 = arith.constant 0 : i32
      %dma_wait3A_467 = tpu.memref_slice %arg4[%arg0, %add3A_436, %dma_wait3A_466] : memref<2x10240x128xf32, #tpu.memory_space<hbm>> -> memref<1x80x128xf32, #tpu.memory_space<hbm>>
      %dma_wait3A_468 = tpu.memref_squeeze %dma_wait3A_467 : memref<1x80x128xf32, #tpu.memory_space<hbm>> -> memref<80x128xf32, #tpu.memory_space<hbm>>
      %dma_wait3A_469 = arith.constant 0 : i32
      %dma_wait3A_470 = arith.constant 0 : i32
      %dma_wait3A_471 = tpu.memref_slice %arg6[%run_scoped3A_437, %dma_wait3A_469, %dma_wait3A_470] : memref<4x80x128xf32, #tpu.memory_space<vmem>> -> memref<1x80x128xf32, #tpu.memory_space<vmem>>
      %dma_wait3A_472 = tpu.memref_squeeze %dma_wait3A_471 : memref<1x80x128xf32, #tpu.memory_space<vmem>> -> memref<80x128xf32, #tpu.memory_space<vmem>>
      tpu.wait_dma2 semaphore(%run_scoped3A_444 : memref<!tpu.dma_semaphore, #tpu.memory_space<semaphore_mem>>) src(%dma_wait3A_472 : memref<80x128xf32, #tpu.memory_space<vmem>>) dst(%dma_wait3A_468 : memref<80x128xf32, #tpu.memory_space<hbm>>)
      tpu.yield
    }) : () -> ()
    %add3A_438 = arith.constant 560 : i32
    %add3A_439 = arith.addi %mul3A_6, %add3A_438 : i32
    %run_scoped3A_440 = arith.constant 0 : i32
    "tpu.region"() ({
      %run_scoped3A_444 = tpu.sem_alloc : memref<!tpu.dma_semaphore, #tpu.memory_space<semaphore_mem>>
      %dma_start3A_445 = arith.constant 0 : i32
      %dma_start3A_446 = arith.constant 0 : i32
      %dma_start3A_447 = tpu.memref_slice %arg6[%run_scoped3A_440, %dma_start3A_445, %dma_start3A_446] : memref<4x80x128xf32, #tpu.memory_space<vmem>> -> memref<1x80x128xf32, #tpu.memory_space<vmem>>
      %dma_start3A_448 = tpu.memref_squeeze %dma_start3A_447 : memref<1x80x128xf32, #tpu.memory_space<vmem>> -> memref<80x128xf32, #tpu.memory_space<vmem>>
      %dma_start3A_449 = arith.constant 0 : i32
      %dma_start3A_450 = tpu.memref_slice %arg7[%add3A_439, %dma_start3A_449] : memref<10240x128xf32, #tpu.memory_space<vmem_shared>> -> memref<80x128xf32, #tpu.memory_space<vmem_shared>>
      %dma_start3A_451 = arith.constant 0 : i32
      %dma_start3A_452 = arith.constant 0 : i32
      %dma_start3A_453 = tpu.memref_slice %arg6[%run_scoped3A_440, %dma_start3A_451, %dma_start3A_452] : memref<4x80x128xf32, #tpu.memory_space<vmem>> -> memref<1x80x128xf32, #tpu.memory_space<vmem>>
      %dma_start3A_454 = tpu.memref_squeeze %dma_start3A_453 : memref<1x80x128xf32, #tpu.memory_space<vmem>> -> memref<80x128xf32, #tpu.memory_space<vmem>>
      %dma_start3A_455 = arith.constant 0 : i32
      %dma_start3A_456 = tpu.memref_slice %arg7[%add3A_439, %dma_start3A_455] : memref<10240x128xf32, #tpu.memory_space<vmem_shared>> -> memref<80x128xf32, #tpu.memory_space<vmem_shared>>
      tpu.enqueue_dma source(%dma_start3A_456 : memref<80x128xf32, #tpu.memory_space<vmem_shared>>) target(%dma_start3A_454 : memref<80x128xf32, #tpu.memory_space<vmem>>) target_semaphore(%run_scoped3A_444 : memref<!tpu.dma_semaphore, #tpu.memory_space<semaphore_mem>>)
      %dma_wait3A_457 = arith.constant 0 : i32
      %dma_wait3A_458 = arith.constant 0 : i32
      %dma_wait3A_459 = tpu.memref_slice %arg6[%run_scoped3A_440, %dma_wait3A_457, %dma_wait3A_458] : memref<4x80x128xf32, #tpu.memory_space<vmem>> -> memref<1x80x128xf32, #tpu.memory_space<vmem>>
      %dma_wait3A_460 = tpu.memref_squeeze %dma_wait3A_459 : memref<1x80x128xf32, #tpu.memory_space<vmem>> -> memref<80x128xf32, #tpu.memory_space<vmem>>
      %dma_wait3A_461 = arith.constant 0 : i32
      %dma_wait3A_462 = tpu.memref_slice %arg7[%add3A_439, %dma_wait3A_461] : memref<10240x128xf32, #tpu.memory_space<vmem_shared>> -> memref<80x128xf32, #tpu.memory_space<vmem_shared>>
      %dma_wait3A_463 = arith.constant 0 : i32
      %dma_wait3A_464 = arith.constant 0 : i32
      %dma_wait3A_465 = tpu.memref_slice %arg6[%run_scoped3A_440, %dma_wait3A_463, %dma_wait3A_464] : memref<4x80x128xf32, #tpu.memory_space<vmem>> -> memref<1x80x128xf32, #tpu.memory_space<vmem>>
      %dma_wait3A_466 = tpu.memref_squeeze %dma_wait3A_465 : memref<1x80x128xf32, #tpu.memory_space<vmem>> -> memref<80x128xf32, #tpu.memory_space<vmem>>
      %dma_wait3A_467 = arith.constant 0 : i32
      %dma_wait3A_468 = tpu.memref_slice %arg7[%add3A_439, %dma_wait3A_467] : memref<10240x128xf32, #tpu.memory_space<vmem_shared>> -> memref<80x128xf32, #tpu.memory_space<vmem_shared>>
      tpu.wait_dma2 semaphore(%run_scoped3A_444 : memref<!tpu.dma_semaphore, #tpu.memory_space<semaphore_mem>>) src(%dma_wait3A_468 : memref<80x128xf32, #tpu.memory_space<vmem_shared>>) dst(%dma_wait3A_466 : memref<80x128xf32, #tpu.memory_space<vmem>>)
      tpu.yield
    }) : () -> ()
    %add3A_441 = arith.constant 560 : i32
    %add3A_442 = arith.addi %mul3A_6, %add3A_441 : i32
    %run_scoped3A_443 = arith.constant 0 : i32
    "tpu.region"() ({
      %run_scoped3A_444 = tpu.sem_alloc : memref<!tpu.dma_semaphore, #tpu.memory_space<semaphore_mem>>
      %dma_start3A_445 = arith.constant 0 : i32
      %dma_start3A_446 = arith.constant 0 : i32
      %dma_start3A_447 = tpu.memref_slice %arg6[%run_scoped3A_443, %dma_start3A_445, %dma_start3A_446] : memref<4x80x128xf32, #tpu.memory_space<vmem>> -> memref<1x80x128xf32, #tpu.memory_space<vmem>>
      %dma_start3A_448 = tpu.memref_squeeze %dma_start3A_447 : memref<1x80x128xf32, #tpu.memory_space<vmem>> -> memref<80x128xf32, #tpu.memory_space<vmem>>
      %dma_start3A_449 = arith.constant 0 : i32
      %dma_start3A_450 = tpu.memref_slice %arg4[%arg0, %add3A_442, %dma_start3A_449] : memref<2x10240x128xf32, #tpu.memory_space<hbm>> -> memref<1x80x128xf32, #tpu.memory_space<hbm>>
      %dma_start3A_451 = tpu.memref_squeeze %dma_start3A_450 : memref<1x80x128xf32, #tpu.memory_space<hbm>> -> memref<80x128xf32, #tpu.memory_space<hbm>>
      %dma_start3A_452 = arith.constant 0 : i32
      %dma_start3A_453 = tpu.memref_slice %arg4[%arg0, %add3A_442, %dma_start3A_452] : memref<2x10240x128xf32, #tpu.memory_space<hbm>> -> memref<1x80x128xf32, #tpu.memory_space<hbm>>
      %dma_start3A_454 = tpu.memref_squeeze %dma_start3A_453 : memref<1x80x128xf32, #tpu.memory_space<hbm>> -> memref<80x128xf32, #tpu.memory_space<hbm>>
      %dma_start3A_455 = arith.constant 0 : i32
      %dma_start3A_456 = arith.constant 0 : i32
      %dma_start3A_457 = tpu.memref_slice %arg6[%run_scoped3A_443, %dma_start3A_455, %dma_start3A_456] : memref<4x80x128xf32, #tpu.memory_space<vmem>> -> memref<1x80x128xf32, #tpu.memory_space<vmem>>
      %dma_start3A_458 = tpu.memref_squeeze %dma_start3A_457 : memref<1x80x128xf32, #tpu.memory_space<vmem>> -> memref<80x128xf32, #tpu.memory_space<vmem>>
      tpu.enqueue_dma source(%dma_start3A_458 : memref<80x128xf32, #tpu.memory_space<vmem>>) target(%dma_start3A_454 : memref<80x128xf32, #tpu.memory_space<hbm>>) target_semaphore(%run_scoped3A_444 : memref<!tpu.dma_semaphore, #tpu.memory_space<semaphore_mem>>)
      %dma_wait3A_459 = arith.constant 0 : i32
      %dma_wait3A_460 = arith.constant 0 : i32
      %dma_wait3A_461 = tpu.memref_slice %arg6[%run_scoped3A_443, %dma_wait3A_459, %dma_wait3A_460] : memref<4x80x128xf32, #tpu.memory_space<vmem>> -> memref<1x80x128xf32, #tpu.memory_space<vmem>>
      %dma_wait3A_462 = tpu.memref_squeeze %dma_wait3A_461 : memref<1x80x128xf32, #tpu.memory_space<vmem>> -> memref<80x128xf32, #tpu.memory_space<vmem>>
      %dma_wait3A_463 = arith.constant 0 : i32
      %dma_wait3A_464 = tpu.memref_slice %arg4[%arg0, %add3A_442, %dma_wait3A_463] : memref<2x10240x128xf32, #tpu.memory_space<hbm>> -> memref<1x80x128xf32, #tpu.memory_space<hbm>>
      %dma_wait3A_465 = tpu.memref_squeeze %dma_wait3A_464 : memref<1x80x128xf32, #tpu.memory_space<hbm>> -> memref<80x128xf32, #tpu.memory_space<hbm>>
      %dma_wait3A_466 = arith.constant 0 : i32
      %dma_wait3A_467 = tpu.memref_slice %arg4[%arg0, %add3A_442, %dma_wait3A_466] : memref<2x10240x128xf32, #tpu.memory_space<hbm>> -> memref<1x80x128xf32, #tpu.memory_space<hbm>>
      %dma_wait3A_468 = tpu.memref_squeeze %dma_wait3A_467 : memref<1x80x128xf32, #tpu.memory_space<hbm>> -> memref<80x128xf32, #tpu.memory_space<hbm>>
      %dma_wait3A_469 = arith.constant 0 : i32
      %dma_wait3A_470 = arith.constant 0 : i32
      %dma_wait3A_471 = tpu.memref_slice %arg6[%run_scoped3A_443, %dma_wait3A_469, %dma_wait3A_470] : memref<4x80x128xf32, #tpu.memory_space<vmem>> -> memref<1x80x128xf32, #tpu.memory_space<vmem>>
      %dma_wait3A_472 = tpu.memref_squeeze %dma_wait3A_471 : memref<1x80x128xf32, #tpu.memory_space<vmem>> -> memref<80x128xf32, #tpu.memory_space<vmem>>
      tpu.wait_dma2 semaphore(%run_scoped3A_444 : memref<!tpu.dma_semaphore, #tpu.memory_space<semaphore_mem>>) src(%dma_wait3A_472 : memref<80x128xf32, #tpu.memory_space<vmem>>) dst(%dma_wait3A_468 : memref<80x128xf32, #tpu.memory_space<hbm>>)
      tpu.yield
    }) : () -> ()
    return
  }
}

module attributes {stable_mosaic.version = 14 : i64} {
  func.func @_pre_body(%arg0: i32, %arg1: memref<1000x128xf32, #tpu.memory_space<vmem>>, %arg2: memref<1000x128xf32, #tpu.memory_space<vmem>>, %arg3: memref<1000x128xf32, #tpu.memory_space<vmem>>, %arg4: memref<128x128xf32, #tpu.memory_space<vmem>>, %arg5: memref<128x128xf32, #tpu.memory_space<vmem>>, %arg6: memref<1x128xf32, #tpu.memory_space<vmem>>, %arg7: memref<128x128xf32, #tpu.memory_space<vmem>>, %arg8: memref<1x128xf32, #tpu.memory_space<vmem>>, %arg9: memref<128x128xf32, #tpu.memory_space<vmem>>, %arg10: memref<1x128xf32, #tpu.memory_space<vmem>>, %arg11: memref<2x1000x128xf32, #tpu.memory_space<vmem>>, %arg12: memref<1000x128xf32, #tpu.memory_space<vmem>>, %arg13: memref<1000x128xf32, #tpu.memory_space<vmem>>) attributes {dimension_semantics = [#tpu.dimension_semantics<arbitrary>], iteration_bounds = array<i64: 10>, scalar_prefetch = 0 : i64, scratch_operands = 0 : i64, tpu.core_type = #tpu.core_type<tc>, window_params = [{transform_indices = @transform_0, window_bounds = array<i64: 1000, 128>}, {transform_indices = @transform_1, window_bounds = array<i64: 1000, 128>}, {transform_indices = @transform_2, window_bounds = array<i64: 1000, 128>}, {pipeline_mode = #tpu.pipeline_mode<synchronous>, transform_indices = @transform_3, window_bounds = array<i64: 128, 128>}, {pipeline_mode = #tpu.pipeline_mode<synchronous>, transform_indices = @transform_4, window_bounds = array<i64: 128, 128>}, {pipeline_mode = #tpu.pipeline_mode<synchronous>, transform_indices = @transform_5, window_bounds = array<i64: 1, 128>}, {pipeline_mode = #tpu.pipeline_mode<synchronous>, transform_indices = @transform_6, window_bounds = array<i64: 128, 128>}, {pipeline_mode = #tpu.pipeline_mode<synchronous>, transform_indices = @transform_7, window_bounds = array<i64: 1, 128>}, {pipeline_mode = #tpu.pipeline_mode<synchronous>, transform_indices = @transform_8, window_bounds = array<i64: 128, 128>}, {pipeline_mode = #tpu.pipeline_mode<synchronous>, transform_indices = @transform_9, window_bounds = array<i64: 1, 128>}, {transform_indices = @transform_10, window_bounds = array<i64: 2, 1000, 128>}, {transform_indices = @transform_11, window_bounds = array<i64: 1000, 128>}, {transform_indices = @transform_12, window_bounds = array<i64: 1000, 128>}]} {
    %get3A = arith.constant 0 : index
    %get3A_0 = arith.constant 0 : index
    %get3A_1 = vector.load %arg1[%get3A, %get3A_0] : memref<1000x128xf32, #tpu.memory_space<vmem>>, vector<1000x128xf32>
    %get3A_2 = arith.constant 0 : index
    %get3A_3 = arith.constant 0 : index
    %get3A_4 = vector.load %arg2[%get3A_2, %get3A_3] : memref<1000x128xf32, #tpu.memory_space<vmem>>, vector<1000x128xf32>
    %get3A_5 = arith.constant 0 : index
    %get3A_6 = arith.constant 0 : index
    %get3A_7 = vector.load %arg4[%get3A_5, %get3A_6] : memref<128x128xf32, #tpu.memory_space<vmem>>, vector<128x128xf32>
    %dot_general3A = arith.constant dense<0.000000e+00> : vector<1000x128xf32>
    %dot_general3A_8 = tpu.matmul %get3A_4, %get3A_7, %dot_general3A {dimension_numbers = #tpu.dot_dimension_numbers<[1], [0], [0], [1], [0, 0, 1, 1], [], []>, transpose_lhs_hint = false} : vector<1000x128xf32>, vector<128x128xf32>, vector<1000x128xf32> -> vector<1000x128xf32>
    %get3A_9 = arith.constant 0 : index
    %get3A_10 = arith.constant 0 : index
    %get3A_11 = vector.load %arg5[%get3A_9, %get3A_10] : memref<128x128xf32, #tpu.memory_space<vmem>>, vector<128x128xf32>
    %dot_general3A_12 = arith.constant dense<0.000000e+00> : vector<1000x128xf32>
    %dot_general3A_13 = tpu.matmul %get3A_1, %get3A_11, %dot_general3A_12 {dimension_numbers = #tpu.dot_dimension_numbers<[1], [0], [0], [1], [0, 0, 1, 1], [], []>, transpose_lhs_hint = false} : vector<1000x128xf32>, vector<128x128xf32>, vector<1000x128xf32> -> vector<1000x128xf32>
    %add3A = arith.addf %dot_general3A_8, %dot_general3A_13 : vector<1000x128xf32>
    %get3A_14 = arith.constant 0 : index
    %get3A_15 = arith.constant 0 : index
    %get3A_16 = vector.load %arg6[%get3A_14, %get3A_15] : memref<1x128xf32, #tpu.memory_space<vmem>>, vector<1x128xf32>
    %add3A_17 = vector.broadcast %get3A_16 : vector<1x128xf32> to vector<1000x128xf32>
    %add3A_18 = arith.addf %add3A, %add3A_17 : vector<1000x128xf32>
    %logistic3A = arith.negf %add3A_18 : vector<1000x128xf32>
    %logistic3A_19 = math.exp %logistic3A : vector<1000x128xf32>
    %logistic3A_20 = arith.constant 1.000000e+00 : f32
    %logistic3A_21 = vector.broadcast %logistic3A_20 : f32 to vector<1000x128xf32>
    %logistic3A_22 = arith.addf %logistic3A_21, %logistic3A_19 : vector<1000x128xf32>
    %logistic3A_23 = arith.divf %logistic3A_21, %logistic3A_22 : vector<1000x128xf32>
    %swap3A = arith.constant 0 : index
    %swap3A_24 = arith.constant 0 : index
    %swap3A_25 = arith.constant 0 : index
    %swap3A_26 = vector.load %arg11[%swap3A, %swap3A_24, %swap3A_25] : memref<2x1000x128xf32, #tpu.memory_space<vmem>>, vector<1x1000x128xf32>
    %swap3A_27 = vector.shape_cast %swap3A_26 : vector<1x1000x128xf32> to vector<1000x128xf32>
    %swap3A_28 = vector.shape_cast %get3A_1 : vector<1000x128xf32> to vector<1x1000x128xf32>
    tpu.vector_store %arg11[%swap3A, %swap3A_24, %swap3A_25], %swap3A_28 {strides = array<i32>} : memref<2x1000x128xf32, #tpu.memory_space<vmem>>, vector<1x1000x128xf32>,
    %mul3A = arith.mulf %logistic3A_23, %get3A_1 : vector<1000x128xf32>
    %swap3A_29 = arith.constant 1 : index
    %swap3A_30 = arith.constant 0 : index
    %swap3A_31 = arith.constant 0 : index
    %swap3A_32 = vector.load %arg11[%swap3A_29, %swap3A_30, %swap3A_31] : memref<2x1000x128xf32, #tpu.memory_space<vmem>>, vector<1x1000x128xf32>
    %swap3A_33 = vector.shape_cast %swap3A_32 : vector<1x1000x128xf32> to vector<1000x128xf32>
    %swap3A_34 = vector.shape_cast %mul3A : vector<1000x128xf32> to vector<1x1000x128xf32>
    tpu.vector_store %arg11[%swap3A_29, %swap3A_30, %swap3A_31], %swap3A_34 {strides = array<i32>} : memref<2x1000x128xf32, #tpu.memory_space<vmem>>, vector<1x1000x128xf32>,
    %get3A_35 = arith.constant 0 : index
    %get3A_36 = arith.constant 0 : index
    %get3A_37 = vector.load %arg3[%get3A_35, %get3A_36] : memref<1000x128xf32, #tpu.memory_space<vmem>>, vector<1000x128xf32>
    %get3A_38 = arith.constant 0 : index
    %get3A_39 = arith.constant 0 : index
    %get3A_40 = vector.load %arg7[%get3A_38, %get3A_39] : memref<128x128xf32, #tpu.memory_space<vmem>>, vector<128x128xf32>
    %dot_general3A_41 = arith.constant dense<0.000000e+00> : vector<1000x128xf32>
    %dot_general3A_42 = tpu.matmul %get3A_37, %get3A_40, %dot_general3A_41 {dimension_numbers = #tpu.dot_dimension_numbers<[1], [0], [0], [1], [0, 0, 1, 1], [], []>, transpose_lhs_hint = false} : vector<1000x128xf32>, vector<128x128xf32>, vector<1000x128xf32> -> vector<1000x128xf32>
    %get3A_43 = arith.constant 0 : index
    %get3A_44 = arith.constant 0 : index
    %get3A_45 = vector.load %arg8[%get3A_43, %get3A_44] : memref<1x128xf32, #tpu.memory_space<vmem>>, vector<1x128xf32>
    %add3A_46 = vector.broadcast %get3A_45 : vector<1x128xf32> to vector<1000x128xf32>
    %add3A_47 = arith.addf %dot_general3A_42, %add3A_46 : vector<1000x128xf32>
    %swap3A_48 = arith.constant 0 : index
    %swap3A_49 = arith.constant 0 : index
    %swap3A_50 = vector.load %arg12[%swap3A_48, %swap3A_49] : memref<1000x128xf32, #tpu.memory_space<vmem>>, vector<1000x128xf32>
    tpu.vector_store %arg12[%swap3A_48, %swap3A_49], %add3A_47 {strides = array<i32>} : memref<1000x128xf32, #tpu.memory_space<vmem>>, vector<1000x128xf32>,
    %get3A_51 = arith.constant 0 : index
    %get3A_52 = arith.constant 0 : index
    %get3A_53 = vector.load %arg3[%get3A_51, %get3A_52] : memref<1000x128xf32, #tpu.memory_space<vmem>>, vector<1000x128xf32>
    %get3A_54 = arith.constant 0 : index
    %get3A_55 = arith.constant 0 : index
    %get3A_56 = vector.load %arg9[%get3A_54, %get3A_55] : memref<128x128xf32, #tpu.memory_space<vmem>>, vector<128x128xf32>
    %dot_general3A_57 = arith.constant dense<0.000000e+00> : vector<1000x128xf32>
    %dot_general3A_58 = tpu.matmul %get3A_53, %get3A_56, %dot_general3A_57 {dimension_numbers = #tpu.dot_dimension_numbers<[1], [0], [0], [1], [0, 0, 1, 1], [], []>, transpose_lhs_hint = false} : vector<1000x128xf32>, vector<128x128xf32>, vector<1000x128xf32> -> vector<1000x128xf32>
    %get3A_59 = arith.constant 0 : index
    %get3A_60 = arith.constant 0 : index
    %get3A_61 = vector.load %arg10[%get3A_59, %get3A_60] : memref<1x128xf32, #tpu.memory_space<vmem>>, vector<1x128xf32>
    %add3A_62 = vector.broadcast %get3A_61 : vector<1x128xf32> to vector<1000x128xf32>
    %add3A_63 = arith.addf %dot_general3A_58, %add3A_62 : vector<1000x128xf32>
    %swap3A_64 = arith.constant 0 : index
    %swap3A_65 = arith.constant 0 : index
    %swap3A_66 = vector.load %arg13[%swap3A_64, %swap3A_65] : memref<1000x128xf32, #tpu.memory_space<vmem>>, vector<1000x128xf32>
    tpu.vector_store %arg13[%swap3A_64, %swap3A_65], %add3A_63 {strides = array<i32>} : memref<1000x128xf32, #tpu.memory_space<vmem>>, vector<1000x128xf32>,
    return
  }
  func.func @transform_0(%arg0: i32) -> (i32, i32) {
    %c0_i32 = arith.constant 0 : i32
    %c0_i32_0 = arith.constant 0 : i32
    return %arg0, %c0_i32 : i32, i32
  }
  func.func @transform_1(%arg0: i32) -> (i32, i32) {
    %c0_i32 = arith.constant 0 : i32
    %c0_i32_0 = arith.constant 0 : i32
    return %arg0, %c0_i32 : i32, i32
  }
  func.func @transform_2(%arg0: i32) -> (i32, i32) {
    %c0_i32 = arith.constant 0 : i32
    %c0_i32_0 = arith.constant 0 : i32
    return %arg0, %c0_i32 : i32, i32
  }
  func.func @transform_3(%arg0: i32) -> (i32, i32) {
    %c0_i32 = arith.constant 0 : i32
    %c0_i32_0 = arith.constant 0 : i32
    %c0_i32_1 = arith.constant 0 : i32
    return %c0_i32, %c0_i32_0 : i32, i32
  }
  func.func @transform_4(%arg0: i32) -> (i32, i32) {
    %c0_i32 = arith.constant 0 : i32
    %c0_i32_0 = arith.constant 0 : i32
    %c0_i32_1 = arith.constant 0 : i32
    return %c0_i32, %c0_i32_0 : i32, i32
  }
  func.func @transform_5(%arg0: i32) -> (i32, i32) {
    %c0_i32 = arith.constant 0 : i32
    %c0_i32_0 = arith.constant 0 : i32
    %c0_i32_1 = arith.constant 0 : i32
    return %c0_i32, %c0_i32_0 : i32, i32
  }
  func.func @transform_6(%arg0: i32) -> (i32, i32) {
    %c0_i32 = arith.constant 0 : i32
    %c0_i32_0 = arith.constant 0 : i32
    %c0_i32_1 = arith.constant 0 : i32
    return %c0_i32, %c0_i32_0 : i32, i32
  }
  func.func @transform_7(%arg0: i32) -> (i32, i32) {
    %c0_i32 = arith.constant 0 : i32
    %c0_i32_0 = arith.constant 0 : i32
    %c0_i32_1 = arith.constant 0 : i32
    return %c0_i32, %c0_i32_0 : i32, i32
  }
  func.func @transform_8(%arg0: i32) -> (i32, i32) {
    %c0_i32 = arith.constant 0 : i32
    %c0_i32_0 = arith.constant 0 : i32
    %c0_i32_1 = arith.constant 0 : i32
    return %c0_i32, %c0_i32_0 : i32, i32
  }
  func.func @transform_9(%arg0: i32) -> (i32, i32) {
    %c0_i32 = arith.constant 0 : i32
    %c0_i32_0 = arith.constant 0 : i32
    %c0_i32_1 = arith.constant 0 : i32
    return %c0_i32, %c0_i32_0 : i32, i32
  }
  func.func @transform_10(%arg0: i32) -> (i32, i32, i32) {
    %c0_i32 = arith.constant 0 : i32
    %c0_i32_0 = arith.constant 0 : i32
    %c0_i32_1 = arith.constant 0 : i32
    return %c0_i32, %arg0, %c0_i32_0 : i32, i32, i32
  }
  func.func @transform_11(%arg0: i32) -> (i32, i32) {
    %c0_i32 = arith.constant 0 : i32
    %c0_i32_0 = arith.constant 0 : i32
    return %arg0, %c0_i32 : i32, i32
  }
  func.func @transform_12(%arg0: i32) -> (i32, i32) {
    %c0_i32 = arith.constant 0 : i32
    %c0_i32_0 = arith.constant 0 : i32
    return %arg0, %c0_i32 : i32, i32
  }
}

module attributes {stable_mosaic.version = 14 : i64} {
  func.func @_post_body(%arg0: i32, %arg1: memref<1x1000x128xf32, #tpu.memory_space<vmem>>, %arg2: memref<1x1000x128xf32, #tpu.memory_space<vmem>>, %arg3: memref<1000x128xf32, #tpu.memory_space<vmem>>, %arg4: memref<1000x128xf32, #tpu.memory_space<vmem>>, %arg5: memref<128x128xf32, #tpu.memory_space<vmem>>, %arg6: memref<128x128xf32, #tpu.memory_space<vmem>>, %arg7: memref<1000x128xf32, #tpu.memory_space<vmem>>) attributes {dimension_semantics = [#tpu.dimension_semantics<arbitrary>], iteration_bounds = array<i64: 10>, scalar_prefetch = 0 : i64, scratch_operands = 0 : i64, tpu.core_type = #tpu.core_type<tc>, window_params = [{transform_indices = @transform_0, window_bounds = array<i64: 1, 1000, 128>}, {transform_indices = @transform_1, window_bounds = array<i64: 1, 1000, 128>}, {transform_indices = @transform_2, window_bounds = array<i64: 1000, 128>}, {transform_indices = @transform_3, window_bounds = array<i64: 1000, 128>}, {pipeline_mode = #tpu.pipeline_mode<synchronous>, transform_indices = @transform_4, window_bounds = array<i64: 128, 128>}, {pipeline_mode = #tpu.pipeline_mode<synchronous>, transform_indices = @transform_5, window_bounds = array<i64: 128, 128>}, {transform_indices = @transform_6, window_bounds = array<i64: 1000, 128>}]} {
    %get3A = arith.constant 0 : index
    %get3A_0 = arith.constant 0 : index
    %get3A_1 = arith.constant 0 : index
    %get3A_2 = vector.load %arg1[%get3A, %get3A_0, %get3A_1] : memref<1x1000x128xf32, #tpu.memory_space<vmem>>, vector<1x1000x128xf32>
    %get3A_3 = vector.shape_cast %get3A_2 : vector<1x1000x128xf32> to vector<1000x128xf32>
    %get3A_4 = arith.constant 0 : index
    %get3A_5 = arith.constant 0 : index
    %get3A_6 = arith.constant 0 : index
    %get3A_7 = vector.load %arg2[%get3A_4, %get3A_5, %get3A_6] : memref<1x1000x128xf32, #tpu.memory_space<vmem>>, vector<1x1000x128xf32>
    %get3A_8 = vector.shape_cast %get3A_7 : vector<1x1000x128xf32> to vector<1000x128xf32>
    %get3A_9 = arith.constant 0 : index
    %get3A_10 = arith.constant 0 : index
    %get3A_11 = vector.load %arg3[%get3A_9, %get3A_10] : memref<1000x128xf32, #tpu.memory_space<vmem>>, vector<1000x128xf32>
    %get3A_12 = arith.constant 0 : index
    %get3A_13 = arith.constant 0 : index
    %get3A_14 = vector.load %arg5[%get3A_12, %get3A_13] : memref<128x128xf32, #tpu.memory_space<vmem>>, vector<128x128xf32>
    %dot_general3A = arith.constant dense<0.000000e+00> : vector<1000x128xf32>
    %dot_general3A_15 = tpu.matmul %get3A_3, %get3A_14, %dot_general3A {dimension_numbers = #tpu.dot_dimension_numbers<[1], [0], [0], [1], [0, 0, 1, 1], [], []>, transpose_lhs_hint = false} : vector<1000x128xf32>, vector<128x128xf32>, vector<1000x128xf32> -> vector<1000x128xf32>
    %add3A = arith.addf %get3A_11, %dot_general3A_15 : vector<1000x128xf32>
    %logistic3A = arith.negf %add3A : vector<1000x128xf32>
    %logistic3A_16 = math.exp %logistic3A : vector<1000x128xf32>
    %logistic3A_17 = arith.constant 1.000000e+00 : f32
    %logistic3A_18 = vector.broadcast %logistic3A_17 : f32 to vector<1000x128xf32>
    %logistic3A_19 = arith.addf %logistic3A_18, %logistic3A_16 : vector<1000x128xf32>
    %logistic3A_20 = arith.divf %logistic3A_18, %logistic3A_19 : vector<1000x128xf32>
    %get3A_21 = arith.constant 0 : index
    %get3A_22 = arith.constant 0 : index
    %get3A_23 = vector.load %arg4[%get3A_21, %get3A_22] : memref<1000x128xf32, #tpu.memory_space<vmem>>, vector<1000x128xf32>
    %get3A_24 = arith.constant 0 : index
    %get3A_25 = arith.constant 0 : index
    %get3A_26 = vector.load %arg6[%get3A_24, %get3A_25] : memref<128x128xf32, #tpu.memory_space<vmem>>, vector<128x128xf32>
    %dot_general3A_27 = arith.constant dense<0.000000e+00> : vector<1000x128xf32>
    %dot_general3A_28 = tpu.matmul %get3A_8, %get3A_26, %dot_general3A_27 {dimension_numbers = #tpu.dot_dimension_numbers<[1], [0], [0], [1], [0, 0, 1, 1], [], []>, transpose_lhs_hint = false} : vector<1000x128xf32>, vector<128x128xf32>, vector<1000x128xf32> -> vector<1000x128xf32>
    %add3A_29 = arith.addf %get3A_23, %dot_general3A_28 : vector<1000x128xf32>
    %tanh3A = math.tanh %add3A_29 : vector<1000x128xf32>
    %sub3A = arith.constant 1.000000e+00 : f32
    %sub3A_30 = vector.broadcast %sub3A : f32 to vector<1000x128xf32>
    %sub3A_31 = arith.subf %sub3A_30, %logistic3A_20 : vector<1000x128xf32>
    %mul3A = arith.mulf %sub3A_31, %get3A_3 : vector<1000x128xf32>
    %mul3A_32 = arith.mulf %logistic3A_20, %tanh3A : vector<1000x128xf32>
    %add3A_33 = arith.addf %mul3A, %mul3A_32 : vector<1000x128xf32>
    %swap3A = arith.constant 0 : index
    %swap3A_34 = arith.constant 0 : index
    %swap3A_35 = vector.load %arg7[%swap3A, %swap3A_34] : memref<1000x128xf32, #tpu.memory_space<vmem>>, vector<1000x128xf32>
    tpu.vector_store %arg7[%swap3A, %swap3A_34], %add3A_33 {strides = array<i32>} : memref<1000x128xf32, #tpu.memory_space<vmem>>, vector<1000x128xf32>,
    return
  }
  func.func @transform_0(%arg0: i32) -> (i32, i32, i32) {
    %c0_i32 = arith.constant 0 : i32
    %c0_i32_0 = arith.constant 0 : i32
    %c0_i32_1 = arith.constant 0 : i32
    return %c0_i32, %arg0, %c0_i32_0 : i32, i32, i32
  }
  func.func @transform_1(%arg0: i32) -> (i32, i32, i32) {
    %c1_i32 = arith.constant 1 : i32
    %c0_i32 = arith.constant 0 : i32
    %c0_i32_0 = arith.constant 0 : i32
    return %c1_i32, %arg0, %c0_i32 : i32, i32, i32
  }
  func.func @transform_2(%arg0: i32) -> (i32, i32) {
    %c0_i32 = arith.constant 0 : i32
    %c0_i32_0 = arith.constant 0 : i32
    return %arg0, %c0_i32 : i32, i32
  }
  func.func @transform_3(%arg0: i32) -> (i32, i32) {
    %c0_i32 = arith.constant 0 : i32
    %c0_i32_0 = arith.constant 0 : i32
    return %arg0, %c0_i32 : i32, i32
  }
  func.func @transform_4(%arg0: i32) -> (i32, i32) {
    %c0_i32 = arith.constant 0 : i32
    %c0_i32_0 = arith.constant 0 : i32
    %c0_i32_1 = arith.constant 0 : i32
    return %c0_i32, %c0_i32_0 : i32, i32
  }
  func.func @transform_5(%arg0: i32) -> (i32, i32) {
    %c0_i32 = arith.constant 0 : i32
    %c0_i32_0 = arith.constant 0 : i32
    %c0_i32_1 = arith.constant 0 : i32
    return %c0_i32, %c0_i32_0 : i32, i32
  }
  func.func @transform_6(%arg0: i32) -> (i32, i32) {
    %c0_i32 = arith.constant 0 : i32
    %c0_i32_0 = arith.constant 0 : i32
    return %arg0, %c0_i32 : i32, i32
  }
}

</mosaic_0001>

<sc_bundles>
// kernel: kernel.5.cloned.1.call-start
scs
__scs_entry_jumppad:
0x0: {  	(pc) =	sbr.rel $0x88, $3  }
0x1: {  	(tag) =	ssettag $0x0;
	lr =	simm.s32 $0x1  }
0x2: {  	[smem:$0x3F94] =	sst lr;
	_ =	strace $0xD0000000  }
0x3: {  	_ = 	snop  }
0x4: {  	_ = 	snop  }
0x5: {  	_ = 	snop  }
0x6: {  	_ = 	snop  }
0x7: {  	_ = 	snop  }
__scs_overlays_trampoline_lowered:
0x8: {  	[smem:$0x3FA3] =	sst s0  }
0x9: {  	[smem:$0x3FA4] =	sst s1  }
0xa: {  	[smem:$0x3FA5] =	sst s2  }
0xb: {  	[smem:$0x3FA6] =	sst s3  }
0xc: {  	[smem:$0x3FA7] =	sst s4  }
0xd: {  	[smem:$0x3FA8] =	sst s5  }
0xe: {  	[smem:$0x3FA9] =	sst s6  }
0xf: {  	[smem:$0x3FAA] =	sst s7  }
0x10: {  	[smem:$0x3FAB] =	sst s8  }
0x11: {  	[smem:$0x3FAC] =	sst s9;
	s0 =	simm.s32 @!p0 $0x0  }
0x12: {  	s1 =	sld [smem:$0x3F92];
	s0 =	simm.s32 @p0 $0x1  }
0x13: {  	[smem:$0x3FAD] =	sst s0;
	s0 =	simm.s32 @!p1 $0x0  }
0x14: {  	s2 =	sld [smem:$0x3F91];
	s0 =	simm.s32 @p1 $0x1  }
0x15: {  	[smem:$0x3FAE] =	sst s0;
	s0 =	simm.s32 @!p2 $0x0  }
0x16: {  	s3 =	sld [smem:$0x3FDB];
	s0 =	simm.s32 @p2 $0x1  }
0x17: {  	s4 =	simm.s32 $0x1BF5;
	[smem:$0x3FB0] =	sst s0  }
0x18: {  	s0 =	sld [smem:$0x3F93];
	_ =	swait.ge [sflag:s4], $0x0  }
0x19: {  	s7 =	sld [smem:$0x3F94]  }
0x1a: {  	s8 =	sadd.s32 $0xFFFFE003, lr  }
0x1b: {  	s9 =	sadd.s32 $0xFFFFFEF7, lr;
	s5 =	simm.s32 $0xFFFFFFFF;
	p2 =	slt.u32 s8, $0xFFFFF086  }
0x1c: {  	p1 =	slt.u32 s9, $0xF7A;
	s5 =	simm.s32 @!p2 $0x0  }
0x1d: {  	s5 =	simm.s32 @p1 $0x1;
	p0 =	seq.s32 s7, s2  }
0x1e: {  	s7 =	smul.u32 @!p0 $0xF7A, s2;
	p2 =	seq.s32 @!p0 s5, $0x0  }
0x1f: {  	s9 =	smul.u32 $0xF7A, s1;
	s8 =	simm.s32 @!p0 $0x1BF5;
	p2 =	por !p2, p0  }
0x20: {  	[sflag:s8] =	ssyncset.s32 @!p0 $0xFFFFF086;
	s6 =	sadd.s32 @!p0 s3, s7;
	s7 =	simm.s32 @!p0 $0x108  }
0x21: {  	s3 =	sadd.s32 s3, s9;
	s6 =	sadd.s32 @!p0 $0x88, s6;
	s7 =	simm.s32 @p2 $0x1082  }
0x22: {  	[simem:s7], [sflag:s8] =	dma.local @!p0 [hbm:s6], $0xF7A  }
0x23: {  	s9 =	sor.u32 $0xD0000000, s2;
	s6 =	simm.s32 $0x108;
	_ =	swait.ge @!p0 [sflag:s8], $0x0  }
0x24: {  	s3 =	sadd.s32 $0x88, s3;
	s6 =	simm.s32 @!p1 $0x1082;
	[sflag:s4] =	ssyncset.s32 $0xFFFFF086  }
0x25: {  	[simem:s6], [sflag:s4] =	dma.local [hbm:s3], $0xF7A  }
0x26: {  	[smem:$0x3F94] =	sst s1;
	(tag) =	ssettag s2;
	_ =	strace s9  }
0x27: {  	s1 =	sld [smem:$0x3FA4]  }
0x28: {  	s2 =	sld [smem:$0x3FA5]  }
0x29: {  	s4 =	sld [smem:$0x3FA7]  }
0x2a: {  	p0 =	seq.s32 s5, $0x0;
	s5 =	sld [smem:$0x3FA8]  }
0x2b: {  	s6 =	sld [smem:$0x3FA9]  }
0x2c: {  	s7 =	sld [smem:$0x3FAA]  }
0x2d: {  	s3 =	simm.s32 $0x108;
	s8 =	sld [smem:$0x3FAB]  }
0x2e: {  	s3 =	simm.s32 @!p0 $0x1082;
	s9 =	sld [smem:$0x3FAC]  }
0x2f: {  	lr =	sadd.s32 s0, s3;
	s0 =	sld [smem:$0x3FA3]  }
0x30: {  	s3 =	sld [smem:$0x3FA6]  }
0x31: {  	[smem:$0x3FAF] =	sst s10  }
0x32: {  	s10 =	sld [smem:$0x3FAD];
	_ =	sdelay $0x3  }
0x33: {  	p0 =	seq.s32 s10, $0x1;
	s10 =	sld [smem:$0x3FAF];
	_ =	sdelay $0x3  }
0x34: {  	[smem:$0x3FAF] =	sst s10  }
0x35: {  	s10 =	sld [smem:$0x3FAE];
	_ =	sdelay $0x3  }
0x36: {  	p1 =	seq.s32 s10, $0x1;
	s10 =	sld [smem:$0x3FAF];
	_ =	sdelay $0x3  }
0x37: {  	[smem:$0x3FAF] =	sst s10  }
0x38: {  	s10 =	sld [smem:$0x3FB0]  }
0x39: {  	_ = 	snop;
	(pc) =	sbr.ind lr, $3  }
0x3a: {  	_ = 	snop  }
0x3b: {  	_ = 	snop  }
0x3c: {  	p2 =	seq.s32 s10, $0x1;
	s10 =	sld [smem:$0x3FAF]  }
0x3d: {  	_ =	shalt  }
0x3e: {  	_ =	shalt  }
0x3f: {  	_ =	shalt  }
0x40: {  	_ =	shalt  }
0x41: {  	_ =	shalt  }
0x42: {  	_ =	shalt  }
0x43: {  	_ =	shalt  }
0x44: {  	_ =	shalt  }
0x45: {  	_ =	shalt  }
0x46: {  	_ =	shalt  }
0x47: {  	_ =	shalt  }
0x48: {  	_ =	shalt  }
0x49: {  	_ =	shalt  }
0x4a: {  	_ =	shalt  }
0x4b: {  	_ =	shalt  }
0x4c: {  	_ =	shalt  }
0x4d: {  	_ =	shalt  }
0x4e: {  	_ =	shalt  }
0x4f: {  	_ =	shalt  }
0x50: {  	_ =	shalt  }
0x51: {  	_ =	shalt  }
0x52: {  	_ =	shalt  }
0x53: {  	_ =	shalt  }
0x54: {  	_ =	shalt  }
0x55: {  	_ =	shalt  }
0x56: {  	_ =	shalt  }
0x57: {  	_ =	shalt  }
0x58: {  	_ =	shalt  }
0x59: {  	_ =	shalt  }
0x5a: {  	_ =	shalt  }
0x5b: {  	_ =	shalt  }
0x5c: {  	_ =	shalt  }
0x5d: {  	_ =	shalt  }
0x5e: {  	_ =	shalt  }
0x5f: {  	_ =	shalt  }
0x60: {  	_ =	shalt  }
0x61: {  	_ =	shalt  }
0x62: {  	_ =	shalt  }
0x63: {  	_ =	shalt  }
0x64: {  	_ =	shalt  }
0x65: {  	_ =	shalt  }
0x66: {  	_ =	shalt  }
0x67: {  	_ =	shalt  }
0x68: {  	_ =	shalt  }
0x69: {  	_ =	shalt  }
0x6a: {  	_ =	shalt  }
0x6b: {  	_ =	shalt  }
0x6c: {  	_ =	shalt  }
0x6d: {  	_ =	shalt  }
0x6e: {  	_ =	shalt  }
0x6f: {  	_ =	shalt  }
0x70: {  	_ =	shalt  }
0x71: {  	_ =	shalt  }
0x72: {  	_ =	shalt  }
0x73: {  	_ =	shalt  }
0x74: {  	_ =	shalt  }
0x75: {  	_ =	shalt  }
0x76: {  	_ =	shalt  }
0x77: {  	_ =	shalt  }
0x78: {  	_ =	shalt  }
0x79: {  	_ =	shalt  }
0x7a: {  	_ =	shalt  }
0x7b: {  	_ =	shalt  }
0x7c: {  	_ =	shalt  }
0x7d: {  	_ =	shalt  }
0x7e: {  	_ =	shalt  }
0x7f: {  	_ =	shalt  }
0x80: {  	_ =	shalt  }
0x81: {  	_ =	shalt  }
0x82: {  	_ =	shalt  }
0x83: {  	_ =	shalt  }
0x84: {  	_ =	shalt  }
0x85: {  	_ =	shalt  }
0x86: {  	_ =	shalt  }
0x87: {  	_ =	shalt  }
.Lfunc_end0:
.L_simem_size_0:
called_computation_lowered:
.L_overlay_start_0:
0x88: {  	s2 =	sld [smem:$0x3FD9]  }
0x89: {  	s3 =	sld [smem:$0x3FFE];
	_ =	sdelay $0x1  }
0x8a: {  	s1 =	srdreg.scid  }
0x8b: {  	s0 =	sand.u32 $0x1, s1  }
0x8c: {  	s16 =	sshll.u32 s0, $0xA;
	s2 =	sadd.s32 s3, s2  }
0x8d: {  	s2 =	sadd.s32 s2, s16  }
0x8e: {  	[smem:$0x3FBB] =	sst s2  }
0x8f: {  	_ = 	snop  }
0x90: {  	(tm) =	ssettm $0x1  }
0x91: {  	s17 =	sld [smem:$0x3FFB];
	_ =	sdelay $0x3  }
0x92: {  	_ =	strace s17  }
0x93: {  	s2 =	sld [smem:$0x3FFC];
	_ =	sdelay $0x3  }
0x94: {  	_ =	strace s2  }
0x95: {  	s2 =	sld [smem:$0x3FFD];
	_ =	sdelay $0x3  }
0x96: {  	_ =	strace s2  }
0x97: {  	_ =	strace $0x8FFFFFFF  }
0x98: {  	s18 =	sld [smem:$0x3FDB];
	_ =	sdelay $0x1  }
0x99: {  	s19 =	simm.s32 $_scs_section_size  }
0x9a: {  	s4 =	simm.s32 $_size__tile_overlayer_lowered;
	s5 =	simm.s32 $_tile_overlayer_lowered  }
0x9b: {  	s22 =	simm.s32 $0x1BFF;
	s21 =	sshll.u32 s5, $0x1;
	s2 =	sadd.s32 s19, s18  }
0x9c: {  	s6 =	simm.s32 $0x0;
	s20 =	sshll.u32 s4, $0x1;
	s4 =	sadd.s32 s21, s2  }
0x9d: {  	[timem:s6], [sflag:s22] =	dma.local [hbm:s4], s20  }
0x9e: {  	_ =	swait.ge [sflag:s22], s20  }
0x9f: {  	s3 =	ssub.s32 $0x0, s20;
	[sflag:s22] =	ssyncset.done $0x0  }
0xa0: {  	[sflag:s22] =	ssyncadd.s32 s3;
	_ =	sdelay $0x1  }
0xa1: {  	s23 =	simm.s32 $0x1B8B  }
0xa2: {  	_ =	swait.ge [sflag:s23], $0x1  }
0xa3: {  	[sflag:s23] =	ssyncset.done $0x0  }
0xa4: {  	s25 =	simm.s32 $0x1B8E;
	s24 =	sld [smem:$0x3FFE];
	[sflag:s23] =	ssyncadd.s32 $0xFFFFFFFF  }
0xa5: {  	s26 =	simm.s32 $execute0_lowered;
	[smem:$0x3FD2] =	sst s25  }
0xa6: {  	s4 =	sshll.u32 s26, $0x1;
	_ =	strace $0x80000046;
	[dreg:$0x1] =	wrdreg $0xFFFFFFFF  }
0xa7: {  	s28 =	simm.s32 $_size_execute0_lowered;
	s2 =	sadd.s32 s2, s4;
	[dreg:$0x0] =	wrdreg $0x0  }
0xa8: {  	s4 =	sshll.u32 s28, $0x1;
	[dreg:$0x2] =	wrdreg s2  }
0xa9: {  	[dreg:$0x3] =	wrdreg s4  }
0xaa: {  	[dreg:$0x4] =	wrdreg $0xC0  }
0xab: {  	_ =	task [dreg:s6], $0x5FFFF  }
0xac: {  	[dreg:$0x1] =	wrdreg $0xFFFFFFFF  }
0xad: {  	[dreg:$0x0] =	wrdreg $0x60  }
0xae: {  	[dreg:$0x2] =	wrdreg s24  }
0xaf: {  	[dreg:$0x3] =	wrdreg $0xA4000  }
0xb0: {  	[dreg:$0x4] =	wrdreg $0x9  }
0xb1: {  	_ =	task.clear_ibuf [dreg:s6], $0x5FFFF;
	_ =	strace $0x90000046  }
0xb2: {  	s29 =	simm.s32 $0x9;
	_ =	strace $0x80000048  }
0xb3: {  	_ =	swait.ge [sflag:s29], $0x1  }
0xb4: {  	[sflag:s29] =	ssyncadd.s32 $0xFFFFFFFF  }
0xb5: {  	_ =	strace $0x90000048  }
0xb6: {  	_ =	sfence  }
0xb7: {  	s30 =	sld [smem:$0x0];
	_ =	sdelay $0x2  }
0xb8: {  	s31 =	sshll.u32 s1, $0xD;
	s1 =	sshrl.u32 s1, $0x2  }
0xb9: {  	s3 =	sand.u32 $0x4000, s31;
	s1 =	sadd.s32 s1, s30  }
0xba: {  	s0 =	sor.u32 s3, s0;
	s1 =	sshll.u32 s1, $0x11  }
0xbb: {  	s0 =	sor.u32 s1, s0  }
0xbc: {  	s0 =	sadd.s32 $0x8F2B, s0  }
0xbd: {  	[sflag:s0] =	ssyncadd.remote.s32 $0x1  }
0xbe: {  	_ =	sfence.sel $0xFFFF  }
0xbf: {  	[dreg:$0x0] =	wrdreg $0xFFFFFFFF;
	(pc) =	sbr.abs _section_cstart, $3  }
0xc0: {  	[dreg:$0x1] =	wrdreg $0xFFFFFFFF  }
0xc1: {  	_ =	task.clear_ibuf [dreg:s6], $0x2FFFF;
	_ =	strace $0x9FFFFFFF  }
0xc2: {  	(tm) =	ssettm $0x7FFFFFFF  }
0xc3: {  	_ =	shalt  }
tec
execute0_lowered:
.L_overlay_start_1:
0x0: {  	(tag) =	ssettag $0x1  }
0x1: {  	s0 =	rddreg [dreg:$0x0]  }
0x2: {  	s1 =	rddreg [dreg:$0x1];
	s3 =	simm.s32 $0x0  }
0x3: {  	s2 =	srdreg.scid;
	s16 =	stileid.u32;
	s28 =	simm.s32 $0xD  }
0x4: {  	s29 =	simm.s32 $0x100;
	s30 =	simm.s32 $0x200;
	s31 =	simm.s32 $0x300  }
0x5: {  	[smem:$0x7FF] =	sst s3;
	s5 =	sand.u32 $0x1, s2;
	s6 =	smul.u32 $0x50000, s16  }
0x6: {  	s4 =	sadd.s32 $0x42400, s0;
	s8 =	smul.u32 $0x14000, s16;
	s2 =	sadd.s32 $0x2400, s0  }
0x7: {  	s9 =	sadd.s32 $0x90600, s0;
	s16 =	sshll.u32 s16, $0x10;
	_ =	strace $0x80000047  }
0x8: {  	s7 =	ssub.s32 $0x2, s5;
	s15 =	sshll.u32 s5, $0x14;
	s5 =	smul.u32 $0x140000, s5  }
0x9: {  	s23 =	sshrl.u32 s7, $0x1;
	s6 =	sshrl.u32 s6, $0x2;
	s24 =	sor.u32 $0x2800, s8  }
0xa: {  	s26 =	sadd.s32 $0x5000, s8;
	s18 =	sadd.s32 $0x7800, s8;
	s11 =	sadd.s32 $0xA000, s8  }
0xb: {  	s20 =	sadd.s32 $0xC800, s8;
	s21 =	sadd.s32 $0xF000, s8;
	s6 =	sadd.s32 s6, s1  }
0xc: {  	s14 =	sadd.s32 $0x11800, s8;
	s25 =	sadd.s32 s24, s1;
	[dreg:$0x7] =	wrdreg s6  }
0xd: {  	s15 =	sor.u32 s16, s15;
	s10 =	sadd.s32 s26, s1;
	[dreg:$0x8] =	wrdreg s25  }
0xe: {  	s0 =	ssub.s32 s7, s23;
	s12 =	sadd.s32 s18, s1;
	[dreg:$0x9] =	wrdreg s10  }
0xf: {  	s19 =	sadd.s32 s11, s1;
	s13 =	sadd.s32 s20, s1;
	[dreg:$0xa] =	wrdreg s12  }
0x10: {  	s17 =	sadd.s32 s21, s1;
	s22 =	sadd.s32 s14, s1;
	[dreg:$0xb] =	wrdreg s19  }
0x11: {  	s8 =	sadd.s32 s8, s5;
	s7 =	sadd.s32 s5, s24;
	[dreg:$0xc] =	wrdreg s13  }
0x12: {  	s23 =	sadd.s32 s5, s18;
	s24 =	sadd.s32 s5, s11;
	[dreg:$0xd] =	wrdreg s17  }
0x13: {  	[dreg:$0xe] =	wrdreg s22;
	s6 =	sadd.s32 s5, s26;
	s8 =	sshrl.u32 s8, $0x3  }
0x14: {  	s7 =	sshrl.u32 s7, $0x3;
	s25 =	sadd.s32 s5, s20;
	s26 =	sadd.s32 s5, s21  }
0x15: {  	s5 =	sadd.s32 s5, s14;
	s12 =	sor.u32 $0x700, s15;
	s17 =	sor.u32 $0x600, s15  }
0x16: {  	s19 =	sor.u32 $0x500, s15;
	s20 =	sshrl.u32 s15, $0x3;
	s21 =	sor.u32 $0x400, s15  }
0x17: {  	s0 =	smax.u32 s0, $0x1;
	s15 =	simm.s32 $0x5;
	s6 =	sshrl.u32 s6, $0x3  }
0x18: {  	s8 =	sadd.s32 s9, s8;
	s7 =	sadd.s32 s9, s7;
	s11 =	sshrl.u32 s12, $0x3  }
0x19: {  	s16 =	sshrl.u32 s25, $0x3;
	s18 =	sshrl.u32 s26, $0x3;
	[dreg:$0x1b] =	wrdreg s0  }
0x1a: {  	s5 =	sshrl.u32 s5, $0x3;
	s22 =	sadd.s32 s2, s20;
	[dreg:$0xf] =	wrdreg s8  }
0x1b: {  	s0 =	simm.s32 $0x1;
	s20 =	simm.s32 $0x180;
	[dreg:$0x10] =	wrdreg s7  }
0x1c: {  	s6 =	sadd.s32 s9, s6;
	s7 =	sshrl.u32 s24, $0x3;
	s14 =	sadd.s32 s11, s2  }
0x1d: {  	s5 =	sadd.s32 s9, s5;
	s24 =	sadd.s32 $0x20, s22;
	[dreg:$0x17] =	wrdreg s22  }
0x1e: {  	s25 =	sadd.s32 $0x40, s22;
	s26 =	sadd.s32 $0x60, s22;
	[dreg:$0x11] =	wrdreg s6  }
0x1f: {  	s22 =	simm.s32 $0x4;
	s8 =	simm.s32 $0xB;
	[dreg:$0x3] =	wrdreg s14  }
0x20: {  	s11 =	simm.s32 $0x0;
	s6 =	sshrl.u32 s23, $0x3;
	[dreg:$0x16] =	wrdreg s5  }
0x21: {  	s13 =	sadd.s32 s9, s7;
	s7 =	sadd.s32 s9, s16;
	[dreg:$0x18] =	wrdreg s24  }
0x22: {  	s5 =	sshrl.u32 s19, $0x3;
	s23 =	sshrl.u32 s21, $0x3;
	[dreg:$0x19] =	wrdreg s25  }
0x23: {  	[dreg:$0x1a] =	wrdreg s26;
	s26 =	simm.s32 $0x400;
	s14 =	simm.s32 $0x2C00  }
0x24: {  	s16 =	simm.s32 $0x80;
	s19 =	simm.s32 $0x6;
	s24 =	simm.s32 $0x9  }
0x25: {  	s25 =	simm.s32 $0x7;
	s21 =	simm.s32 $0x280;
	[dreg:$0x13] =	wrdreg s13  }
0x26: {  	s6 =	sadd.s32 s9, s6;
	[dreg:$0x14] =	wrdreg s7;
	s7 =	sadd.s32 s9, s18  }
0x27: {  	s5 =	sadd.s32 s5, s2;
	s13 =	simm.s32 $0x2;
	[dreg:$0x12] =	wrdreg s6  }
0x28: {  	s18 =	simm.s32 $0x5400;
	s9 =	simm.s32 $0xC;
	[dreg:$0x15] =	wrdreg s7  }
0x29: {  	s6 =	sshrl.u32 s17, $0x3;
	[dreg:$0x5] =	wrdreg s5;
	s17 =	simm.s32 $0x3  }
0x2a: {  	s5 =	simm.s32 $0xA;
	s7 =	simm.s32 $0x380;
	s6 =	sadd.s32 s6, s2  }
0x2b: {  	s2 =	sadd.s32 s23, s2;
	s23 =	simm.s32 $0x7C00;
	[dreg:$0x4] =	wrdreg s6  }
0x2c: {  	v0 =	vimm.f32 $0.0e+00;
	[dreg:$0x6] =	wrdreg s2;
	s2 =	simm.s32 $0x50;
	s6 =	simm.s32 $0x8  }
.LBB2_1:
0x2d: {  	[dreg:$0x1c] =	wrdreg s11;
	s11 =	simm.s32 $0x0;
	s12 =	simm.s32 $0x200  }
.LBB2_2:
0x2e: {  	p0 =	sne.s32 s12, $0x9E00;
	[tilespmem:s11+$0x470] =	vst v0  }
0x2f: {  	[tilespmem:s11+$0x400] =	vst v0  }
0x30: {  	[tilespmem:s11+$0x410] =	vst v0  }
.Ltmp0:
0x31: {  	[tilespmem:s11+$0x420] =	vst v0;
	(pc) =	sbr.rel @p0 .LBB2_2-.Ltmp0, $4  }
0x32: {  	[tilespmem:s11+$0x430] =	vst v0  }
0x33: {  	[tilespmem:s11+$0x440] =	vst v0  }
0x34: {  	[tilespmem:s11+$0x450] =	vst v0  }
0x35: {  	[tilespmem:s11+$0x460] =	vst v0;
	s11 =	sshra.s32 s12, $0x2;
	s12 =	sadd.s32 $0x200, s12  }
0x36: {  	[tilespmem:s11+$0x470] =	vst v0  }
0x37: {  	[tilespmem:s11+$0x400] =	vst v0  }
0x38: {  	[tilespmem:s11+$0x410] =	vst v0  }
0x39: {  	[tilespmem:s11+$0x420] =	vst v0  }
0x3a: {  	[tilespmem:s11+$0x430] =	vst v0  }
0x3b: {  	[tilespmem:s11+$0x440] =	vst v0  }
0x3c: {  	[tilespmem:s11+$0x450] =	vst v0  }
0x3d: {  	[tilespmem:s11+$0x460] =	vst v0;
	s10 =	rddreg [dreg:$0x7]  }
0x3e: {  	[spmem:s10] =	stream.linear.scatter [tilespmem:s26], [sflag:$0xD], $0x2800, $0x38;
	[tilespmem:$0x1E400] =	vst v63  }
0x3f: {  	_ =	swait.ge [sflag:s28], $0x2800  }
0x40: {  	[sflag:s28] =	ssyncset.done $0x0  }
0x41: {  	s11 =	rddreg [dreg:$0x8];
	[sflag:s28] =	ssyncadd.s32 $0xFFFFD800  }
0x42: {  	[spmem:s11] =	stream.linear.scatter [tilespmem:s26], [sflag:$0xD], $0x2800, $0x38;
	[tilespmem:$0x1E400] =	vst v63  }
0x43: {  	_ =	swait.ge [sflag:s28], $0x2800  }
0x44: {  	[sflag:s28] =	ssyncset.done $0x0  }
0x45: {  	s12 =	rddreg [dreg:$0x9];
	[sflag:s28] =	ssyncadd.s32 $0xFFFFD800  }
0x46: {  	[spmem:s12] =	stream.linear.scatter [tilespmem:s26], [sflag:$0xD], $0x2800, $0x38;
	[tilespmem:$0x1E400] =	vst v63  }
0x47: {  	_ =	swait.ge [sflag:s28], $0x2800  }
0x48: {  	[sflag:s28] =	ssyncset.done $0x0  }
0x49: {  	s11 =	rddreg [dreg:$0xa];
	[sflag:s28] =	ssyncadd.s32 $0xFFFFD800  }
0x4a: {  	[spmem:s11] =	stream.linear.scatter [tilespmem:s26], [sflag:$0xD], $0x2800, $0x38;
	[tilespmem:$0x1E400] =	vst v63  }
0x4b: {  	_ =	swait.ge [sflag:s28], $0x2800  }
0x4c: {  	[sflag:s28] =	ssyncset.done $0x0  }
0x4d: {  	s12 =	rddreg [dreg:$0xb];
	[sflag:s28] =	ssyncadd.s32 $0xFFFFD800  }
0x4e: {  	[spmem:s12] =	stream.linear.scatter [tilespmem:s26], [sflag:$0xD], $0x2800, $0x38;
	[tilespmem:$0x1E400] =	vst v63  }
0x4f: {  	_ =	swait.ge [sflag:s28], $0x2800  }
0x50: {  	[sflag:s28] =	ssyncset.done $0x0  }
0x51: {  	s11 =	rddreg [dreg:$0xc];
	[sflag:s28] =	ssyncadd.s32 $0xFFFFD800  }
0x52: {  	[spmem:s11] =	stream.linear.scatter [tilespmem:s26], [sflag:$0xD], $0x2800, $0x38;
	[tilespmem:$0x1E400] =	vst v63  }
0x53: {  	_ =	swait.ge [sflag:s28], $0x2800  }
0x54: {  	[sflag:s28] =	ssyncset.done $0x0  }
0x55: {  	s12 =	rddreg [dreg:$0xd];
	[sflag:s28] =	ssyncadd.s32 $0xFFFFD800  }
0x56: {  	[spmem:s12] =	stream.linear.scatter [tilespmem:s26], [sflag:$0xD], $0x2800, $0x38;
	[tilespmem:$0x1E400] =	vst v63  }
0x57: {  	_ =	swait.ge [sflag:s28], $0x2800  }
0x58: {  	[sflag:s28] =	ssyncset.done $0x0  }
0x59: {  	s11 =	rddreg [dreg:$0xe];
	[sflag:s28] =	ssyncadd.s32 $0xFFFFD800  }
0x5a: {  	[spmem:s11] =	stream.linear.scatter [tilespmem:s26], [sflag:$0xD], $0x2800, $0x38;
	[tilespmem:$0x1E400] =	vst v63  }
0x5b: {  	_ =	swait.ge [sflag:s28], $0x2800  }
0x5c: {  	[sflag:s28] =	ssyncset.done $0x0  }
0x5d: {  	[sflag:s28] =	ssyncadd.s32 $0xFFFFD800  }
0x5e: {  	[bflag:$0x0] =	sbarrier.arrive $0xFFFF  }
0x5f: {  	s11 =	simm.s32 $0x0;
	s12 =	rddreg [dreg:$0x17]  }
0x60: {  	[tilespmem:s11], [sflag:$0x1] =	stream.linear.gather [hbm4b:s12+s11], $0x100, $0x38;
	[tilespmem:$0x1E400] =	vst v63  }
0x61: {  	s12 =	rddreg [dreg:$0x18]  }
0x62: {  	[tilespmem:s29], [sflag:$0x2] =	stream.linear.gather [hbm4b:s12+s11], $0x100, $0x38;
	[tilespmem:$0x1E400] =	vst v63  }
0x63: {  	s12 =	rddreg [dreg:$0x19]  }
0x64: {  	[tilespmem:s30], [sflag:$0x3] =	stream.linear.gather [hbm4b:s12+s11], $0x100, $0x38;
	[tilespmem:$0x1E400] =	vst v63  }
0x65: {  	s12 =	rddreg [dreg:$0x1a]  }
0x66: {  	[tilespmem:s31], [sflag:$0x4] =	stream.linear.gather [hbm4b:s12+s11], $0x100, $0x38;
	[tilespmem:$0x1E400] =	vst v63  }
0x67: {  	_ =	swait.ge [sflag:s0], $0x100  }
0x68: {  	[sflag:s0] =	ssyncset.done $0x0  }
0x69: {  	[sflag:s0] =	ssyncadd.s32 $0xFFFFFF00  }
0x6a: {  	[tilespmem:s26], [sflag:$0x5] =	stream.indirect.gather [hbm4b:s4+s2], $0x80, s11, s2, $0xb8;
	[tilespmem:$0x1E400] =	vst v63  }
0x6b: {  	_ =	swait.ge [sflag:s13], $0x100  }
0x6c: {  	[sflag:s13] =	ssyncset.done $0x0  }
0x6d: {  	[sflag:s13] =	ssyncadd.s32 $0xFFFFFF00  }
0x6e: {  	[tilespmem:s14], [sflag:$0x6] =	stream.indirect.gather [hbm4b:s4+s2], $0x80, s29, s2, $0xb8;
	[tilespmem:$0x1E400] =	vst v63  }
0x6f: {  	_ =	swait.ge [sflag:s15], $0x2800  }
0x70: {  	[sflag:s15] =	ssyncset.done $0x0  }
0x71: {  	[sflag:s15] =	ssyncadd.s32 $0xFFFFD800  }
0x72: {  	[spmem:s1] =	stream.indirect.scatter.add.f32 [tilespmem:s26], [sflag:$0x9], $0x80, s16, s2, $0xb8;
	[tilespmem:$0x1E400] =	vst v63  }
0x73: {  	_ =	swait.ge [sflag:s17], $0x100  }
0x74: {  	[sflag:s17] =	ssyncset.done $0x0  }
0x75: {  	[sflag:s17] =	ssyncadd.s32 $0xFFFFFF00  }
0x76: {  	[tilespmem:s18], [sflag:$0x7] =	stream.indirect.gather [hbm4b:s4+s2], $0x80, s30, s2, $0xb8;
	[tilespmem:$0x1E400] =	vst v63  }
0x77: {  	_ =	swait.ge [sflag:s19], $0x2800  }
0x78: {  	[sflag:s19] =	ssyncset.done $0x0  }
0x79: {  	[sflag:s19] =	ssyncadd.s32 $0xFFFFD800  }
0x7a: {  	[spmem:s1] =	stream.indirect.scatter.add.f32 [tilespmem:s14], [sflag:$0xA], $0x80, s20, s2, $0xb8;
	[tilespmem:$0x1E400] =	vst v63  }
0x7b: {  	_ =	swait.ge [sflag:s22], $0x100  }
0x7c: {  	[sflag:s22] =	ssyncset.done $0x0  }
0x7d: {  	[sflag:s22] =	ssyncadd.s32 $0xFFFFFF00  }
0x7e: {  	[tilespmem:s23], [sflag:$0x8] =	stream.indirect.gather [hbm4b:s4+s2], $0x80, s31, s2, $0xb8;
	[tilespmem:$0x1E400] =	vst v63  }
0x7f: {  	_ =	swait.ge [sflag:s24], $0x2800  }
0x80: {  	s10 =	rddreg [dreg:$0x6];
	[sflag:s24] =	ssyncset.done $0x0  }
0x81: {  	[sflag:s24] =	ssyncadd.s32 $0xFFFFD800;
	s11 =	sadd.s32 $0x0, s10  }
0x82: {  	[tilespmem:s3], [sflag:$0x1] =	stream.linear.gather [hbm4b:s11+s3], $0x100, $0x38;
	[tilespmem:$0x1E400] =	vst v63  }
0x83: {  	_ =	swait.ge [sflag:s25], $0x2800  }
0x84: {  	[sflag:s25] =	ssyncset.done $0x0  }
0x85: {  	[sflag:s25] =	ssyncadd.s32 $0xFFFFD800  }
0x86: {  	[spmem:s1] =	stream.indirect.scatter.add.f32 [tilespmem:s18], [sflag:$0xB], $0x80, s21, s2, $0xb8;
	[tilespmem:$0x1E400] =	vst v63  }
0x87: {  	_ =	swait.ge [sflag:s0], $0x100  }
0x88: {  	[sflag:s0] =	ssyncset.done $0x0  }
0x89: {  	[sflag:s0] =	ssyncadd.s32 $0xFFFFFF00  }
0x8a: {  	[tilespmem:s26], [sflag:$0x5] =	stream.indirect.gather [hbm4b:s4+s2], $0x80, s3, s2, $0xb8;
	[tilespmem:$0x1E400] =	vst v63  }
0x8b: {  	_ =	swait.ge [sflag:s5], $0x2800  }
0x8c: {  	s12 =	rddreg [dreg:$0x5];
	[sflag:s5] =	ssyncset.done $0x0  }
0x8d: {  	[sflag:s5] =	ssyncadd.s32 $0xFFFFD800;
	s11 =	sadd.s32 $0x0, s12  }
0x8e: {  	[tilespmem:s29], [sflag:$0x2] =	stream.linear.gather [hbm4b:s11+s3], $0x100, $0x38;
	[tilespmem:$0x1E400] =	vst v63  }
0x8f: {  	_ =	swait.ge [sflag:s6], $0x2800  }
0x90: {  	[sflag:s6] =	ssyncset.done $0x0  }
0x91: {  	[sflag:s6] =	ssyncadd.s32 $0xFFFFD800  }
0x92: {  	[spmem:s1] =	stream.indirect.scatter.add.f32 [tilespmem:s23], [sflag:$0xC], $0x80, s7, s2, $0xb8;
	[tilespmem:$0x1E400] =	vst v63  }
0x93: {  	_ =	swait.ge [sflag:s13], $0x100  }
0x94: {  	[sflag:s13] =	ssyncset.done $0x0  }
0x95: {  	[sflag:s13] =	ssyncadd.s32 $0xFFFFFF00  }
0x96: {  	[tilespmem:s14], [sflag:$0x6] =	stream.indirect.gather [hbm4b:s4+s2], $0x80, s29, s2, $0xb8;
	[tilespmem:$0x1E400] =	vst v63  }
0x97: {  	_ =	swait.ge [sflag:s8], $0x2800  }
0x98: {  	s10 =	rddreg [dreg:$0x4];
	[sflag:s8] =	ssyncset.done $0x0  }
0x99: {  	[sflag:s8] =	ssyncadd.s32 $0xFFFFD800;
	s11 =	sadd.s32 $0x0, s10  }
0x9a: {  	[tilespmem:s30], [sflag:$0x3] =	stream.linear.gather [hbm4b:s11+s3], $0x100, $0x38;
	[tilespmem:$0x1E400] =	vst v63  }
0x9b: {  	_ =	swait.ge [sflag:s15], $0x2800  }
0x9c: {  	[sflag:s15] =	ssyncset.done $0x0  }
0x9d: {  	[sflag:s15] =	ssyncadd.s32 $0xFFFFD800  }
0x9e: {  	[spmem:s1] =	stream.indirect.scatter.add.f32 [tilespmem:s26], [sflag:$0x9], $0x80, s16, s2, $0xb8;
	[tilespmem:$0x1E400] =	vst v63  }
0x9f: {  	_ =	swait.ge [sflag:s17], $0x100  }
0xa0: {  	[sflag:s17] =	ssyncset.done $0x0  }
0xa1: {  	[sflag:s17] =	ssyncadd.s32 $0xFFFFFF00  }
0xa2: {  	[tilespmem:s18], [sflag:$0x7] =	stream.indirect.gather [hbm4b:s4+s2], $0x80, s30, s2, $0xb8;
	[tilespmem:$0x1E400] =	vst v63  }
0xa3: {  	_ =	swait.ge [sflag:s9], $0x2800  }
0xa4: {  	s12 =	rddreg [dreg:$0x3];
	[sflag:s9] =	ssyncset.done $0x0  }
0xa5: {  	[sflag:s9] =	ssyncadd.s32 $0xFFFFD800;
	s11 =	sadd.s32 $0x0, s12  }
0xa6: {  	[tilespmem:s31], [sflag:$0x4] =	stream.linear.gather [hbm4b:s11+s3], $0x100, $0x38;
	[tilespmem:$0x1E400] =	vst v63  }
0xa7: {  	_ =	swait.ge [sflag:s19], $0x2800  }
0xa8: {  	[sflag:s19] =	ssyncset.done $0x0  }
0xa9: {  	[sflag:s19] =	ssyncadd.s32 $0xFFFFD800  }
0xaa: {  	[spmem:s1] =	stream.indirect.scatter.add.f32 [tilespmem:s14], [sflag:$0xA], $0x80, s20, s2, $0xb8;
	[tilespmem:$0x1E400] =	vst v63  }
0xab: {  	_ =	swait.ge [sflag:s22], $0x100  }
0xac: {  	[sflag:s22] =	ssyncset.done $0x0  }
0xad: {  	s11 =	simm.s32 $0x80;
	[sflag:s22] =	ssyncadd.s32 $0xFFFFFF00  }
.LBB2_4:
0xae: {  	[tilespmem:s23], [sflag:$0x8] =	stream.indirect.gather [hbm4b:s4+s2], $0x80, s31, s2, $0xb8;
	[tilespmem:$0x1E400] =	vst v63  }
0xaf: {  	_ =	swait.ge [sflag:s24], $0x2800  }
0xb0: {  	s12 =	smov.u32 s11;
	s10 =	rddreg [dreg:$0x6];
	[sflag:s24] =	ssyncset.done $0x0  }
0xb1: {  	[sflag:s24] =	ssyncadd.s32 $0xFFFFD800;
	s10 =	sadd.s32 s12, s10  }
0xb2: {  	[tilespmem:s3], [sflag:$0x1] =	stream.linear.gather [hbm4b:s10+s3], $0x100, $0x38;
	[tilespmem:$0x1E400] =	vst v63  }
0xb3: {  	_ =	swait.ge [sflag:s25], $0x2800  }
0xb4: {  	[sflag:s25] =	ssyncset.done $0x0  }
0xb5: {  	[sflag:s25] =	ssyncadd.s32 $0xFFFFD800  }
0xb6: {  	[spmem:s1] =	stream.indirect.scatter.add.f32 [tilespmem:s18], [sflag:$0xB], $0x80, s21, s2, $0xb8;
	[tilespmem:$0x1E400] =	vst v63  }
0xb7: {  	_ =	swait.ge [sflag:s0], $0x100  }
0xb8: {  	[sflag:s0] =	ssyncset.done $0x0  }
0xb9: {  	[sflag:s0] =	ssyncadd.s32 $0xFFFFFF00  }
0xba: {  	[tilespmem:s26], [sflag:$0x5] =	stream.indirect.gather [hbm4b:s4+s2], $0x80, s3, s2, $0xb8;
	[tilespmem:$0x1E400] =	vst v63  }
0xbb: {  	_ =	swait.ge [sflag:s5], $0x2800  }
0xbc: {  	s10 =	rddreg [dreg:$0x5];
	[sflag:s5] =	ssyncset.done $0x0  }
0xbd: {  	[sflag:s5] =	ssyncadd.s32 $0xFFFFD800;
	s10 =	sadd.s32 s12, s10  }
0xbe: {  	[tilespmem:s29], [sflag:$0x2] =	stream.linear.gather [hbm4b:s10+s3], $0x100, $0x38;
	[tilespmem:$0x1E400] =	vst v63  }
0xbf: {  	_ =	swait.ge [sflag:s6], $0x2800  }
0xc0: {  	[sflag:s6] =	ssyncset.done $0x0  }
0xc1: {  	[sflag:s6] =	ssyncadd.s32 $0xFFFFD800  }
0xc2: {  	[spmem:s1] =	stream.indirect.scatter.add.f32 [tilespmem:s23], [sflag:$0xC], $0x80, s7, s2, $0xb8;
	[tilespmem:$0x1E400] =	vst v63  }
0xc3: {  	_ =	swait.ge [sflag:s13], $0x100  }
0xc4: {  	[sflag:s13] =	ssyncset.done $0x0  }
0xc5: {  	[sflag:s13] =	ssyncadd.s32 $0xFFFFFF00  }
0xc6: {  	[tilespmem:s14], [sflag:$0x6] =	stream.indirect.gather [hbm4b:s4+s2], $0x80, s29, s2, $0xb8;
	[tilespmem:$0x1E400] =	vst v63  }
0xc7: {  	_ =	swait.ge [sflag:s8], $0x2800  }
0xc8: {  	s10 =	rddreg [dreg:$0x4];
	[sflag:s8] =	ssyncset.done $0x0  }
0xc9: {  	[sflag:s8] =	ssyncadd.s32 $0xFFFFD800;
	s10 =	sadd.s32 s12, s10  }
0xca: {  	[tilespmem:s30], [sflag:$0x3] =	stream.linear.gather [hbm4b:s10+s3], $0x100, $0x38;
	[tilespmem:$0x1E400] =	vst v63  }
0xcb: {  	_ =	swait.ge [sflag:s15], $0x2800  }
0xcc: {  	[sflag:s15] =	ssyncset.done $0x0  }
0xcd: {  	[sflag:s15] =	ssyncadd.s32 $0xFFFFD800  }
0xce: {  	[spmem:s1] =	stream.indirect.scatter.add.f32 [tilespmem:s26], [sflag:$0x9], $0x80, s16, s2, $0xb8;
	[tilespmem:$0x1E400] =	vst v63  }
0xcf: {  	_ =	swait.ge [sflag:s17], $0x100  }
0xd0: {  	[sflag:s17] =	ssyncset.done $0x0  }
0xd1: {  	[sflag:s17] =	ssyncadd.s32 $0xFFFFFF00  }
0xd2: {  	[tilespmem:s18], [sflag:$0x7] =	stream.indirect.gather [hbm4b:s4+s2], $0x80, s30, s2, $0xb8;
	[tilespmem:$0x1E400] =	vst v63  }
0xd3: {  	_ =	swait.ge [sflag:s9], $0x2800  }
0xd4: {  	s10 =	rddreg [dreg:$0x3];
	[sflag:s9] =	ssyncset.done $0x0  }
0xd5: {  	[sflag:s9] =	ssyncadd.s32 $0xFFFFD800;
	s10 =	sadd.s32 s12, s10  }
0xd6: {  	[tilespmem:s31], [sflag:$0x4] =	stream.linear.gather [hbm4b:s10+s3], $0x100, $0x38;
	[tilespmem:$0x1E400] =	vst v63  }
0xd7: {  	_ =	swait.ge [sflag:s19], $0x2800  }
0xd8: {  	p0 =	sne.s32 s11, $0x1F00;
	[sflag:s19] =	ssyncset.done $0x0  }
.Ltmp1:
0xd9: {  	[sflag:s19] =	ssyncadd.s32 $0xFFFFD800;
	(pc) =	sbr.rel @p0 .LBB2_4-.Ltmp1, $4  }
0xda: {  	[spmem:s1] =	stream.indirect.scatter.add.f32 [tilespmem:s14], [sflag:$0xA], $0x80, s20, s2, $0xb8;
	[tilespmem:$0x1E400] =	vst v63  }
0xdb: {  	_ =	swait.ge [sflag:s22], $0x100  }
0xdc: {  	[sflag:s22] =	ssyncset.done $0x0  }
0xdd: {  	s11 =	sadd.s32 $0x80, s11;
	[sflag:s22] =	ssyncadd.s32 $0xFFFFFF00  }
0xde: {  	[tilespmem:s23], [sflag:$0x8] =	stream.indirect.gather [hbm4b:s4+s2], $0x80, s31, s2, $0xb8;
	[tilespmem:$0x1E400] =	vst v63  }
0xdf: {  	_ =	swait.ge [sflag:s24], $0x2800  }
0xe0: {  	[sflag:s24] =	ssyncset.done $0x0  }
0xe1: {  	[sflag:s24] =	ssyncadd.s32 $0xFFFFD800  }
0xe2: {  	_ =	swait.ge [sflag:s25], $0x2800  }
0xe3: {  	[sflag:s25] =	ssyncset.done $0x0  }
0xe4: {  	[sflag:s25] =	ssyncadd.s32 $0xFFFFD800  }
0xe5: {  	[spmem:s1] =	stream.indirect.scatter.add.f32 [tilespmem:s18], [sflag:$0xB], $0x80, s21, s2, $0xb8;
	[tilespmem:$0x1E400] =	vst v63  }
0xe6: {  	_ =	swait.ge [sflag:s5], $0x2800  }
0xe7: {  	[sflag:s5] =	ssyncset.done $0x0  }
0xe8: {  	[sflag:s5] =	ssyncadd.s32 $0xFFFFD800  }
0xe9: {  	_ =	swait.ge [sflag:s6], $0x2800  }
0xea: {  	[sflag:s6] =	ssyncset.done $0x0  }
0xeb: {  	[sflag:s6] =	ssyncadd.s32 $0xFFFFD800  }
0xec: {  	[spmem:s1] =	stream.indirect.scatter.add.f32 [tilespmem:s23], [sflag:$0xC], $0x80, s7, s2, $0xb8;
	[tilespmem:$0x1E400] =	vst v63  }
0xed: {  	_ =	swait.ge [sflag:s8], $0x2800  }
0xee: {  	[sflag:s8] =	ssyncset.done $0x0  }
0xef: {  	[sflag:s8] =	ssyncadd.s32 $0xFFFFD800  }
0xf0: {  	_ =	swait.ge [sflag:s9], $0x2800  }
0xf1: {  	[sflag:s9] =	ssyncset.done $0x0  }
0xf2: {  	[sflag:s9] =	ssyncadd.s32 $0xFFFFD800  }
0xf3: {  	[bflag:$0x0] =	sbarrier.arrive $0xFFFF  }
0xf4: {  	s10 =	rddreg [dreg:$0x7]  }
0xf5: {  	[tilespmem:s26], [sflag:$0xD] =	stream.linear.gather [spmem:s10], $0x2800, $0x38;
	[tilespmem:$0x1E400] =	vst v63  }
0xf6: {  	_ =	swait.ge [sflag:s28], $0x2800  }
0xf7: {  	[sflag:s28] =	ssyncset.done $0x0  }
0xf8: {  	s11 =	rddreg [dreg:$0xf];
	[sflag:s28] =	ssyncadd.s32 $0xFFFFD800  }
0xf9: {  	[hbm4b:s11+s3] =	stream.linear.scatter [tilespmem:s26], [sflag:$0xD], $0x2800, $0x38;
	[tilespmem:$0x1E400] =	vst v63  }
0xfa: {  	_ =	swait.ge [sflag:s28], $0x2800  }
0xfb: {  	[sflag:s28] =	ssyncset.done $0x0  }
0xfc: {  	s12 =	rddreg [dreg:$0x8];
	[sflag:s28] =	ssyncadd.s32 $0xFFFFD800  }
0xfd: {  	[tilespmem:s26], [sflag:$0xD] =	stream.linear.gather [spmem:s12], $0x2800, $0x38;
	[tilespmem:$0x1E400] =	vst v63  }
0xfe: {  	_ =	swait.ge [sflag:s28], $0x2800  }
0xff: {  	[sflag:s28] =	ssyncset.done $0x0  }
0x100: {  	s11 =	rddreg [dreg:$0x10];
	[sflag:s28] =	ssyncadd.s32 $0xFFFFD800  }
0x101: {  	[hbm4b:s11+s3] =	stream.linear.scatter [tilespmem:s26], [sflag:$0xD], $0x2800, $0x38;
	[tilespmem:$0x1E400] =	vst v63  }
0x102: {  	_ =	swait.ge [sflag:s28], $0x2800  }
0x103: {  	[sflag:s28] =	ssyncset.done $0x0  }
0x104: {  	s12 =	rddreg [dreg:$0x9];
	[sflag:s28] =	ssyncadd.s32 $0xFFFFD800  }
0x105: {  	[tilespmem:s26], [sflag:$0xD] =	stream.linear.gather [spmem:s12], $0x2800, $0x38;
	[tilespmem:$0x1E400] =	vst v63  }
0x106: {  	_ =	swait.ge [sflag:s28], $0x2800  }
0x107: {  	[sflag:s28] =	ssyncset.done $0x0  }
0x108: {  	s11 =	rddreg [dreg:$0x11];
	[sflag:s28] =	ssyncadd.s32 $0xFFFFD800  }
0x109: {  	[hbm4b:s11+s3] =	stream.linear.scatter [tilespmem:s26], [sflag:$0xD], $0x2800, $0x38;
	[tilespmem:$0x1E400] =	vst v63  }
0x10a: {  	_ =	swait.ge [sflag:s28], $0x2800  }
0x10b: {  	[sflag:s28] =	ssyncset.done $0x0  }
0x10c: {  	s12 =	rddreg [dreg:$0xa];
	[sflag:s28] =	ssyncadd.s32 $0xFFFFD800  }
0x10d: {  	[tilespmem:s26], [sflag:$0xD] =	stream.linear.gather [spmem:s12], $0x2800, $0x38;
	[tilespmem:$0x1E400] =	vst v63  }
0x10e: {  	_ =	swait.ge [sflag:s28], $0x2800  }
0x10f: {  	[sflag:s28] =	ssyncset.done $0x0  }
0x110: {  	s11 =	rddreg [dreg:$0x12];
	[sflag:s28] =	ssyncadd.s32 $0xFFFFD800  }
0x111: {  	[hbm4b:s11+s3] =	stream.linear.scatter [tilespmem:s26], [sflag:$0xD], $0x2800, $0x38;
	[tilespmem:$0x1E400] =	vst v63  }
0x112: {  	_ =	swait.ge [sflag:s28], $0x2800  }
0x113: {  	[sflag:s28] =	ssyncset.done $0x0  }
0x114: {  	s12 =	rddreg [dreg:$0xb];
	[sflag:s28] =	ssyncadd.s32 $0xFFFFD800  }
0x115: {  	[tilespmem:s26], [sflag:$0xD] =	stream.linear.gather [spmem:s12], $0x2800, $0x38;
	[tilespmem:$0x1E400] =	vst v63  }
0x116: {  	_ =	swait.ge [sflag:s28], $0x2800  }
0x117: {  	[sflag:s28] =	ssyncset.done $0x0  }
0x118: {  	s11 =	rddreg [dreg:$0x13];
	[sflag:s28] =	ssyncadd.s32 $0xFFFFD800  }
0x119: {  	[hbm4b:s11+s3] =	stream.linear.scatter [tilespmem:s26], [sflag:$0xD], $0x2800, $0x38;
	[tilespmem:$0x1E400] =	vst v63  }
0x11a: {  	_ =	swait.ge [sflag:s28], $0x2800  }
0x11b: {  	[sflag:s28] =	ssyncset.done $0x0  }
0x11c: {  	s12 =	rddreg [dreg:$0xc];
	[sflag:s28] =	ssyncadd.s32 $0xFFFFD800  }
0x11d: {  	[tilespmem:s26], [sflag:$0xD] =	stream.linear.gather [spmem:s12], $0x2800, $0x38;
	[tilespmem:$0x1E400] =	vst v63  }
0x11e: {  	_ =	swait.ge [sflag:s28], $0x2800  }
0x11f: {  	[sflag:s28] =	ssyncset.done $0x0  }
0x120: {  	s11 =	rddreg [dreg:$0x14];
	[sflag:s28] =	ssyncadd.s32 $0xFFFFD800  }
0x121: {  	[hbm4b:s11+s3] =	stream.linear.scatter [tilespmem:s26], [sflag:$0xD], $0x2800, $0x38;
	[tilespmem:$0x1E400] =	vst v63  }
0x122: {  	_ =	swait.ge [sflag:s28], $0x2800  }
0x123: {  	[sflag:s28] =	ssyncset.done $0x0  }
0x124: {  	s12 =	rddreg [dreg:$0xd];
	[sflag:s28] =	ssyncadd.s32 $0xFFFFD800  }
0x125: {  	[tilespmem:s26], [sflag:$0xD] =	stream.linear.gather [spmem:s12], $0x2800, $0x38;
	[tilespmem:$0x1E400] =	vst v63  }
0x126: {  	_ =	swait.ge [sflag:s28], $0x2800  }
0x127: {  	[sflag:s28] =	ssyncset.done $0x0  }
0x128: {  	s11 =	rddreg [dreg:$0x15];
	[sflag:s28] =	ssyncadd.s32 $0xFFFFD800  }
0x129: {  	[hbm4b:s11+s3] =	stream.linear.scatter [tilespmem:s26], [sflag:$0xD], $0x2800, $0x38;
	[tilespmem:$0x1E400] =	vst v63  }
0x12a: {  	_ =	swait.ge [sflag:s28], $0x2800  }
0x12b: {  	[sflag:s28] =	ssyncset.done $0x0  }
0x12c: {  	s12 =	rddreg [dreg:$0xe];
	[sflag:s28] =	ssyncadd.s32 $0xFFFFD800  }
0x12d: {  	[tilespmem:s26], [sflag:$0xD] =	stream.linear.gather [spmem:s12], $0x2800, $0x38;
	[tilespmem:$0x1E400] =	vst v63  }
0x12e: {  	_ =	swait.ge [sflag:s28], $0x2800  }
0x12f: {  	[sflag:s28] =	ssyncset.done $0x0  }
0x130: {  	s11 =	rddreg [dreg:$0x16];
	[sflag:s28] =	ssyncadd.s32 $0xFFFFD800  }
0x131: {  	[hbm4b:s11+s3] =	stream.linear.scatter [tilespmem:s26], [sflag:$0xD], $0x2800, $0x38;
	[tilespmem:$0x1E400] =	vst v63  }
0x132: {  	_ =	swait.ge [sflag:s28], $0x2800  }
0x133: {  	s11 =	rddreg [dreg:$0x1c]  }
0x134: {  	s12 =	rddreg [dreg:$0x1b];
	s11 =	sadd.s32 $0x1, s11  }
0x135: {  	p0 =	sne.s32 s11, s12  }
.Ltmp2:
0x136: {  	_ = 	snop;
	(pc) =	sbr.rel @p0 .LBB2_1-.Ltmp2, $3  }
0x137: {  	_ =	sdelay $0x1  }
0x138: {  	[sflag:s28] =	ssyncset.done $0x0  }
0x139: {  	[sflag:s28] =	ssyncadd.s32 $0xFFFFD800  }
0x13a: {  	_ =	sfence.sel $0x180000  }
0x13b: {  	[bflag:$0x0] =	sbarrier.arrive $0xFFFF  }
0x13c: {  	_ =	strace $0x90000047  }
0x13d: {  	s0 =	stileid.u32;
	[bflag:$0x2] =	sbarrier.arrive $0xFFFF  }
0x13e: {  	p0 =	sne.s32 s0, $0x0;
	s0 =	rddreg [dreg:$0x2]  }
0x13f: {  	s0 =	sadd.s32 @!p0 $0x100000, s0  }
0x140: {  	[sflag:s0] =	ssyncadd.tile.s32 @!p0 $0x1;
	_ =	shalt  }
.Lfunc_end2:
_tile_overlayer_lowered:
.L_overlay_start_2:
0x141: {  	(tag) =	ssettag $0x2  }
0x142: {  	s0 =	rddreg [dreg:$0x0];
	s2 =	stileid.u32  }
0x143: {  	s1 =	rddreg [dreg:$0x1];
	p0 =	sne.s32 s2, $0x0  }
0x144: {  	s3 =	rddreg [dreg:$0x2];
	[bflag:$0x3] =	sbarrier.arrive $0xFFFF;
	s2 =	simm.s32 @!p0 $0x1C0D  }
0x145: {  	[timem:s3], [sflag:s2] =	dma.local @!p0 [hbm:s0], s1  }
0x146: {  	s0 =	simm.s32 @!p0 $0xD  }
0x147: {  	_ =	swait.ge @!p0 [sflag:s0], s1  }
0x148: {  	s1 =	ssub.s32 @!p0 $0x0, s1;
	[sflag:s0] =	ssyncset.done @!p0 $0x0  }
0x149: {  	[sflag:s0] =	ssyncadd.s32 @!p0 s1  }
0x14a: {  	[bflag:$0x3] =	sbarrier.arrive $0xFFFF  }
0x14b: {  	_ =	shalt  }

</sc_bundles>
